<compile_context>
chip_gen: v7x
topology: tpu7x:2x2x1
jax: 0.10.2.dev20260603
libtpu: 0.0.44.dev20260713+nightly
codegen_flags: <defaults>
</compile_context>

<pallas_src>
import functools

import jax
import jax.numpy as jnp
from jax import lax
from jax.experimental import pallas as pl
from jax.experimental.pallas import tpu as pltpu
from jax.experimental.pallas import tpu_sc as plsc

NC = 2
NS = 16
NW = NC * NS
LANES = 16
CP = 16


def _table_matmul_body(a_ref, b_ref, o_ref):
    o_ref[...] = jnp.dot(a_ref[...], b_ref[...],
                         preferred_element_type=jnp.float32)


def _logsoftmax_body(a_ref, b_ref, o_ref):
    a = a_ref[...] + b_ref[...]
    m = jnp.max(a, axis=-1, keepdims=True)
    e = jnp.exp(a - m)
    s = jnp.sum(e, axis=-1, keepdims=True)
    o_ref[...] = a - m - jnp.log(s)


def _make_sc_lookup(B, L, V):
    bpw = B // NW
    groups = bpw // LANES
    tab_words = V * L * CP
    mesh = plsc.VectorSubcoreMesh(core_axis_name="c", subcore_axis_name="s",
                                  num_cores=NC, num_subcores=NS)

    @functools.partial(
        pl.kernel,
        out_type=jax.ShapeDtypeStruct((B * CP,), jnp.float32),
        mesh=mesh,
        scratch_types=[
            pltpu.VMEM((tab_words,), jnp.float32),
            pltpu.VMEM((bpw * L,), jnp.int32),
            pltpu.VMEM((bpw * CP,), jnp.float32),
        ],
        compiler_params=pltpu.CompilerParams(needs_layout_passes=False),
    )
    def sc_lookup(table_hbm, x_hbm, out_hbm, table_v, x_v, out_v):
        wid = lax.axis_index("s") * NC + lax.axis_index("c")
        pltpu.sync_copy(table_hbm, table_v)
        pltpu.sync_copy(x_hbm.at[pl.ds(wid * (bpw * L), bpw * L)], x_v)

        iota = lax.iota(jnp.int32, LANES)
        zeros = jnp.zeros((LANES,), jnp.float32)
        for g in range(groups):
            row_ids = g * LANES + iota
            x_base = row_ids * L
            o_base = row_ids * CP

            @plsc.parallel_loop(0, L, unroll=2,
                                carry=tuple(zeros for _ in range(10)))
            def accs(l, accs_in):
                xv = plsc.load_gather(x_v, [x_base + l])
                addr = xv * (L * CP) + l * CP
                return tuple(
                    accs_in[c] + plsc.load_gather(table_v, [addr + c])
                    for c in range(len(accs_in))
                )
            for c in range(10):
                plsc.store_scatter(out_v, [o_base + c], accs[c])
            for c in range(10, CP):
                plsc.store_scatter(out_v, [o_base + c], zeros)
        pltpu.sync_copy(out_v, out_hbm.at[pl.ds(wid * (bpw * CP), bpw * CP)])

    return sc_lookup


def kernel(x, emb, W, b):
    B, L = x.shape
    V, D = emb.shape
    C = W.shape[1]

    W_rp = jnp.pad(W.reshape(L, D, C).transpose(1, 0, 2),
                   ((0, 0), (0, 0), (0, CP - C))).reshape(D, L * CP)
    emb_pad = jnp.pad(emb, ((0, 8 - V), (0, 0)))

    T2 = pl.pallas_call(
        _table_matmul_body,
        out_shape=jax.ShapeDtypeStruct((8, L * CP), jnp.float32),
    )(emb_pad, W_rp)
    table = T2[:V].reshape(V * L * CP)

    logits = _make_sc_lookup(B, L, V)(
        table, x.astype(jnp.int32).reshape(B * L)).reshape(B, CP)

    b_pad = jnp.concatenate(
        [b, jnp.full((CP - C,), -1e30, jnp.float32)]).reshape(1, CP)
    out = pl.pallas_call(
        _logsoftmax_body,
        out_shape=jax.ShapeDtypeStruct((B, CP), jnp.float32),
    )(logits, b_pad)
    return out[:, :C]

# --- scband reference (transcript-rebuilt; emitter-appended) ---
"""Pipeline reference for scband-imdbmodel-26955214749744 (READ-ONLY COPY).

The authoritative reference and input builder live on the scoring server;
editing this copy changes nothing except your own understanding.
"""

import jax, jax.numpy as jnp
import numpy as np

BATCH = 4096
MAX_LEN = 200
VOCAB = 5
EMB_DIM = 300
N_CLASSES = 10


def setup_inputs(seed: int = 0) -> dict:
    key = jax.random.key(seed)
    k1, k2, k3 = jax.random.split(key, 3)
    x = jax.random.randint(k1, (BATCH, MAX_LEN), 0, VOCAB, dtype=jnp.int64 if jax.config.jax_enable_x64 else jnp.int32)
    emb = jax.random.normal(k2, (VOCAB, EMB_DIM), dtype=jnp.float32)
    # fc: Linear(max_len*300 -> 10); store weight as [in, out] for x @ W
    W = jax.random.normal(k3, (MAX_LEN * EMB_DIM, N_CLASSES), dtype=jnp.float32) * (1.0 / np.sqrt(MAX_LEN * EMB_DIM))
    b = jnp.zeros((N_CLASSES,), dtype=jnp.float32)
    return {"x": x, "emb": emb, "W": W, "b": b}


def reference(x, emb, W, b):
    # embedding lookup (gather)
    e = jnp.take(emb, x, axis=0)            # [B, L, 300]
    e = e.reshape(x.shape[0], -1)            # [B, L*300]
    out = e @ W + b                          # [B, 10]
    return jax.nn.log_softmax(out, axis=-1)

if __name__ == "__main__":
    import jax
    _d = setup_inputs()
    print(jax.jit(kernel)(*tuple(_d.values())))

</pallas_src>

<mosaic_0001>
#map = affine_map<(d0, d1) -> (0)>
module attributes {stable_mosaic.version = 14 : i64} {
  func.func @sc_lookup(%arg0: i32, %arg1: i32, %arg2: memref<16000xf32, #tpu.memory_space<hbm>>, %arg3: memref<819200xi32, #tpu.memory_space<hbm>>, %arg4: memref<65536xf32, #tpu.memory_space<hbm>>, %arg5: memref<16000xf32, #tpu.memory_space<vmem>>, %arg6: memref<25600xi32, #tpu.memory_space<vmem>>, %arg7: memref<2048xf32, #tpu.memory_space<vmem>>) attributes {dimension_semantics = [#tpu.dimension_semantics<core_parallel>, #tpu.dimension_semantics<subcore_parallel>], iteration_bounds = array<i64: 2, 16>, scalar_prefetch = 0 : i64, scratch_operands = 3 : i64, tpu.core_type = #tpu.core_type<sc_vector_subcore>, window_params = [{transform_indices = #map}, {transform_indices = #map}, {transform_indices = #map}]} {
    %mul3A = arith.constant 2 : i32
    %mul3A_0 = arith.muli %arg1, %mul3A : i32
    %add3A = arith.addi %mul3A_0, %arg0 : i32
    "tpu.region"() ({
      %run_scoped3A = tpu.sem_alloc : memref<!tpu.dma_semaphore, #tpu.memory_space<semaphore_mem>>
      tpu.enqueue_dma source(%arg2 : memref<16000xf32, #tpu.memory_space<hbm>>) target(%arg5 : memref<16000xf32, #tpu.memory_space<vmem>>) target_semaphore(%run_scoped3A : memref<!tpu.dma_semaphore, #tpu.memory_space<semaphore_mem>>)
      tpu.wait_dma2 semaphore(%run_scoped3A : memref<!tpu.dma_semaphore, #tpu.memory_space<semaphore_mem>>) src(%arg2 : memref<16000xf32, #tpu.memory_space<hbm>>) dst(%arg5 : memref<16000xf32, #tpu.memory_space<vmem>>)
      tpu.yield
    }) : () -> ()
    %mul3A_1 = arith.constant 25600 : i32
    %mul3A_2 = arith.muli %add3A, %mul3A_1 : i32
    "tpu.region"() ({
      %run_scoped3A = tpu.sem_alloc : memref<!tpu.dma_semaphore, #tpu.memory_space<semaphore_mem>>
      %dma_start3A = tpu.memref_slice %arg3[%mul3A_2] : memref<819200xi32, #tpu.memory_space<hbm>> -> memref<25600xi32, #tpu.memory_space<hbm>>
      %dma_start3A_493 = tpu.memref_slice %arg3[%mul3A_2] : memref<819200xi32, #tpu.memory_space<hbm>> -> memref<25600xi32, #tpu.memory_space<hbm>>
      tpu.enqueue_dma source(%dma_start3A_493 : memref<25600xi32, #tpu.memory_space<hbm>>) target(%arg6 : memref<25600xi32, #tpu.memory_space<vmem>>) target_semaphore(%run_scoped3A : memref<!tpu.dma_semaphore, #tpu.memory_space<semaphore_mem>>)
      %dma_wait3A = tpu.memref_slice %arg3[%mul3A_2] : memref<819200xi32, #tpu.memory_space<hbm>> -> memref<25600xi32, #tpu.memory_space<hbm>>
      %dma_wait3A_494 = tpu.memref_slice %arg3[%mul3A_2] : memref<819200xi32, #tpu.memory_space<hbm>> -> memref<25600xi32, #tpu.memory_space<hbm>>
      tpu.wait_dma2 semaphore(%run_scoped3A : memref<!tpu.dma_semaphore, #tpu.memory_space<semaphore_mem>>) src(%dma_wait3A_494 : memref<25600xi32, #tpu.memory_space<hbm>>) dst(%arg6 : memref<25600xi32, #tpu.memory_space<vmem>>)
      tpu.yield
    }) : () -> ()
    %iota3A = tpu.iota {dimensions = array<i32: 0>} : vector<16xi32>
    %broadcast_in_dim3A = arith.constant 0.000000e+00 : f32
    %broadcast_in_dim3A_3 = vector.broadcast %broadcast_in_dim3A : f32 to vector<16xf32>
    %add3A_4 = arith.constant 0 : i32
    %add3A_5 = vector.broadcast %add3A_4 : i32 to vector<16xi32>
    %add3A_6 = arith.addi %add3A_5, %iota3A : vector<16xi32>
    %mul3A_7 = arith.constant 200 : i32
    %mul3A_8 = vector.broadcast %mul3A_7 : i32 to vector<16xi32>
    %mul3A_9 = arith.muli %add3A_6, %mul3A_8 : vector<16xi32>
    %mul3A_10 = arith.constant 16 : i32
    %mul3A_11 = vector.broadcast %mul3A_10 : i32 to vector<16xi32>
    %mul3A_12 = arith.muli %add3A_6, %mul3A_11 : vector<16xi32>
    %parallel_loop3A = arith.constant 0 : i32
    %parallel_loop3A_13 = arith.constant 200 : i32
    %parallel_loop3A_14 = arith.constant 1 : i32
    %parallel_loop3A_15:10 = scf.for %parallel_loop3A_493 = %parallel_loop3A to %parallel_loop3A_13 step %parallel_loop3A_14 iter_args(%parallel_loop3A_494 = %broadcast_in_dim3A_3, %parallel_loop3A_495 = %broadcast_in_dim3A_3, %parallel_loop3A_496 = %broadcast_in_dim3A_3, %parallel_loop3A_497 = %broadcast_in_dim3A_3, %parallel_loop3A_498 = %broadcast_in_dim3A_3, %parallel_loop3A_499 = %broadcast_in_dim3A_3, %parallel_loop3A_500 = %broadcast_in_dim3A_3, %parallel_loop3A_501 = %broadcast_in_dim3A_3, %parallel_loop3A_502 = %broadcast_in_dim3A_3, %parallel_loop3A_503 = %broadcast_in_dim3A_3) -> (vector<16xf32>, vector<16xf32>, vector<16xf32>, vector<16xf32>, vector<16xf32>, vector<16xf32>, vector<16xf32>, vector<16xf32>, vector<16xf32>, vector<16xf32>)  : i32 {
      %parallel_loop3A_504 = vector.broadcast %parallel_loop3A_493 : i32 to vector<16xi32>
      %parallel_loop3A_505 = arith.addi %mul3A_9, %parallel_loop3A_504 : vector<16xi32>
      %parallel_loop3A_506 = tpu.vector_load_idx %arg6[%parallel_loop3A_505] : memref<25600xi32, #tpu.memory_space<vmem>>[vector<16xi32>], vector<16xi32>,
      %parallel_loop3A_507 = arith.constant 3200 : i32
      %parallel_loop3A_508 = vector.broadcast %parallel_loop3A_507 : i32 to vector<16xi32>
      %parallel_loop3A_509 = arith.muli %parallel_loop3A_506, %parallel_loop3A_508 : vector<16xi32>
      %parallel_loop3A_510 = arith.constant 16 : i32
      %parallel_loop3A_511 = arith.muli %parallel_loop3A_493, %parallel_loop3A_510 : i32
      %parallel_loop3A_512 = vector.broadcast %parallel_loop3A_511 : i32 to vector<16xi32>
      %parallel_loop3A_513 = arith.addi %parallel_loop3A_509, %parallel_loop3A_512 : vector<16xi32>
      %parallel_loop3A_514 = arith.constant 0 : i32
      %parallel_loop3A_515 = vector.broadcast %parallel_loop3A_514 : i32 to vector<16xi32>
      %parallel_loop3A_516 = arith.addi %parallel_loop3A_513, %parallel_loop3A_515 : vector<16xi32>
      %parallel_loop3A_517 = tpu.vector_load_idx %arg5[%parallel_loop3A_516] : memref<16000xf32, #tpu.memory_space<vmem>>[vector<16xi32>], vector<16xf32>,
      %parallel_loop3A_518 = arith.addf %parallel_loop3A_494, %parallel_loop3A_517 : vector<16xf32>
      %parallel_loop3A_519 = arith.constant 1 : i32
      %parallel_loop3A_520 = vector.broadcast %parallel_loop3A_519 : i32 to vector<16xi32>
      %parallel_loop3A_521 = arith.addi %parallel_loop3A_513, %parallel_loop3A_520 : vector<16xi32>
      %parallel_loop3A_522 = tpu.vector_load_idx %arg5[%parallel_loop3A_521] : memref<16000xf32, #tpu.memory_space<vmem>>[vector<16xi32>], vector<16xf32>,
      %parallel_loop3A_523 = arith.addf %parallel_loop3A_495, %parallel_loop3A_522 : vector<16xf32>
      %parallel_loop3A_524 = arith.constant 2 : i32
      %parallel_loop3A_525 = vector.broadcast %parallel_loop3A_524 : i32 to vector<16xi32>
      %parallel_loop3A_526 = arith.addi %parallel_loop3A_513, %parallel_loop3A_525 : vector<16xi32>
      %parallel_loop3A_527 = tpu.vector_load_idx %arg5[%parallel_loop3A_526] : memref<16000xf32, #tpu.memory_space<vmem>>[vector<16xi32>], vector<16xf32>,
      %parallel_loop3A_528 = arith.addf %parallel_loop3A_496, %parallel_loop3A_527 : vector<16xf32>
      %parallel_loop3A_529 = arith.constant 3 : i32
      %parallel_loop3A_530 = vector.broadcast %parallel_loop3A_529 : i32 to vector<16xi32>
      %parallel_loop3A_531 = arith.addi %parallel_loop3A_513, %parallel_loop3A_530 : vector<16xi32>
      %parallel_loop3A_532 = tpu.vector_load_idx %arg5[%parallel_loop3A_531] : memref<16000xf32, #tpu.memory_space<vmem>>[vector<16xi32>], vector<16xf32>,
      %parallel_loop3A_533 = arith.addf %parallel_loop3A_497, %parallel_loop3A_532 : vector<16xf32>
      %parallel_loop3A_534 = arith.constant 4 : i32
      %parallel_loop3A_535 = vector.broadcast %parallel_loop3A_534 : i32 to vector<16xi32>
      %parallel_loop3A_536 = arith.addi %parallel_loop3A_513, %parallel_loop3A_535 : vector<16xi32>
      %parallel_loop3A_537 = tpu.vector_load_idx %arg5[%parallel_loop3A_536] : memref<16000xf32, #tpu.memory_space<vmem>>[vector<16xi32>], vector<16xf32>,
      %parallel_loop3A_538 = arith.addf %parallel_loop3A_498, %parallel_loop3A_537 : vector<16xf32>
      %parallel_loop3A_539 = arith.constant 5 : i32
      %parallel_loop3A_540 = vector.broadcast %parallel_loop3A_539 : i32 to vector<16xi32>
      %parallel_loop3A_541 = arith.addi %parallel_loop3A_513, %parallel_loop3A_540 : vector<16xi32>
      %parallel_loop3A_542 = tpu.vector_load_idx %arg5[%parallel_loop3A_541] : memref<16000xf32, #tpu.memory_space<vmem>>[vector<16xi32>], vector<16xf32>,
      %parallel_loop3A_543 = arith.addf %parallel_loop3A_499, %parallel_loop3A_542 : vector<16xf32>
      %parallel_loop3A_544 = arith.constant 6 : i32
      %parallel_loop3A_545 = vector.broadcast %parallel_loop3A_544 : i32 to vector<16xi32>
      %parallel_loop3A_546 = arith.addi %parallel_loop3A_513, %parallel_loop3A_545 : vector<16xi32>
      %parallel_loop3A_547 = tpu.vector_load_idx %arg5[%parallel_loop3A_546] : memref<16000xf32, #tpu.memory_space<vmem>>[vector<16xi32>], vector<16xf32>,
      %parallel_loop3A_548 = arith.addf %parallel_loop3A_500, %parallel_loop3A_547 : vector<16xf32>
      %parallel_loop3A_549 = arith.constant 7 : i32
      %parallel_loop3A_550 = vector.broadcast %parallel_loop3A_549 : i32 to vector<16xi32>
      %parallel_loop3A_551 = arith.addi %parallel_loop3A_513, %parallel_loop3A_550 : vector<16xi32>
      %parallel_loop3A_552 = tpu.vector_load_idx %arg5[%parallel_loop3A_551] : memref<16000xf32, #tpu.memory_space<vmem>>[vector<16xi32>], vector<16xf32>,
      %parallel_loop3A_553 = arith.addf %parallel_loop3A_501, %parallel_loop3A_552 : vector<16xf32>
      %parallel_loop3A_554 = arith.constant 8 : i32
      %parallel_loop3A_555 = vector.broadcast %parallel_loop3A_554 : i32 to vector<16xi32>
      %parallel_loop3A_556 = arith.addi %parallel_loop3A_513, %parallel_loop3A_555 : vector<16xi32>
      %parallel_loop3A_557 = tpu.vector_load_idx %arg5[%parallel_loop3A_556] : memref<16000xf32, #tpu.memory_space<vmem>>[vector<16xi32>], vector<16xf32>,
      %parallel_loop3A_558 = arith.addf %parallel_loop3A_502, %parallel_loop3A_557 : vector<16xf32>
      %parallel_loop3A_559 = arith.constant 9 : i32
      %parallel_loop3A_560 = vector.broadcast %parallel_loop3A_559 : i32 to vector<16xi32>
      %parallel_loop3A_561 = arith.addi %parallel_loop3A_513, %parallel_loop3A_560 : vector<16xi32>
      %parallel_loop3A_562 = tpu.vector_load_idx %arg5[%parallel_loop3A_561] : memref<16000xf32, #tpu.memory_space<vmem>>[vector<16xi32>], vector<16xf32>,
      %parallel_loop3A_563 = arith.addf %parallel_loop3A_503, %parallel_loop3A_562 : vector<16xf32>
      scf.yield %parallel_loop3A_518, %parallel_loop3A_523, %parallel_loop3A_528, %parallel_loop3A_533, %parallel_loop3A_538, %parallel_loop3A_543, %parallel_loop3A_548, %parallel_loop3A_553, %parallel_loop3A_558, %parallel_loop3A_563 : vector<16xf32>, vector<16xf32>, vector<16xf32>, vector<16xf32>, vector<16xf32>, vector<16xf32>, vector<16xf32>, vector<16xf32>, vector<16xf32>, vector<16xf32>
    } {sc.loop_unroll_factor = 2 : i64, sc.parallel_access}
    %add3A_16 = arith.constant 0 : i32
    %add3A_17 = vector.broadcast %add3A_16 : i32 to vector<16xi32>
    %add3A_18 = arith.addi %mul3A_12, %add3A_17 : vector<16xi32>
    tpu.vector_store_idx %arg7[%add3A_18], %parallel_loop3A_15#0 : memref<2048xf32, #tpu.memory_space<vmem>>[vector<16xi32>], vector<16xf32>,
    %add3A_19 = arith.constant 1 : i32
    %add3A_20 = vector.broadcast %add3A_19 : i32 to vector<16xi32>
    %add3A_21 = arith.addi %mul3A_12, %add3A_20 : vector<16xi32>
    tpu.vector_store_idx %arg7[%add3A_21], %parallel_loop3A_15#1 : memref<2048xf32, #tpu.memory_space<vmem>>[vector<16xi32>], vector<16xf32>,
    %add3A_22 = arith.constant 2 : i32
    %add3A_23 = vector.broadcast %add3A_22 : i32 to vector<16xi32>
    %add3A_24 = arith.addi %mul3A_12, %add3A_23 : vector<16xi32>
    tpu.vector_store_idx %arg7[%add3A_24], %parallel_loop3A_15#2 : memref<2048xf32, #tpu.memory_space<vmem>>[vector<16xi32>], vector<16xf32>,
    %add3A_25 = arith.constant 3 : i32
    %add3A_26 = vector.broadcast %add3A_25 : i32 to vector<16xi32>
    %add3A_27 = arith.addi %mul3A_12, %add3A_26 : vector<16xi32>
    tpu.vector_store_idx %arg7[%add3A_27], %parallel_loop3A_15#3 : memref<2048xf32, #tpu.memory_space<vmem>>[vector<16xi32>], vector<16xf32>,
    %add3A_28 = arith.constant 4 : i32
    %add3A_29 = vector.broadcast %add3A_28 : i32 to vector<16xi32>
    %add3A_30 = arith.addi %mul3A_12, %add3A_29 : vector<16xi32>
    tpu.vector_store_idx %arg7[%add3A_30], %parallel_loop3A_15#4 : memref<2048xf32, #tpu.memory_space<vmem>>[vector<16xi32>], vector<16xf32>,
    %add3A_31 = arith.constant 5 : i32
    %add3A_32 = vector.broadcast %add3A_31 : i32 to vector<16xi32>
    %add3A_33 = arith.addi %mul3A_12, %add3A_32 : vector<16xi32>
    tpu.vector_store_idx %arg7[%add3A_33], %parallel_loop3A_15#5 : memref<2048xf32, #tpu.memory_space<vmem>>[vector<16xi32>], vector<16xf32>,
    %add3A_34 = arith.constant 6 : i32
    %add3A_35 = vector.broadcast %add3A_34 : i32 to vector<16xi32>
    %add3A_36 = arith.addi %mul3A_12, %add3A_35 : vector<16xi32>
    tpu.vector_store_idx %arg7[%add3A_36], %parallel_loop3A_15#6 : memref<2048xf32, #tpu.memory_space<vmem>>[vector<16xi32>], vector<16xf32>,
    %add3A_37 = arith.constant 7 : i32
    %add3A_38 = vector.broadcast %add3A_37 : i32 to vector<16xi32>
    %add3A_39 = arith.addi %mul3A_12, %add3A_38 : vector<16xi32>
    tpu.vector_store_idx %arg7[%add3A_39], %parallel_loop3A_15#7 : memref<2048xf32, #tpu.memory_space<vmem>>[vector<16xi32>], vector<16xf32>,
    %add3A_40 = arith.constant 8 : i32
    %add3A_41 = vector.broadcast %add3A_40 : i32 to vector<16xi32>
    %add3A_42 = arith.addi %mul3A_12, %add3A_41 : vector<16xi32>
    tpu.vector_store_idx %arg7[%add3A_42], %parallel_loop3A_15#8 : memref<2048xf32, #tpu.memory_space<vmem>>[vector<16xi32>], vector<16xf32>,
    %add3A_43 = arith.constant 9 : i32
    %add3A_44 = vector.broadcast %add3A_43 : i32 to vector<16xi32>
    %add3A_45 = arith.addi %mul3A_12, %add3A_44 : vector<16xi32>
    tpu.vector_store_idx %arg7[%add3A_45], %parallel_loop3A_15#9 : memref<2048xf32, #tpu.memory_space<vmem>>[vector<16xi32>], vector<16xf32>,
    %add3A_46 = arith.constant 10 : i32
    %add3A_47 = vector.broadcast %add3A_46 : i32 to vector<16xi32>
    %add3A_48 = arith.addi %mul3A_12, %add3A_47 : vector<16xi32>
    tpu.vector_store_idx %arg7[%add3A_48], %broadcast_in_dim3A_3 : memref<2048xf32, #tpu.memory_space<vmem>>[vector<16xi32>], vector<16xf32>,
    %add3A_49 = arith.constant 11 : i32
    %add3A_50 = vector.broadcast %add3A_49 : i32 to vector<16xi32>
    %add3A_51 = arith.addi %mul3A_12, %add3A_50 : vector<16xi32>
    tpu.vector_store_idx %arg7[%add3A_51], %broadcast_in_dim3A_3 : memref<2048xf32, #tpu.memory_space<vmem>>[vector<16xi32>], vector<16xf32>,
    %add3A_52 = arith.constant 12 : i32
    %add3A_53 = vector.broadcast %add3A_52 : i32 to vector<16xi32>
    %add3A_54 = arith.addi %mul3A_12, %add3A_53 : vector<16xi32>
    tpu.vector_store_idx %arg7[%add3A_54], %broadcast_in_dim3A_3 : memref<2048xf32, #tpu.memory_space<vmem>>[vector<16xi32>], vector<16xf32>,
    %add3A_55 = arith.constant 13 : i32
    %add3A_56 = vector.broadcast %add3A_55 : i32 to vector<16xi32>
    %add3A_57 = arith.addi %mul3A_12, %add3A_56 : vector<16xi32>
    tpu.vector_store_idx %arg7[%add3A_57], %broadcast_in_dim3A_3 : memref<2048xf32, #tpu.memory_space<vmem>>[vector<16xi32>], vector<16xf32>,
    %add3A_58 = arith.constant 14 : i32
    %add3A_59 = vector.broadcast %add3A_58 : i32 to vector<16xi32>
    %add3A_60 = arith.addi %mul3A_12, %add3A_59 : vector<16xi32>
    tpu.vector_store_idx %arg7[%add3A_60], %broadcast_in_dim3A_3 : memref<2048xf32, #tpu.memory_space<vmem>>[vector<16xi32>], vector<16xf32>,
    %add3A_61 = arith.constant 15 : i32
    %add3A_62 = vector.broadcast %add3A_61 : i32 to vector<16xi32>
    %add3A_63 = arith.addi %mul3A_12, %add3A_62 : vector<16xi32>
    tpu.vector_store_idx %arg7[%add3A_63], %broadcast_in_dim3A_3 : memref<2048xf32, #tpu.memory_space<vmem>>[vector<16xi32>], vector<16xf32>,
    %add3A_64 = arith.constant 16 : i32
    %add3A_65 = vector.broadcast %add3A_64 : i32 to vector<16xi32>
    %add3A_66 = arith.addi %add3A_65, %iota3A : vector<16xi32>
    %mul3A_67 = arith.constant 200 : i32
    %mul3A_68 = vector.broadcast %mul3A_67 : i32 to vector<16xi32>
    %mul3A_69 = arith.muli %add3A_66, %mul3A_68 : vector<16xi32>
    %mul3A_70 = arith.constant 16 : i32
    %mul3A_71 = vector.broadcast %mul3A_70 : i32 to vector<16xi32>
    %mul3A_72 = arith.muli %add3A_66, %mul3A_71 : vector<16xi32>
    %parallel_loop3A_73 = arith.constant 0 : i32
    %parallel_loop3A_74 = arith.constant 200 : i32
    %parallel_loop3A_75 = arith.constant 1 : i32
    %parallel_loop3A_76:10 = scf.for %parallel_loop3A_493 = %parallel_loop3A_73 to %parallel_loop3A_74 step %parallel_loop3A_75 iter_args(%parallel_loop3A_494 = %broadcast_in_dim3A_3, %parallel_loop3A_495 = %broadcast_in_dim3A_3, %parallel_loop3A_496 = %broadcast_in_dim3A_3, %parallel_loop3A_497 = %broadcast_in_dim3A_3, %parallel_loop3A_498 = %broadcast_in_dim3A_3, %parallel_loop3A_499 = %broadcast_in_dim3A_3, %parallel_loop3A_500 = %broadcast_in_dim3A_3, %parallel_loop3A_501 = %broadcast_in_dim3A_3, %parallel_loop3A_502 = %broadcast_in_dim3A_3, %parallel_loop3A_503 = %broadcast_in_dim3A_3) -> (vector<16xf32>, vector<16xf32>, vector<16xf32>, vector<16xf32>, vector<16xf32>, vector<16xf32>, vector<16xf32>, vector<16xf32>, vector<16xf32>, vector<16xf32>)  : i32 {
      %parallel_loop3A_504 = vector.broadcast %parallel_loop3A_493 : i32 to vector<16xi32>
      %parallel_loop3A_505 = arith.addi %mul3A_69, %parallel_loop3A_504 : vector<16xi32>
      %parallel_loop3A_506 = tpu.vector_load_idx %arg6[%parallel_loop3A_505] : memref<25600xi32, #tpu.memory_space<vmem>>[vector<16xi32>], vector<16xi32>,
      %parallel_loop3A_507 = arith.constant 3200 : i32
      %parallel_loop3A_508 = vector.broadcast %parallel_loop3A_507 : i32 to vector<16xi32>
      %parallel_loop3A_509 = arith.muli %parallel_loop3A_506, %parallel_loop3A_508 : vector<16xi32>
      %parallel_loop3A_510 = arith.constant 16 : i32
      %parallel_loop3A_511 = arith.muli %parallel_loop3A_493, %parallel_loop3A_510 : i32
      %parallel_loop3A_512 = vector.broadcast %parallel_loop3A_511 : i32 to vector<16xi32>
      %parallel_loop3A_513 = arith.addi %parallel_loop3A_509, %parallel_loop3A_512 : vector<16xi32>
      %parallel_loop3A_514 = arith.constant 0 : i32
      %parallel_loop3A_515 = vector.broadcast %parallel_loop3A_514 : i32 to vector<16xi32>
      %parallel_loop3A_516 = arith.addi %parallel_loop3A_513, %parallel_loop3A_515 : vector<16xi32>
      %parallel_loop3A_517 = tpu.vector_load_idx %arg5[%parallel_loop3A_516] : memref<16000xf32, #tpu.memory_space<vmem>>[vector<16xi32>], vector<16xf32>,
      %parallel_loop3A_518 = arith.addf %parallel_loop3A_494, %parallel_loop3A_517 : vector<16xf32>
      %parallel_loop3A_519 = arith.constant 1 : i32
      %parallel_loop3A_520 = vector.broadcast %parallel_loop3A_519 : i32 to vector<16xi32>
      %parallel_loop3A_521 = arith.addi %parallel_loop3A_513, %parallel_loop3A_520 : vector<16xi32>
      %parallel_loop3A_522 = tpu.vector_load_idx %arg5[%parallel_loop3A_521] : memref<16000xf32, #tpu.memory_space<vmem>>[vector<16xi32>], vector<16xf32>,
      %parallel_loop3A_523 = arith.addf %parallel_loop3A_495, %parallel_loop3A_522 : vector<16xf32>
      %parallel_loop3A_524 = arith.constant 2 : i32
      %parallel_loop3A_525 = vector.broadcast %parallel_loop3A_524 : i32 to vector<16xi32>
      %parallel_loop3A_526 = arith.addi %parallel_loop3A_513, %parallel_loop3A_525 : vector<16xi32>
      %parallel_loop3A_527 = tpu.vector_load_idx %arg5[%parallel_loop3A_526] : memref<16000xf32, #tpu.memory_space<vmem>>[vector<16xi32>], vector<16xf32>,
      %parallel_loop3A_528 = arith.addf %parallel_loop3A_496, %parallel_loop3A_527 : vector<16xf32>
      %parallel_loop3A_529 = arith.constant 3 : i32
      %parallel_loop3A_530 = vector.broadcast %parallel_loop3A_529 : i32 to vector<16xi32>
      %parallel_loop3A_531 = arith.addi %parallel_loop3A_513, %parallel_loop3A_530 : vector<16xi32>
      %parallel_loop3A_532 = tpu.vector_load_idx %arg5[%parallel_loop3A_531] : memref<16000xf32, #tpu.memory_space<vmem>>[vector<16xi32>], vector<16xf32>,
      %parallel_loop3A_533 = arith.addf %parallel_loop3A_497, %parallel_loop3A_532 : vector<16xf32>
      %parallel_loop3A_534 = arith.constant 4 : i32
      %parallel_loop3A_535 = vector.broadcast %parallel_loop3A_534 : i32 to vector<16xi32>
      %parallel_loop3A_536 = arith.addi %parallel_loop3A_513, %parallel_loop3A_535 : vector<16xi32>
      %parallel_loop3A_537 = tpu.vector_load_idx %arg5[%parallel_loop3A_536] : memref<16000xf32, #tpu.memory_space<vmem>>[vector<16xi32>], vector<16xf32>,
      %parallel_loop3A_538 = arith.addf %parallel_loop3A_498, %parallel_loop3A_537 : vector<16xf32>
      %parallel_loop3A_539 = arith.constant 5 : i32
      %parallel_loop3A_540 = vector.broadcast %parallel_loop3A_539 : i32 to vector<16xi32>
      %parallel_loop3A_541 = arith.addi %parallel_loop3A_513, %parallel_loop3A_540 : vector<16xi32>
      %parallel_loop3A_542 = tpu.vector_load_idx %arg5[%parallel_loop3A_541] : memref<16000xf32, #tpu.memory_space<vmem>>[vector<16xi32>], vector<16xf32>,
      %parallel_loop3A_543 = arith.addf %parallel_loop3A_499, %parallel_loop3A_542 : vector<16xf32>
      %parallel_loop3A_544 = arith.constant 6 : i32
      %parallel_loop3A_545 = vector.broadcast %parallel_loop3A_544 : i32 to vector<16xi32>
      %parallel_loop3A_546 = arith.addi %parallel_loop3A_513, %parallel_loop3A_545 : vector<16xi32>
      %parallel_loop3A_547 = tpu.vector_load_idx %arg5[%parallel_loop3A_546] : memref<16000xf32, #tpu.memory_space<vmem>>[vector<16xi32>], vector<16xf32>,
      %parallel_loop3A_548 = arith.addf %parallel_loop3A_500, %parallel_loop3A_547 : vector<16xf32>
      %parallel_loop3A_549 = arith.constant 7 : i32
      %parallel_loop3A_550 = vector.broadcast %parallel_loop3A_549 : i32 to vector<16xi32>
      %parallel_loop3A_551 = arith.addi %parallel_loop3A_513, %parallel_loop3A_550 : vector<16xi32>
      %parallel_loop3A_552 = tpu.vector_load_idx %arg5[%parallel_loop3A_551] : memref<16000xf32, #tpu.memory_space<vmem>>[vector<16xi32>], vector<16xf32>,
      %parallel_loop3A_553 = arith.addf %parallel_loop3A_501, %parallel_loop3A_552 : vector<16xf32>
      %parallel_loop3A_554 = arith.constant 8 : i32
      %parallel_loop3A_555 = vector.broadcast %parallel_loop3A_554 : i32 to vector<16xi32>
      %parallel_loop3A_556 = arith.addi %parallel_loop3A_513, %parallel_loop3A_555 : vector<16xi32>
      %parallel_loop3A_557 = tpu.vector_load_idx %arg5[%parallel_loop3A_556] : memref<16000xf32, #tpu.memory_space<vmem>>[vector<16xi32>], vector<16xf32>,
      %parallel_loop3A_558 = arith.addf %parallel_loop3A_502, %parallel_loop3A_557 : vector<16xf32>
      %parallel_loop3A_559 = arith.constant 9 : i32
      %parallel_loop3A_560 = vector.broadcast %parallel_loop3A_559 : i32 to vector<16xi32>
      %parallel_loop3A_561 = arith.addi %parallel_loop3A_513, %parallel_loop3A_560 : vector<16xi32>
      %parallel_loop3A_562 = tpu.vector_load_idx %arg5[%parallel_loop3A_561] : memref<16000xf32, #tpu.memory_space<vmem>>[vector<16xi32>], vector<16xf32>,
      %parallel_loop3A_563 = arith.addf %parallel_loop3A_503, %parallel_loop3A_562 : vector<16xf32>
      scf.yield %parallel_loop3A_518, %parallel_loop3A_523, %parallel_loop3A_528, %parallel_loop3A_533, %parallel_loop3A_538, %parallel_loop3A_543, %parallel_loop3A_548, %parallel_loop3A_553, %parallel_loop3A_558, %parallel_loop3A_563 : vector<16xf32>, vector<16xf32>, vector<16xf32>, vector<16xf32>, vector<16xf32>, vector<16xf32>, vector<16xf32>, vector<16xf32>, vector<16xf32>, vector<16xf32>
    } {sc.loop_unroll_factor = 2 : i64, sc.parallel_access}
    %add3A_77 = arith.constant 0 : i32
    %add3A_78 = vector.broadcast %add3A_77 : i32 to vector<16xi32>
    %add3A_79 = arith.addi %mul3A_72, %add3A_78 : vector<16xi32>
    tpu.vector_store_idx %arg7[%add3A_79], %parallel_loop3A_76#0 : memref<2048xf32, #tpu.memory_space<vmem>>[vector<16xi32>], vector<16xf32>,
    %add3A_80 = arith.constant 1 : i32
    %add3A_81 = vector.broadcast %add3A_80 : i32 to vector<16xi32>
    %add3A_82 = arith.addi %mul3A_72, %add3A_81 : vector<16xi32>
    tpu.vector_store_idx %arg7[%add3A_82], %parallel_loop3A_76#1 : memref<2048xf32, #tpu.memory_space<vmem>>[vector<16xi32>], vector<16xf32>,
    %add3A_83 = arith.constant 2 : i32
    %add3A_84 = vector.broadcast %add3A_83 : i32 to vector<16xi32>
    %add3A_85 = arith.addi %mul3A_72, %add3A_84 : vector<16xi32>
    tpu.vector_store_idx %arg7[%add3A_85], %parallel_loop3A_76#2 : memref<2048xf32, #tpu.memory_space<vmem>>[vector<16xi32>], vector<16xf32>,
    %add3A_86 = arith.constant 3 : i32
    %add3A_87 = vector.broadcast %add3A_86 : i32 to vector<16xi32>
    %add3A_88 = arith.addi %mul3A_72, %add3A_87 : vector<16xi32>
    tpu.vector_store_idx %arg7[%add3A_88], %parallel_loop3A_76#3 : memref<2048xf32, #tpu.memory_space<vmem>>[vector<16xi32>], vector<16xf32>,
    %add3A_89 = arith.constant 4 : i32
    %add3A_90 = vector.broadcast %add3A_89 : i32 to vector<16xi32>
    %add3A_91 = arith.addi %mul3A_72, %add3A_90 : vector<16xi32>
    tpu.vector_store_idx %arg7[%add3A_91], %parallel_loop3A_76#4 : memref<2048xf32, #tpu.memory_space<vmem>>[vector<16xi32>], vector<16xf32>,
    %add3A_92 = arith.constant 5 : i32
    %add3A_93 = vector.broadcast %add3A_92 : i32 to vector<16xi32>
    %add3A_94 = arith.addi %mul3A_72, %add3A_93 : vector<16xi32>
    tpu.vector_store_idx %arg7[%add3A_94], %parallel_loop3A_76#5 : memref<2048xf32, #tpu.memory_space<vmem>>[vector<16xi32>], vector<16xf32>,
    %add3A_95 = arith.constant 6 : i32
    %add3A_96 = vector.broadcast %add3A_95 : i32 to vector<16xi32>
    %add3A_97 = arith.addi %mul3A_72, %add3A_96 : vector<16xi32>
    tpu.vector_store_idx %arg7[%add3A_97], %parallel_loop3A_76#6 : memref<2048xf32, #tpu.memory_space<vmem>>[vector<16xi32>], vector<16xf32>,
    %add3A_98 = arith.constant 7 : i32
    %add3A_99 = vector.broadcast %add3A_98 : i32 to vector<16xi32>
    %add3A_100 = arith.addi %mul3A_72, %add3A_99 : vector<16xi32>
    tpu.vector_store_idx %arg7[%add3A_100], %parallel_loop3A_76#7 : memref<2048xf32, #tpu.memory_space<vmem>>[vector<16xi32>], vector<16xf32>,
    %add3A_101 = arith.constant 8 : i32
    %add3A_102 = vector.broadcast %add3A_101 : i32 to vector<16xi32>
    %add3A_103 = arith.addi %mul3A_72, %add3A_102 : vector<16xi32>
    tpu.vector_store_idx %arg7[%add3A_103], %parallel_loop3A_76#8 : memref<2048xf32, #tpu.memory_space<vmem>>[vector<16xi32>], vector<16xf32>,
    %add3A_104 = arith.constant 9 : i32
    %add3A_105 = vector.broadcast %add3A_104 : i32 to vector<16xi32>
    %add3A_106 = arith.addi %mul3A_72, %add3A_105 : vector<16xi32>
    tpu.vector_store_idx %arg7[%add3A_106], %parallel_loop3A_76#9 : memref<2048xf32, #tpu.memory_space<vmem>>[vector<16xi32>], vector<16xf32>,
    %add3A_107 = arith.constant 10 : i32
    %add3A_108 = vector.broadcast %add3A_107 : i32 to vector<16xi32>
    %add3A_109 = arith.addi %mul3A_72, %add3A_108 : vector<16xi32>
    tpu.vector_store_idx %arg7[%add3A_109], %broadcast_in_dim3A_3 : memref<2048xf32, #tpu.memory_space<vmem>>[vector<16xi32>], vector<16xf32>,
    %add3A_110 = arith.constant 11 : i32
    %add3A_111 = vector.broadcast %add3A_110 : i32 to vector<16xi32>
    %add3A_112 = arith.addi %mul3A_72, %add3A_111 : vector<16xi32>
    tpu.vector_store_idx %arg7[%add3A_112], %broadcast_in_dim3A_3 : memref<2048xf32, #tpu.memory_space<vmem>>[vector<16xi32>], vector<16xf32>,
    %add3A_113 = arith.constant 12 : i32
    %add3A_114 = vector.broadcast %add3A_113 : i32 to vector<16xi32>
    %add3A_115 = arith.addi %mul3A_72, %add3A_114 : vector<16xi32>
    tpu.vector_store_idx %arg7[%add3A_115], %broadcast_in_dim3A_3 : memref<2048xf32, #tpu.memory_space<vmem>>[vector<16xi32>], vector<16xf32>,
    %add3A_116 = arith.constant 13 : i32
    %add3A_117 = vector.broadcast %add3A_116 : i32 to vector<16xi32>
    %add3A_118 = arith.addi %mul3A_72, %add3A_117 : vector<16xi32>
    tpu.vector_store_idx %arg7[%add3A_118], %broadcast_in_dim3A_3 : memref<2048xf32, #tpu.memory_space<vmem>>[vector<16xi32>], vector<16xf32>,
    %add3A_119 = arith.constant 14 : i32
    %add3A_120 = vector.broadcast %add3A_119 : i32 to vector<16xi32>
    %add3A_121 = arith.addi %mul3A_72, %add3A_120 : vector<16xi32>
    tpu.vector_store_idx %arg7[%add3A_121], %broadcast_in_dim3A_3 : memref<2048xf32, #tpu.memory_space<vmem>>[vector<16xi32>], vector<16xf32>,
    %add3A_122 = arith.constant 15 : i32
    %add3A_123 = vector.broadcast %add3A_122 : i32 to vector<16xi32>
    %add3A_124 = arith.addi %mul3A_72, %add3A_123 : vector<16xi32>
    tpu.vector_store_idx %arg7[%add3A_124], %broadcast_in_dim3A_3 : memref<2048xf32, #tpu.memory_space<vmem>>[vector<16xi32>], vector<16xf32>,
    %add3A_125 = arith.constant 32 : i32
    %add3A_126 = vector.broadcast %add3A_125 : i32 to vector<16xi32>
    %add3A_127 = arith.addi %add3A_126, %iota3A : vector<16xi32>
    %mul3A_128 = arith.constant 200 : i32
    %mul3A_129 = vector.broadcast %mul3A_128 : i32 to vector<16xi32>
    %mul3A_130 = arith.muli %add3A_127, %mul3A_129 : vector<16xi32>
    %mul3A_131 = arith.constant 16 : i32
    %mul3A_132 = vector.broadcast %mul3A_131 : i32 to vector<16xi32>
    %mul3A_133 = arith.muli %add3A_127, %mul3A_132 : vector<16xi32>
    %parallel_loop3A_134 = arith.constant 0 : i32
    %parallel_loop3A_135 = arith.constant 200 : i32
    %parallel_loop3A_136 = arith.constant 1 : i32
    %parallel_loop3A_137:10 = scf.for %parallel_loop3A_493 = %parallel_loop3A_134 to %parallel_loop3A_135 step %parallel_loop3A_136 iter_args(%parallel_loop3A_494 = %broadcast_in_dim3A_3, %parallel_loop3A_495 = %broadcast_in_dim3A_3, %parallel_loop3A_496 = %broadcast_in_dim3A_3, %parallel_loop3A_497 = %broadcast_in_dim3A_3, %parallel_loop3A_498 = %broadcast_in_dim3A_3, %parallel_loop3A_499 = %broadcast_in_dim3A_3, %parallel_loop3A_500 = %broadcast_in_dim3A_3, %parallel_loop3A_501 = %broadcast_in_dim3A_3, %parallel_loop3A_502 = %broadcast_in_dim3A_3, %parallel_loop3A_503 = %broadcast_in_dim3A_3) -> (vector<16xf32>, vector<16xf32>, vector<16xf32>, vector<16xf32>, vector<16xf32>, vector<16xf32>, vector<16xf32>, vector<16xf32>, vector<16xf32>, vector<16xf32>)  : i32 {
      %parallel_loop3A_504 = vector.broadcast %parallel_loop3A_493 : i32 to vector<16xi32>
      %parallel_loop3A_505 = arith.addi %mul3A_130, %parallel_loop3A_504 : vector<16xi32>
      %parallel_loop3A_506 = tpu.vector_load_idx %arg6[%parallel_loop3A_505] : memref<25600xi32, #tpu.memory_space<vmem>>[vector<16xi32>], vector<16xi32>,
      %parallel_loop3A_507 = arith.constant 3200 : i32
      %parallel_loop3A_508 = vector.broadcast %parallel_loop3A_507 : i32 to vector<16xi32>
      %parallel_loop3A_509 = arith.muli %parallel_loop3A_506, %parallel_loop3A_508 : vector<16xi32>
      %parallel_loop3A_510 = arith.constant 16 : i32
      %parallel_loop3A_511 = arith.muli %parallel_loop3A_493, %parallel_loop3A_510 : i32
      %parallel_loop3A_512 = vector.broadcast %parallel_loop3A_511 : i32 to vector<16xi32>
      %parallel_loop3A_513 = arith.addi %parallel_loop3A_509, %parallel_loop3A_512 : vector<16xi32>
      %parallel_loop3A_514 = arith.constant 0 : i32
      %parallel_loop3A_515 = vector.broadcast %parallel_loop3A_514 : i32 to vector<16xi32>
      %parallel_loop3A_516 = arith.addi %parallel_loop3A_513, %parallel_loop3A_515 : vector<16xi32>
      %parallel_loop3A_517 = tpu.vector_load_idx %arg5[%parallel_loop3A_516] : memref<16000xf32, #tpu.memory_space<vmem>>[vector<16xi32>], vector<16xf32>,
      %parallel_loop3A_518 = arith.addf %parallel_loop3A_494, %parallel_loop3A_517 : vector<16xf32>
      %parallel_loop3A_519 = arith.constant 1 : i32
      %parallel_loop3A_520 = vector.broadcast %parallel_loop3A_519 : i32 to vector<16xi32>
      %parallel_loop3A_521 = arith.addi %parallel_loop3A_513, %parallel_loop3A_520 : vector<16xi32>
      %parallel_loop3A_522 = tpu.vector_load_idx %arg5[%parallel_loop3A_521] : memref<16000xf32, #tpu.memory_space<vmem>>[vector<16xi32>], vector<16xf32>,
      %parallel_loop3A_523 = arith.addf %parallel_loop3A_495, %parallel_loop3A_522 : vector<16xf32>
      %parallel_loop3A_524 = arith.constant 2 : i32
      %parallel_loop3A_525 = vector.broadcast %parallel_loop3A_524 : i32 to vector<16xi32>
      %parallel_loop3A_526 = arith.addi %parallel_loop3A_513, %parallel_loop3A_525 : vector<16xi32>
      %parallel_loop3A_527 = tpu.vector_load_idx %arg5[%parallel_loop3A_526] : memref<16000xf32, #tpu.memory_space<vmem>>[vector<16xi32>], vector<16xf32>,
      %parallel_loop3A_528 = arith.addf %parallel_loop3A_496, %parallel_loop3A_527 : vector<16xf32>
      %parallel_loop3A_529 = arith.constant 3 : i32
      %parallel_loop3A_530 = vector.broadcast %parallel_loop3A_529 : i32 to vector<16xi32>
      %parallel_loop3A_531 = arith.addi %parallel_loop3A_513, %parallel_loop3A_530 : vector<16xi32>
      %parallel_loop3A_532 = tpu.vector_load_idx %arg5[%parallel_loop3A_531] : memref<16000xf32, #tpu.memory_space<vmem>>[vector<16xi32>], vector<16xf32>,
      %parallel_loop3A_533 = arith.addf %parallel_loop3A_497, %parallel_loop3A_532 : vector<16xf32>
      %parallel_loop3A_534 = arith.constant 4 : i32
      %parallel_loop3A_535 = vector.broadcast %parallel_loop3A_534 : i32 to vector<16xi32>
      %parallel_loop3A_536 = arith.addi %parallel_loop3A_513, %parallel_loop3A_535 : vector<16xi32>
      %parallel_loop3A_537 = tpu.vector_load_idx %arg5[%parallel_loop3A_536] : memref<16000xf32, #tpu.memory_space<vmem>>[vector<16xi32>], vector<16xf32>,
      %parallel_loop3A_538 = arith.addf %parallel_loop3A_498, %parallel_loop3A_537 : vector<16xf32>
      %parallel_loop3A_539 = arith.constant 5 : i32
      %parallel_loop3A_540 = vector.broadcast %parallel_loop3A_539 : i32 to vector<16xi32>
      %parallel_loop3A_541 = arith.addi %parallel_loop3A_513, %parallel_loop3A_540 : vector<16xi32>
      %parallel_loop3A_542 = tpu.vector_load_idx %arg5[%parallel_loop3A_541] : memref<16000xf32, #tpu.memory_space<vmem>>[vector<16xi32>], vector<16xf32>,
      %parallel_loop3A_543 = arith.addf %parallel_loop3A_499, %parallel_loop3A_542 : vector<16xf32>
      %parallel_loop3A_544 = arith.constant 6 : i32
      %parallel_loop3A_545 = vector.broadcast %parallel_loop3A_544 : i32 to vector<16xi32>
      %parallel_loop3A_546 = arith.addi %parallel_loop3A_513, %parallel_loop3A_545 : vector<16xi32>
      %parallel_loop3A_547 = tpu.vector_load_idx %arg5[%parallel_loop3A_546] : memref<16000xf32, #tpu.memory_space<vmem>>[vector<16xi32>], vector<16xf32>,
      %parallel_loop3A_548 = arith.addf %parallel_loop3A_500, %parallel_loop3A_547 : vector<16xf32>
      %parallel_loop3A_549 = arith.constant 7 : i32
      %parallel_loop3A_550 = vector.broadcast %parallel_loop3A_549 : i32 to vector<16xi32>
      %parallel_loop3A_551 = arith.addi %parallel_loop3A_513, %parallel_loop3A_550 : vector<16xi32>
      %parallel_loop3A_552 = tpu.vector_load_idx %arg5[%parallel_loop3A_551] : memref<16000xf32, #tpu.memory_space<vmem>>[vector<16xi32>], vector<16xf32>,
      %parallel_loop3A_553 = arith.addf %parallel_loop3A_501, %parallel_loop3A_552 : vector<16xf32>
      %parallel_loop3A_554 = arith.constant 8 : i32
      %parallel_loop3A_555 = vector.broadcast %parallel_loop3A_554 : i32 to vector<16xi32>
      %parallel_loop3A_556 = arith.addi %parallel_loop3A_513, %parallel_loop3A_555 : vector<16xi32>
      %parallel_loop3A_557 = tpu.vector_load_idx %arg5[%parallel_loop3A_556] : memref<16000xf32, #tpu.memory_space<vmem>>[vector<16xi32>], vector<16xf32>,
      %parallel_loop3A_558 = arith.addf %parallel_loop3A_502, %parallel_loop3A_557 : vector<16xf32>
      %parallel_loop3A_559 = arith.constant 9 : i32
      %parallel_loop3A_560 = vector.broadcast %parallel_loop3A_559 : i32 to vector<16xi32>
      %parallel_loop3A_561 = arith.addi %parallel_loop3A_513, %parallel_loop3A_560 : vector<16xi32>
      %parallel_loop3A_562 = tpu.vector_load_idx %arg5[%parallel_loop3A_561] : memref<16000xf32, #tpu.memory_space<vmem>>[vector<16xi32>], vector<16xf32>,
      %parallel_loop3A_563 = arith.addf %parallel_loop3A_503, %parallel_loop3A_562 : vector<16xf32>
      scf.yield %parallel_loop3A_518, %parallel_loop3A_523, %parallel_loop3A_528, %parallel_loop3A_533, %parallel_loop3A_538, %parallel_loop3A_543, %parallel_loop3A_548, %parallel_loop3A_553, %parallel_loop3A_558, %parallel_loop3A_563 : vector<16xf32>, vector<16xf32>, vector<16xf32>, vector<16xf32>, vector<16xf32>, vector<16xf32>, vector<16xf32>, vector<16xf32>, vector<16xf32>, vector<16xf32>
    } {sc.loop_unroll_factor = 2 : i64, sc.parallel_access}
    %add3A_138 = arith.constant 0 : i32
    %add3A_139 = vector.broadcast %add3A_138 : i32 to vector<16xi32>
    %add3A_140 = arith.addi %mul3A_133, %add3A_139 : vector<16xi32>
    tpu.vector_store_idx %arg7[%add3A_140], %parallel_loop3A_137#0 : memref<2048xf32, #tpu.memory_space<vmem>>[vector<16xi32>], vector<16xf32>,
    %add3A_141 = arith.constant 1 : i32
    %add3A_142 = vector.broadcast %add3A_141 : i32 to vector<16xi32>
    %add3A_143 = arith.addi %mul3A_133, %add3A_142 : vector<16xi32>
    tpu.vector_store_idx %arg7[%add3A_143], %parallel_loop3A_137#1 : memref<2048xf32, #tpu.memory_space<vmem>>[vector<16xi32>], vector<16xf32>,
    %add3A_144 = arith.constant 2 : i32
    %add3A_145 = vector.broadcast %add3A_144 : i32 to vector<16xi32>
    %add3A_146 = arith.addi %mul3A_133, %add3A_145 : vector<16xi32>
    tpu.vector_store_idx %arg7[%add3A_146], %parallel_loop3A_137#2 : memref<2048xf32, #tpu.memory_space<vmem>>[vector<16xi32>], vector<16xf32>,
    %add3A_147 = arith.constant 3 : i32
    %add3A_148 = vector.broadcast %add3A_147 : i32 to vector<16xi32>
    %add3A_149 = arith.addi %mul3A_133, %add3A_148 : vector<16xi32>
    tpu.vector_store_idx %arg7[%add3A_149], %parallel_loop3A_137#3 : memref<2048xf32, #tpu.memory_space<vmem>>[vector<16xi32>], vector<16xf32>,
    %add3A_150 = arith.constant 4 : i32
    %add3A_151 = vector.broadcast %add3A_150 : i32 to vector<16xi32>
    %add3A_152 = arith.addi %mul3A_133, %add3A_151 : vector<16xi32>
    tpu.vector_store_idx %arg7[%add3A_152], %parallel_loop3A_137#4 : memref<2048xf32, #tpu.memory_space<vmem>>[vector<16xi32>], vector<16xf32>,
    %add3A_153 = arith.constant 5 : i32
    %add3A_154 = vector.broadcast %add3A_153 : i32 to vector<16xi32>
    %add3A_155 = arith.addi %mul3A_133, %add3A_154 : vector<16xi32>
    tpu.vector_store_idx %arg7[%add3A_155], %parallel_loop3A_137#5 : memref<2048xf32, #tpu.memory_space<vmem>>[vector<16xi32>], vector<16xf32>,
    %add3A_156 = arith.constant 6 : i32
    %add3A_157 = vector.broadcast %add3A_156 : i32 to vector<16xi32>
    %add3A_158 = arith.addi %mul3A_133, %add3A_157 : vector<16xi32>
    tpu.vector_store_idx %arg7[%add3A_158], %parallel_loop3A_137#6 : memref<2048xf32, #tpu.memory_space<vmem>>[vector<16xi32>], vector<16xf32>,
    %add3A_159 = arith.constant 7 : i32
    %add3A_160 = vector.broadcast %add3A_159 : i32 to vector<16xi32>
    %add3A_161 = arith.addi %mul3A_133, %add3A_160 : vector<16xi32>
    tpu.vector_store_idx %arg7[%add3A_161], %parallel_loop3A_137#7 : memref<2048xf32, #tpu.memory_space<vmem>>[vector<16xi32>], vector<16xf32>,
    %add3A_162 = arith.constant 8 : i32
    %add3A_163 = vector.broadcast %add3A_162 : i32 to vector<16xi32>
    %add3A_164 = arith.addi %mul3A_133, %add3A_163 : vector<16xi32>
    tpu.vector_store_idx %arg7[%add3A_164], %parallel_loop3A_137#8 : memref<2048xf32, #tpu.memory_space<vmem>>[vector<16xi32>], vector<16xf32>,
    %add3A_165 = arith.constant 9 : i32
    %add3A_166 = vector.broadcast %add3A_165 : i32 to vector<16xi32>
    %add3A_167 = arith.addi %mul3A_133, %add3A_166 : vector<16xi32>
    tpu.vector_store_idx %arg7[%add3A_167], %parallel_loop3A_137#9 : memref<2048xf32, #tpu.memory_space<vmem>>[vector<16xi32>], vector<16xf32>,
    %add3A_168 = arith.constant 10 : i32
    %add3A_169 = vector.broadcast %add3A_168 : i32 to vector<16xi32>
    %add3A_170 = arith.addi %mul3A_133, %add3A_169 : vector<16xi32>
    tpu.vector_store_idx %arg7[%add3A_170], %broadcast_in_dim3A_3 : memref<2048xf32, #tpu.memory_space<vmem>>[vector<16xi32>], vector<16xf32>,
    %add3A_171 = arith.constant 11 : i32
    %add3A_172 = vector.broadcast %add3A_171 : i32 to vector<16xi32>
    %add3A_173 = arith.addi %mul3A_133, %add3A_172 : vector<16xi32>
    tpu.vector_store_idx %arg7[%add3A_173], %broadcast_in_dim3A_3 : memref<2048xf32, #tpu.memory_space<vmem>>[vector<16xi32>], vector<16xf32>,
    %add3A_174 = arith.constant 12 : i32
    %add3A_175 = vector.broadcast %add3A_174 : i32 to vector<16xi32>
    %add3A_176 = arith.addi %mul3A_133, %add3A_175 : vector<16xi32>
    tpu.vector_store_idx %arg7[%add3A_176], %broadcast_in_dim3A_3 : memref<2048xf32, #tpu.memory_space<vmem>>[vector<16xi32>], vector<16xf32>,
    %add3A_177 = arith.constant 13 : i32
    %add3A_178 = vector.broadcast %add3A_177 : i32 to vector<16xi32>
    %add3A_179 = arith.addi %mul3A_133, %add3A_178 : vector<16xi32>
    tpu.vector_store_idx %arg7[%add3A_179], %broadcast_in_dim3A_3 : memref<2048xf32, #tpu.memory_space<vmem>>[vector<16xi32>], vector<16xf32>,
    %add3A_180 = arith.constant 14 : i32
    %add3A_181 = vector.broadcast %add3A_180 : i32 to vector<16xi32>
    %add3A_182 = arith.addi %mul3A_133, %add3A_181 : vector<16xi32>
    tpu.vector_store_idx %arg7[%add3A_182], %broadcast_in_dim3A_3 : memref<2048xf32, #tpu.memory_space<vmem>>[vector<16xi32>], vector<16xf32>,
    %add3A_183 = arith.constant 15 : i32
    %add3A_184 = vector.broadcast %add3A_183 : i32 to vector<16xi32>
    %add3A_185 = arith.addi %mul3A_133, %add3A_184 : vector<16xi32>
    tpu.vector_store_idx %arg7[%add3A_185], %broadcast_in_dim3A_3 : memref<2048xf32, #tpu.memory_space<vmem>>[vector<16xi32>], vector<16xf32>,
    %add3A_186 = arith.constant 48 : i32
    %add3A_187 = vector.broadcast %add3A_186 : i32 to vector<16xi32>
    %add3A_188 = arith.addi %add3A_187, %iota3A : vector<16xi32>
    %mul3A_189 = arith.constant 200 : i32
    %mul3A_190 = vector.broadcast %mul3A_189 : i32 to vector<16xi32>
    %mul3A_191 = arith.muli %add3A_188, %mul3A_190 : vector<16xi32>
    %mul3A_192 = arith.constant 16 : i32
    %mul3A_193 = vector.broadcast %mul3A_192 : i32 to vector<16xi32>
    %mul3A_194 = arith.muli %add3A_188, %mul3A_193 : vector<16xi32>
    %parallel_loop3A_195 = arith.constant 0 : i32
    %parallel_loop3A_196 = arith.constant 200 : i32
    %parallel_loop3A_197 = arith.constant 1 : i32
    %parallel_loop3A_198:10 = scf.for %parallel_loop3A_493 = %parallel_loop3A_195 to %parallel_loop3A_196 step %parallel_loop3A_197 iter_args(%parallel_loop3A_494 = %broadcast_in_dim3A_3, %parallel_loop3A_495 = %broadcast_in_dim3A_3, %parallel_loop3A_496 = %broadcast_in_dim3A_3, %parallel_loop3A_497 = %broadcast_in_dim3A_3, %parallel_loop3A_498 = %broadcast_in_dim3A_3, %parallel_loop3A_499 = %broadcast_in_dim3A_3, %parallel_loop3A_500 = %broadcast_in_dim3A_3, %parallel_loop3A_501 = %broadcast_in_dim3A_3, %parallel_loop3A_502 = %broadcast_in_dim3A_3, %parallel_loop3A_503 = %broadcast_in_dim3A_3) -> (vector<16xf32>, vector<16xf32>, vector<16xf32>, vector<16xf32>, vector<16xf32>, vector<16xf32>, vector<16xf32>, vector<16xf32>, vector<16xf32>, vector<16xf32>)  : i32 {
      %parallel_loop3A_504 = vector.broadcast %parallel_loop3A_493 : i32 to vector<16xi32>
      %parallel_loop3A_505 = arith.addi %mul3A_191, %parallel_loop3A_504 : vector<16xi32>
      %parallel_loop3A_506 = tpu.vector_load_idx %arg6[%parallel_loop3A_505] : memref<25600xi32, #tpu.memory_space<vmem>>[vector<16xi32>], vector<16xi32>,
      %parallel_loop3A_507 = arith.constant 3200 : i32
      %parallel_loop3A_508 = vector.broadcast %parallel_loop3A_507 : i32 to vector<16xi32>
      %parallel_loop3A_509 = arith.muli %parallel_loop3A_506, %parallel_loop3A_508 : vector<16xi32>
      %parallel_loop3A_510 = arith.constant 16 : i32
      %parallel_loop3A_511 = arith.muli %parallel_loop3A_493, %parallel_loop3A_510 : i32
      %parallel_loop3A_512 = vector.broadcast %parallel_loop3A_511 : i32 to vector<16xi32>
      %parallel_loop3A_513 = arith.addi %parallel_loop3A_509, %parallel_loop3A_512 : vector<16xi32>
      %parallel_loop3A_514 = arith.constant 0 : i32
      %parallel_loop3A_515 = vector.broadcast %parallel_loop3A_514 : i32 to vector<16xi32>
      %parallel_loop3A_516 = arith.addi %parallel_loop3A_513, %parallel_loop3A_515 : vector<16xi32>
      %parallel_loop3A_517 = tpu.vector_load_idx %arg5[%parallel_loop3A_516] : memref<16000xf32, #tpu.memory_space<vmem>>[vector<16xi32>], vector<16xf32>,
      %parallel_loop3A_518 = arith.addf %parallel_loop3A_494, %parallel_loop3A_517 : vector<16xf32>
      %parallel_loop3A_519 = arith.constant 1 : i32
      %parallel_loop3A_520 = vector.broadcast %parallel_loop3A_519 : i32 to vector<16xi32>
      %parallel_loop3A_521 = arith.addi %parallel_loop3A_513, %parallel_loop3A_520 : vector<16xi32>
      %parallel_loop3A_522 = tpu.vector_load_idx %arg5[%parallel_loop3A_521] : memref<16000xf32, #tpu.memory_space<vmem>>[vector<16xi32>], vector<16xf32>,
      %parallel_loop3A_523 = arith.addf %parallel_loop3A_495, %parallel_loop3A_522 : vector<16xf32>
      %parallel_loop3A_524 = arith.constant 2 : i32
      %parallel_loop3A_525 = vector.broadcast %parallel_loop3A_524 : i32 to vector<16xi32>
      %parallel_loop3A_526 = arith.addi %parallel_loop3A_513, %parallel_loop3A_525 : vector<16xi32>
      %parallel_loop3A_527 = tpu.vector_load_idx %arg5[%parallel_loop3A_526] : memref<16000xf32, #tpu.memory_space<vmem>>[vector<16xi32>], vector<16xf32>,
      %parallel_loop3A_528 = arith.addf %parallel_loop3A_496, %parallel_loop3A_527 : vector<16xf32>
      %parallel_loop3A_529 = arith.constant 3 : i32
      %parallel_loop3A_530 = vector.broadcast %parallel_loop3A_529 : i32 to vector<16xi32>
      %parallel_loop3A_531 = arith.addi %parallel_loop3A_513, %parallel_loop3A_530 : vector<16xi32>
      %parallel_loop3A_532 = tpu.vector_load_idx %arg5[%parallel_loop3A_531] : memref<16000xf32, #tpu.memory_space<vmem>>[vector<16xi32>], vector<16xf32>,
      %parallel_loop3A_533 = arith.addf %parallel_loop3A_497, %parallel_loop3A_532 : vector<16xf32>
      %parallel_loop3A_534 = arith.constant 4 : i32
      %parallel_loop3A_535 = vector.broadcast %parallel_loop3A_534 : i32 to vector<16xi32>
      %parallel_loop3A_536 = arith.addi %parallel_loop3A_513, %parallel_loop3A_535 : vector<16xi32>
      %parallel_loop3A_537 = tpu.vector_load_idx %arg5[%parallel_loop3A_536] : memref<16000xf32, #tpu.memory_space<vmem>>[vector<16xi32>], vector<16xf32>,
      %parallel_loop3A_538 = arith.addf %parallel_loop3A_498, %parallel_loop3A_537 : vector<16xf32>
      %parallel_loop3A_539 = arith.constant 5 : i32
      %parallel_loop3A_540 = vector.broadcast %parallel_loop3A_539 : i32 to vector<16xi32>
      %parallel_loop3A_541 = arith.addi %parallel_loop3A_513, %parallel_loop3A_540 : vector<16xi32>
      %parallel_loop3A_542 = tpu.vector_load_idx %arg5[%parallel_loop3A_541] : memref<16000xf32, #tpu.memory_space<vmem>>[vector<16xi32>], vector<16xf32>,
      %parallel_loop3A_543 = arith.addf %parallel_loop3A_499, %parallel_loop3A_542 : vector<16xf32>
      %parallel_loop3A_544 = arith.constant 6 : i32
      %parallel_loop3A_545 = vector.broadcast %parallel_loop3A_544 : i32 to vector<16xi32>
      %parallel_loop3A_546 = arith.addi %parallel_loop3A_513, %parallel_loop3A_545 : vector<16xi32>
      %parallel_loop3A_547 = tpu.vector_load_idx %arg5[%parallel_loop3A_546] : memref<16000xf32, #tpu.memory_space<vmem>>[vector<16xi32>], vector<16xf32>,
      %parallel_loop3A_548 = arith.addf %parallel_loop3A_500, %parallel_loop3A_547 : vector<16xf32>
      %parallel_loop3A_549 = arith.constant 7 : i32
      %parallel_loop3A_550 = vector.broadcast %parallel_loop3A_549 : i32 to vector<16xi32>
      %parallel_loop3A_551 = arith.addi %parallel_loop3A_513, %parallel_loop3A_550 : vector<16xi32>
      %parallel_loop3A_552 = tpu.vector_load_idx %arg5[%parallel_loop3A_551] : memref<16000xf32, #tpu.memory_space<vmem>>[vector<16xi32>], vector<16xf32>,
      %parallel_loop3A_553 = arith.addf %parallel_loop3A_501, %parallel_loop3A_552 : vector<16xf32>
      %parallel_loop3A_554 = arith.constant 8 : i32
      %parallel_loop3A_555 = vector.broadcast %parallel_loop3A_554 : i32 to vector<16xi32>
      %parallel_loop3A_556 = arith.addi %parallel_loop3A_513, %parallel_loop3A_555 : vector<16xi32>
      %parallel_loop3A_557 = tpu.vector_load_idx %arg5[%parallel_loop3A_556] : memref<16000xf32, #tpu.memory_space<vmem>>[vector<16xi32>], vector<16xf32>,
      %parallel_loop3A_558 = arith.addf %parallel_loop3A_502, %parallel_loop3A_557 : vector<16xf32>
      %parallel_loop3A_559 = arith.constant 9 : i32
      %parallel_loop3A_560 = vector.broadcast %parallel_loop3A_559 : i32 to vector<16xi32>
      %parallel_loop3A_561 = arith.addi %parallel_loop3A_513, %parallel_loop3A_560 : vector<16xi32>
      %parallel_loop3A_562 = tpu.vector_load_idx %arg5[%parallel_loop3A_561] : memref<16000xf32, #tpu.memory_space<vmem>>[vector<16xi32>], vector<16xf32>,
      %parallel_loop3A_563 = arith.addf %parallel_loop3A_503, %parallel_loop3A_562 : vector<16xf32>
      scf.yield %parallel_loop3A_518, %parallel_loop3A_523, %parallel_loop3A_528, %parallel_loop3A_533, %parallel_loop3A_538, %parallel_loop3A_543, %parallel_loop3A_548, %parallel_loop3A_553, %parallel_loop3A_558, %parallel_loop3A_563 : vector<16xf32>, vector<16xf32>, vector<16xf32>, vector<16xf32>, vector<16xf32>, vector<16xf32>, vector<16xf32>, vector<16xf32>, vector<16xf32>, vector<16xf32>
    } {sc.loop_unroll_factor = 2 : i64, sc.parallel_access}
    %add3A_199 = arith.constant 0 : i32
    %add3A_200 = vector.broadcast %add3A_199 : i32 to vector<16xi32>
    %add3A_201 = arith.addi %mul3A_194, %add3A_200 : vector<16xi32>
    tpu.vector_store_idx %arg7[%add3A_201], %parallel_loop3A_198#0 : memref<2048xf32, #tpu.memory_space<vmem>>[vector<16xi32>], vector<16xf32>,
    %add3A_202 = arith.constant 1 : i32
    %add3A_203 = vector.broadcast %add3A_202 : i32 to vector<16xi32>
    %add3A_204 = arith.addi %mul3A_194, %add3A_203 : vector<16xi32>
    tpu.vector_store_idx %arg7[%add3A_204], %parallel_loop3A_198#1 : memref<2048xf32, #tpu.memory_space<vmem>>[vector<16xi32>], vector<16xf32>,
    %add3A_205 = arith.constant 2 : i32
    %add3A_206 = vector.broadcast %add3A_205 : i32 to vector<16xi32>
    %add3A_207 = arith.addi %mul3A_194, %add3A_206 : vector<16xi32>
    tpu.vector_store_idx %arg7[%add3A_207], %parallel_loop3A_198#2 : memref<2048xf32, #tpu.memory_space<vmem>>[vector<16xi32>], vector<16xf32>,
    %add3A_208 = arith.constant 3 : i32
    %add3A_209 = vector.broadcast %add3A_208 : i32 to vector<16xi32>
    %add3A_210 = arith.addi %mul3A_194, %add3A_209 : vector<16xi32>
    tpu.vector_store_idx %arg7[%add3A_210], %parallel_loop3A_198#3 : memref<2048xf32, #tpu.memory_space<vmem>>[vector<16xi32>], vector<16xf32>,
    %add3A_211 = arith.constant 4 : i32
    %add3A_212 = vector.broadcast %add3A_211 : i32 to vector<16xi32>
    %add3A_213 = arith.addi %mul3A_194, %add3A_212 : vector<16xi32>
    tpu.vector_store_idx %arg7[%add3A_213], %parallel_loop3A_198#4 : memref<2048xf32, #tpu.memory_space<vmem>>[vector<16xi32>], vector<16xf32>,
    %add3A_214 = arith.constant 5 : i32
    %add3A_215 = vector.broadcast %add3A_214 : i32 to vector<16xi32>
    %add3A_216 = arith.addi %mul3A_194, %add3A_215 : vector<16xi32>
    tpu.vector_store_idx %arg7[%add3A_216], %parallel_loop3A_198#5 : memref<2048xf32, #tpu.memory_space<vmem>>[vector<16xi32>], vector<16xf32>,
    %add3A_217 = arith.constant 6 : i32
    %add3A_218 = vector.broadcast %add3A_217 : i32 to vector<16xi32>
    %add3A_219 = arith.addi %mul3A_194, %add3A_218 : vector<16xi32>
    tpu.vector_store_idx %arg7[%add3A_219], %parallel_loop3A_198#6 : memref<2048xf32, #tpu.memory_space<vmem>>[vector<16xi32>], vector<16xf32>,
    %add3A_220 = arith.constant 7 : i32
    %add3A_221 = vector.broadcast %add3A_220 : i32 to vector<16xi32>
    %add3A_222 = arith.addi %mul3A_194, %add3A_221 : vector<16xi32>
    tpu.vector_store_idx %arg7[%add3A_222], %parallel_loop3A_198#7 : memref<2048xf32, #tpu.memory_space<vmem>>[vector<16xi32>], vector<16xf32>,
    %add3A_223 = arith.constant 8 : i32
    %add3A_224 = vector.broadcast %add3A_223 : i32 to vector<16xi32>
    %add3A_225 = arith.addi %mul3A_194, %add3A_224 : vector<16xi32>
    tpu.vector_store_idx %arg7[%add3A_225], %parallel_loop3A_198#8 : memref<2048xf32, #tpu.memory_space<vmem>>[vector<16xi32>], vector<16xf32>,
    %add3A_226 = arith.constant 9 : i32
    %add3A_227 = vector.broadcast %add3A_226 : i32 to vector<16xi32>
    %add3A_228 = arith.addi %mul3A_194, %add3A_227 : vector<16xi32>
    tpu.vector_store_idx %arg7[%add3A_228], %parallel_loop3A_198#9 : memref<2048xf32, #tpu.memory_space<vmem>>[vector<16xi32>], vector<16xf32>,
    %add3A_229 = arith.constant 10 : i32
    %add3A_230 = vector.broadcast %add3A_229 : i32 to vector<16xi32>
    %add3A_231 = arith.addi %mul3A_194, %add3A_230 : vector<16xi32>
    tpu.vector_store_idx %arg7[%add3A_231], %broadcast_in_dim3A_3 : memref<2048xf32, #tpu.memory_space<vmem>>[vector<16xi32>], vector<16xf32>,
    %add3A_232 = arith.constant 11 : i32
    %add3A_233 = vector.broadcast %add3A_232 : i32 to vector<16xi32>
    %add3A_234 = arith.addi %mul3A_194, %add3A_233 : vector<16xi32>
    tpu.vector_store_idx %arg7[%add3A_234], %broadcast_in_dim3A_3 : memref<2048xf32, #tpu.memory_space<vmem>>[vector<16xi32>], vector<16xf32>,
    %add3A_235 = arith.constant 12 : i32
    %add3A_236 = vector.broadcast %add3A_235 : i32 to vector<16xi32>
    %add3A_237 = arith.addi %mul3A_194, %add3A_236 : vector<16xi32>
    tpu.vector_store_idx %arg7[%add3A_237], %broadcast_in_dim3A_3 : memref<2048xf32, #tpu.memory_space<vmem>>[vector<16xi32>], vector<16xf32>,
    %add3A_238 = arith.constant 13 : i32
    %add3A_239 = vector.broadcast %add3A_238 : i32 to vector<16xi32>
    %add3A_240 = arith.addi %mul3A_194, %add3A_239 : vector<16xi32>
    tpu.vector_store_idx %arg7[%add3A_240], %broadcast_in_dim3A_3 : memref<2048xf32, #tpu.memory_space<vmem>>[vector<16xi32>], vector<16xf32>,
    %add3A_241 = arith.constant 14 : i32
    %add3A_242 = vector.broadcast %add3A_241 : i32 to vector<16xi32>
    %add3A_243 = arith.addi %mul3A_194, %add3A_242 : vector<16xi32>
    tpu.vector_store_idx %arg7[%add3A_243], %broadcast_in_dim3A_3 : memref<2048xf32, #tpu.memory_space<vmem>>[vector<16xi32>], vector<16xf32>,
    %add3A_244 = arith.constant 15 : i32
    %add3A_245 = vector.broadcast %add3A_244 : i32 to vector<16xi32>
    %add3A_246 = arith.addi %mul3A_194, %add3A_245 : vector<16xi32>
    tpu.vector_store_idx %arg7[%add3A_246], %broadcast_in_dim3A_3 : memref<2048xf32, #tpu.memory_space<vmem>>[vector<16xi32>], vector<16xf32>,
    %add3A_247 = arith.constant 64 : i32
    %add3A_248 = vector.broadcast %add3A_247 : i32 to vector<16xi32>
    %add3A_249 = arith.addi %add3A_248, %iota3A : vector<16xi32>
    %mul3A_250 = arith.constant 200 : i32
    %mul3A_251 = vector.broadcast %mul3A_250 : i32 to vector<16xi32>
    %mul3A_252 = arith.muli %add3A_249, %mul3A_251 : vector<16xi32>
    %mul3A_253 = arith.constant 16 : i32
    %mul3A_254 = vector.broadcast %mul3A_253 : i32 to vector<16xi32>
    %mul3A_255 = arith.muli %add3A_249, %mul3A_254 : vector<16xi32>
    %parallel_loop3A_256 = arith.constant 0 : i32
    %parallel_loop3A_257 = arith.constant 200 : i32
    %parallel_loop3A_258 = arith.constant 1 : i32
    %parallel_loop3A_259:10 = scf.for %parallel_loop3A_493 = %parallel_loop3A_256 to %parallel_loop3A_257 step %parallel_loop3A_258 iter_args(%parallel_loop3A_494 = %broadcast_in_dim3A_3, %parallel_loop3A_495 = %broadcast_in_dim3A_3, %parallel_loop3A_496 = %broadcast_in_dim3A_3, %parallel_loop3A_497 = %broadcast_in_dim3A_3, %parallel_loop3A_498 = %broadcast_in_dim3A_3, %parallel_loop3A_499 = %broadcast_in_dim3A_3, %parallel_loop3A_500 = %broadcast_in_dim3A_3, %parallel_loop3A_501 = %broadcast_in_dim3A_3, %parallel_loop3A_502 = %broadcast_in_dim3A_3, %parallel_loop3A_503 = %broadcast_in_dim3A_3) -> (vector<16xf32>, vector<16xf32>, vector<16xf32>, vector<16xf32>, vector<16xf32>, vector<16xf32>, vector<16xf32>, vector<16xf32>, vector<16xf32>, vector<16xf32>)  : i32 {
      %parallel_loop3A_504 = vector.broadcast %parallel_loop3A_493 : i32 to vector<16xi32>
      %parallel_loop3A_505 = arith.addi %mul3A_252, %parallel_loop3A_504 : vector<16xi32>
      %parallel_loop3A_506 = tpu.vector_load_idx %arg6[%parallel_loop3A_505] : memref<25600xi32, #tpu.memory_space<vmem>>[vector<16xi32>], vector<16xi32>,
      %parallel_loop3A_507 = arith.constant 3200 : i32
      %parallel_loop3A_508 = vector.broadcast %parallel_loop3A_507 : i32 to vector<16xi32>
      %parallel_loop3A_509 = arith.muli %parallel_loop3A_506, %parallel_loop3A_508 : vector<16xi32>
      %parallel_loop3A_510 = arith.constant 16 : i32
      %parallel_loop3A_511 = arith.muli %parallel_loop3A_493, %parallel_loop3A_510 : i32
      %parallel_loop3A_512 = vector.broadcast %parallel_loop3A_511 : i32 to vector<16xi32>
      %parallel_loop3A_513 = arith.addi %parallel_loop3A_509, %parallel_loop3A_512 : vector<16xi32>
      %parallel_loop3A_514 = arith.constant 0 : i32
      %parallel_loop3A_515 = vector.broadcast %parallel_loop3A_514 : i32 to vector<16xi32>
      %parallel_loop3A_516 = arith.addi %parallel_loop3A_513, %parallel_loop3A_515 : vector<16xi32>
      %parallel_loop3A_517 = tpu.vector_load_idx %arg5[%parallel_loop3A_516] : memref<16000xf32, #tpu.memory_space<vmem>>[vector<16xi32>], vector<16xf32>,
      %parallel_loop3A_518 = arith.addf %parallel_loop3A_494, %parallel_loop3A_517 : vector<16xf32>
      %parallel_loop3A_519 = arith.constant 1 : i32
      %parallel_loop3A_520 = vector.broadcast %parallel_loop3A_519 : i32 to vector<16xi32>
      %parallel_loop3A_521 = arith.addi %parallel_loop3A_513, %parallel_loop3A_520 : vector<16xi32>
      %parallel_loop3A_522 = tpu.vector_load_idx %arg5[%parallel_loop3A_521] : memref<16000xf32, #tpu.memory_space<vmem>>[vector<16xi32>], vector<16xf32>,
      %parallel_loop3A_523 = arith.addf %parallel_loop3A_495, %parallel_loop3A_522 : vector<16xf32>
      %parallel_loop3A_524 = arith.constant 2 : i32
      %parallel_loop3A_525 = vector.broadcast %parallel_loop3A_524 : i32 to vector<16xi32>
      %parallel_loop3A_526 = arith.addi %parallel_loop3A_513, %parallel_loop3A_525 : vector<16xi32>
      %parallel_loop3A_527 = tpu.vector_load_idx %arg5[%parallel_loop3A_526] : memref<16000xf32, #tpu.memory_space<vmem>>[vector<16xi32>], vector<16xf32>,
      %parallel_loop3A_528 = arith.addf %parallel_loop3A_496, %parallel_loop3A_527 : vector<16xf32>
      %parallel_loop3A_529 = arith.constant 3 : i32
      %parallel_loop3A_530 = vector.broadcast %parallel_loop3A_529 : i32 to vector<16xi32>
      %parallel_loop3A_531 = arith.addi %parallel_loop3A_513, %parallel_loop3A_530 : vector<16xi32>
      %parallel_loop3A_532 = tpu.vector_load_idx %arg5[%parallel_loop3A_531] : memref<16000xf32, #tpu.memory_space<vmem>>[vector<16xi32>], vector<16xf32>,
      %parallel_loop3A_533 = arith.addf %parallel_loop3A_497, %parallel_loop3A_532 : vector<16xf32>
      %parallel_loop3A_534 = arith.constant 4 : i32
      %parallel_loop3A_535 = vector.broadcast %parallel_loop3A_534 : i32 to vector<16xi32>
      %parallel_loop3A_536 = arith.addi %parallel_loop3A_513, %parallel_loop3A_535 : vector<16xi32>
      %parallel_loop3A_537 = tpu.vector_load_idx %arg5[%parallel_loop3A_536] : memref<16000xf32, #tpu.memory_space<vmem>>[vector<16xi32>], vector<16xf32>,
      %parallel_loop3A_538 = arith.addf %parallel_loop3A_498, %parallel_loop3A_537 : vector<16xf32>
      %parallel_loop3A_539 = arith.constant 5 : i32
      %parallel_loop3A_540 = vector.broadcast %parallel_loop3A_539 : i32 to vector<16xi32>
      %parallel_loop3A_541 = arith.addi %parallel_loop3A_513, %parallel_loop3A_540 : vector<16xi32>
      %parallel_loop3A_542 = tpu.vector_load_idx %arg5[%parallel_loop3A_541] : memref<16000xf32, #tpu.memory_space<vmem>>[vector<16xi32>], vector<16xf32>,
      %parallel_loop3A_543 = arith.addf %parallel_loop3A_499, %parallel_loop3A_542 : vector<16xf32>
      %parallel_loop3A_544 = arith.constant 6 : i32
      %parallel_loop3A_545 = vector.broadcast %parallel_loop3A_544 : i32 to vector<16xi32>
      %parallel_loop3A_546 = arith.addi %parallel_loop3A_513, %parallel_loop3A_545 : vector<16xi32>
      %parallel_loop3A_547 = tpu.vector_load_idx %arg5[%parallel_loop3A_546] : memref<16000xf32, #tpu.memory_space<vmem>>[vector<16xi32>], vector<16xf32>,
      %parallel_loop3A_548 = arith.addf %parallel_loop3A_500, %parallel_loop3A_547 : vector<16xf32>
      %parallel_loop3A_549 = arith.constant 7 : i32
      %parallel_loop3A_550 = vector.broadcast %parallel_loop3A_549 : i32 to vector<16xi32>
      %parallel_loop3A_551 = arith.addi %parallel_loop3A_513, %parallel_loop3A_550 : vector<16xi32>
      %parallel_loop3A_552 = tpu.vector_load_idx %arg5[%parallel_loop3A_551] : memref<16000xf32, #tpu.memory_space<vmem>>[vector<16xi32>], vector<16xf32>,
      %parallel_loop3A_553 = arith.addf %parallel_loop3A_501, %parallel_loop3A_552 : vector<16xf32>
      %parallel_loop3A_554 = arith.constant 8 : i32
      %parallel_loop3A_555 = vector.broadcast %parallel_loop3A_554 : i32 to vector<16xi32>
      %parallel_loop3A_556 = arith.addi %parallel_loop3A_513, %parallel_loop3A_555 : vector<16xi32>
      %parallel_loop3A_557 = tpu.vector_load_idx %arg5[%parallel_loop3A_556] : memref<16000xf32, #tpu.memory_space<vmem>>[vector<16xi32>], vector<16xf32>,
      %parallel_loop3A_558 = arith.addf %parallel_loop3A_502, %parallel_loop3A_557 : vector<16xf32>
      %parallel_loop3A_559 = arith.constant 9 : i32
      %parallel_loop3A_560 = vector.broadcast %parallel_loop3A_559 : i32 to vector<16xi32>
      %parallel_loop3A_561 = arith.addi %parallel_loop3A_513, %parallel_loop3A_560 : vector<16xi32>
      %parallel_loop3A_562 = tpu.vector_load_idx %arg5[%parallel_loop3A_561] : memref<16000xf32, #tpu.memory_space<vmem>>[vector<16xi32>], vector<16xf32>,
      %parallel_loop3A_563 = arith.addf %parallel_loop3A_503, %parallel_loop3A_562 : vector<16xf32>
      scf.yield %parallel_loop3A_518, %parallel_loop3A_523, %parallel_loop3A_528, %parallel_loop3A_533, %parallel_loop3A_538, %parallel_loop3A_543, %parallel_loop3A_548, %parallel_loop3A_553, %parallel_loop3A_558, %parallel_loop3A_563 : vector<16xf32>, vector<16xf32>, vector<16xf32>, vector<16xf32>, vector<16xf32>, vector<16xf32>, vector<16xf32>, vector<16xf32>, vector<16xf32>, vector<16xf32>
    } {sc.loop_unroll_factor = 2 : i64, sc.parallel_access}
    %add3A_260 = arith.constant 0 : i32
    %add3A_261 = vector.broadcast %add3A_260 : i32 to vector<16xi32>
    %add3A_262 = arith.addi %mul3A_255, %add3A_261 : vector<16xi32>
    tpu.vector_store_idx %arg7[%add3A_262], %parallel_loop3A_259#0 : memref<2048xf32, #tpu.memory_space<vmem>>[vector<16xi32>], vector<16xf32>,
    %add3A_263 = arith.constant 1 : i32
    %add3A_264 = vector.broadcast %add3A_263 : i32 to vector<16xi32>
    %add3A_265 = arith.addi %mul3A_255, %add3A_264 : vector<16xi32>
    tpu.vector_store_idx %arg7[%add3A_265], %parallel_loop3A_259#1 : memref<2048xf32, #tpu.memory_space<vmem>>[vector<16xi32>], vector<16xf32>,
    %add3A_266 = arith.constant 2 : i32
    %add3A_267 = vector.broadcast %add3A_266 : i32 to vector<16xi32>
    %add3A_268 = arith.addi %mul3A_255, %add3A_267 : vector<16xi32>
    tpu.vector_store_idx %arg7[%add3A_268], %parallel_loop3A_259#2 : memref<2048xf32, #tpu.memory_space<vmem>>[vector<16xi32>], vector<16xf32>,
    %add3A_269 = arith.constant 3 : i32
    %add3A_270 = vector.broadcast %add3A_269 : i32 to vector<16xi32>
    %add3A_271 = arith.addi %mul3A_255, %add3A_270 : vector<16xi32>
    tpu.vector_store_idx %arg7[%add3A_271], %parallel_loop3A_259#3 : memref<2048xf32, #tpu.memory_space<vmem>>[vector<16xi32>], vector<16xf32>,
    %add3A_272 = arith.constant 4 : i32
    %add3A_273 = vector.broadcast %add3A_272 : i32 to vector<16xi32>
    %add3A_274 = arith.addi %mul3A_255, %add3A_273 : vector<16xi32>
    tpu.vector_store_idx %arg7[%add3A_274], %parallel_loop3A_259#4 : memref<2048xf32, #tpu.memory_space<vmem>>[vector<16xi32>], vector<16xf32>,
    %add3A_275 = arith.constant 5 : i32
    %add3A_276 = vector.broadcast %add3A_275 : i32 to vector<16xi32>
    %add3A_277 = arith.addi %mul3A_255, %add3A_276 : vector<16xi32>
    tpu.vector_store_idx %arg7[%add3A_277], %parallel_loop3A_259#5 : memref<2048xf32, #tpu.memory_space<vmem>>[vector<16xi32>], vector<16xf32>,
    %add3A_278 = arith.constant 6 : i32
    %add3A_279 = vector.broadcast %add3A_278 : i32 to vector<16xi32>
    %add3A_280 = arith.addi %mul3A_255, %add3A_279 : vector<16xi32>
    tpu.vector_store_idx %arg7[%add3A_280], %parallel_loop3A_259#6 : memref<2048xf32, #tpu.memory_space<vmem>>[vector<16xi32>], vector<16xf32>,
    %add3A_281 = arith.constant 7 : i32
    %add3A_282 = vector.broadcast %add3A_281 : i32 to vector<16xi32>
    %add3A_283 = arith.addi %mul3A_255, %add3A_282 : vector<16xi32>
    tpu.vector_store_idx %arg7[%add3A_283], %parallel_loop3A_259#7 : memref<2048xf32, #tpu.memory_space<vmem>>[vector<16xi32>], vector<16xf32>,
    %add3A_284 = arith.constant 8 : i32
    %add3A_285 = vector.broadcast %add3A_284 : i32 to vector<16xi32>
    %add3A_286 = arith.addi %mul3A_255, %add3A_285 : vector<16xi32>
    tpu.vector_store_idx %arg7[%add3A_286], %parallel_loop3A_259#8 : memref<2048xf32, #tpu.memory_space<vmem>>[vector<16xi32>], vector<16xf32>,
    %add3A_287 = arith.constant 9 : i32
    %add3A_288 = vector.broadcast %add3A_287 : i32 to vector<16xi32>
    %add3A_289 = arith.addi %mul3A_255, %add3A_288 : vector<16xi32>
    tpu.vector_store_idx %arg7[%add3A_289], %parallel_loop3A_259#9 : memref<2048xf32, #tpu.memory_space<vmem>>[vector<16xi32>], vector<16xf32>,
    %add3A_290 = arith.constant 10 : i32
    %add3A_291 = vector.broadcast %add3A_290 : i32 to vector<16xi32>
    %add3A_292 = arith.addi %mul3A_255, %add3A_291 : vector<16xi32>
    tpu.vector_store_idx %arg7[%add3A_292], %broadcast_in_dim3A_3 : memref<2048xf32, #tpu.memory_space<vmem>>[vector<16xi32>], vector<16xf32>,
    %add3A_293 = arith.constant 11 : i32
    %add3A_294 = vector.broadcast %add3A_293 : i32 to vector<16xi32>
    %add3A_295 = arith.addi %mul3A_255, %add3A_294 : vector<16xi32>
    tpu.vector_store_idx %arg7[%add3A_295], %broadcast_in_dim3A_3 : memref<2048xf32, #tpu.memory_space<vmem>>[vector<16xi32>], vector<16xf32>,
    %add3A_296 = arith.constant 12 : i32
    %add3A_297 = vector.broadcast %add3A_296 : i32 to vector<16xi32>
    %add3A_298 = arith.addi %mul3A_255, %add3A_297 : vector<16xi32>
    tpu.vector_store_idx %arg7[%add3A_298], %broadcast_in_dim3A_3 : memref<2048xf32, #tpu.memory_space<vmem>>[vector<16xi32>], vector<16xf32>,
    %add3A_299 = arith.constant 13 : i32
    %add3A_300 = vector.broadcast %add3A_299 : i32 to vector<16xi32>
    %add3A_301 = arith.addi %mul3A_255, %add3A_300 : vector<16xi32>
    tpu.vector_store_idx %arg7[%add3A_301], %broadcast_in_dim3A_3 : memref<2048xf32, #tpu.memory_space<vmem>>[vector<16xi32>], vector<16xf32>,
    %add3A_302 = arith.constant 14 : i32
    %add3A_303 = vector.broadcast %add3A_302 : i32 to vector<16xi32>
    %add3A_304 = arith.addi %mul3A_255, %add3A_303 : vector<16xi32>
    tpu.vector_store_idx %arg7[%add3A_304], %broadcast_in_dim3A_3 : memref<2048xf32, #tpu.memory_space<vmem>>[vector<16xi32>], vector<16xf32>,
    %add3A_305 = arith.constant 15 : i32
    %add3A_306 = vector.broadcast %add3A_305 : i32 to vector<16xi32>
    %add3A_307 = arith.addi %mul3A_255, %add3A_306 : vector<16xi32>
    tpu.vector_store_idx %arg7[%add3A_307], %broadcast_in_dim3A_3 : memref<2048xf32, #tpu.memory_space<vmem>>[vector<16xi32>], vector<16xf32>,
    %add3A_308 = arith.constant 80 : i32
    %add3A_309 = vector.broadcast %add3A_308 : i32 to vector<16xi32>
    %add3A_310 = arith.addi %add3A_309, %iota3A : vector<16xi32>
    %mul3A_311 = arith.constant 200 : i32
    %mul3A_312 = vector.broadcast %mul3A_311 : i32 to vector<16xi32>
    %mul3A_313 = arith.muli %add3A_310, %mul3A_312 : vector<16xi32>
    %mul3A_314 = arith.constant 16 : i32
    %mul3A_315 = vector.broadcast %mul3A_314 : i32 to vector<16xi32>
    %mul3A_316 = arith.muli %add3A_310, %mul3A_315 : vector<16xi32>
    %parallel_loop3A_317 = arith.constant 0 : i32
    %parallel_loop3A_318 = arith.constant 200 : i32
    %parallel_loop3A_319 = arith.constant 1 : i32
    %parallel_loop3A_320:10 = scf.for %parallel_loop3A_493 = %parallel_loop3A_317 to %parallel_loop3A_318 step %parallel_loop3A_319 iter_args(%parallel_loop3A_494 = %broadcast_in_dim3A_3, %parallel_loop3A_495 = %broadcast_in_dim3A_3, %parallel_loop3A_496 = %broadcast_in_dim3A_3, %parallel_loop3A_497 = %broadcast_in_dim3A_3, %parallel_loop3A_498 = %broadcast_in_dim3A_3, %parallel_loop3A_499 = %broadcast_in_dim3A_3, %parallel_loop3A_500 = %broadcast_in_dim3A_3, %parallel_loop3A_501 = %broadcast_in_dim3A_3, %parallel_loop3A_502 = %broadcast_in_dim3A_3, %parallel_loop3A_503 = %broadcast_in_dim3A_3) -> (vector<16xf32>, vector<16xf32>, vector<16xf32>, vector<16xf32>, vector<16xf32>, vector<16xf32>, vector<16xf32>, vector<16xf32>, vector<16xf32>, vector<16xf32>)  : i32 {
      %parallel_loop3A_504 = vector.broadcast %parallel_loop3A_493 : i32 to vector<16xi32>
      %parallel_loop3A_505 = arith.addi %mul3A_313, %parallel_loop3A_504 : vector<16xi32>
      %parallel_loop3A_506 = tpu.vector_load_idx %arg6[%parallel_loop3A_505] : memref<25600xi32, #tpu.memory_space<vmem>>[vector<16xi32>], vector<16xi32>,
      %parallel_loop3A_507 = arith.constant 3200 : i32
      %parallel_loop3A_508 = vector.broadcast %parallel_loop3A_507 : i32 to vector<16xi32>
      %parallel_loop3A_509 = arith.muli %parallel_loop3A_506, %parallel_loop3A_508 : vector<16xi32>
      %parallel_loop3A_510 = arith.constant 16 : i32
      %parallel_loop3A_511 = arith.muli %parallel_loop3A_493, %parallel_loop3A_510 : i32
      %parallel_loop3A_512 = vector.broadcast %parallel_loop3A_511 : i32 to vector<16xi32>
      %parallel_loop3A_513 = arith.addi %parallel_loop3A_509, %parallel_loop3A_512 : vector<16xi32>
      %parallel_loop3A_514 = arith.constant 0 : i32
      %parallel_loop3A_515 = vector.broadcast %parallel_loop3A_514 : i32 to vector<16xi32>
      %parallel_loop3A_516 = arith.addi %parallel_loop3A_513, %parallel_loop3A_515 : vector<16xi32>
      %parallel_loop3A_517 = tpu.vector_load_idx %arg5[%parallel_loop3A_516] : memref<16000xf32, #tpu.memory_space<vmem>>[vector<16xi32>], vector<16xf32>,
      %parallel_loop3A_518 = arith.addf %parallel_loop3A_494, %parallel_loop3A_517 : vector<16xf32>
      %parallel_loop3A_519 = arith.constant 1 : i32
      %parallel_loop3A_520 = vector.broadcast %parallel_loop3A_519 : i32 to vector<16xi32>
      %parallel_loop3A_521 = arith.addi %parallel_loop3A_513, %parallel_loop3A_520 : vector<16xi32>
      %parallel_loop3A_522 = tpu.vector_load_idx %arg5[%parallel_loop3A_521] : memref<16000xf32, #tpu.memory_space<vmem>>[vector<16xi32>], vector<16xf32>,
      %parallel_loop3A_523 = arith.addf %parallel_loop3A_495, %parallel_loop3A_522 : vector<16xf32>
      %parallel_loop3A_524 = arith.constant 2 : i32
      %parallel_loop3A_525 = vector.broadcast %parallel_loop3A_524 : i32 to vector<16xi32>
      %parallel_loop3A_526 = arith.addi %parallel_loop3A_513, %parallel_loop3A_525 : vector<16xi32>
      %parallel_loop3A_527 = tpu.vector_load_idx %arg5[%parallel_loop3A_526] : memref<16000xf32, #tpu.memory_space<vmem>>[vector<16xi32>], vector<16xf32>,
      %parallel_loop3A_528 = arith.addf %parallel_loop3A_496, %parallel_loop3A_527 : vector<16xf32>
      %parallel_loop3A_529 = arith.constant 3 : i32
      %parallel_loop3A_530 = vector.broadcast %parallel_loop3A_529 : i32 to vector<16xi32>
      %parallel_loop3A_531 = arith.addi %parallel_loop3A_513, %parallel_loop3A_530 : vector<16xi32>
      %parallel_loop3A_532 = tpu.vector_load_idx %arg5[%parallel_loop3A_531] : memref<16000xf32, #tpu.memory_space<vmem>>[vector<16xi32>], vector<16xf32>,
      %parallel_loop3A_533 = arith.addf %parallel_loop3A_497, %parallel_loop3A_532 : vector<16xf32>
      %parallel_loop3A_534 = arith.constant 4 : i32
      %parallel_loop3A_535 = vector.broadcast %parallel_loop3A_534 : i32 to vector<16xi32>
      %parallel_loop3A_536 = arith.addi %parallel_loop3A_513, %parallel_loop3A_535 : vector<16xi32>
      %parallel_loop3A_537 = tpu.vector_load_idx %arg5[%parallel_loop3A_536] : memref<16000xf32, #tpu.memory_space<vmem>>[vector<16xi32>], vector<16xf32>,
      %parallel_loop3A_538 = arith.addf %parallel_loop3A_498, %parallel_loop3A_537 : vector<16xf32>
      %parallel_loop3A_539 = arith.constant 5 : i32
      %parallel_loop3A_540 = vector.broadcast %parallel_loop3A_539 : i32 to vector<16xi32>
      %parallel_loop3A_541 = arith.addi %parallel_loop3A_513, %parallel_loop3A_540 : vector<16xi32>
      %parallel_loop3A_542 = tpu.vector_load_idx %arg5[%parallel_loop3A_541] : memref<16000xf32, #tpu.memory_space<vmem>>[vector<16xi32>], vector<16xf32>,
      %parallel_loop3A_543 = arith.addf %parallel_loop3A_499, %parallel_loop3A_542 : vector<16xf32>
      %parallel_loop3A_544 = arith.constant 6 : i32
      %parallel_loop3A_545 = vector.broadcast %parallel_loop3A_544 : i32 to vector<16xi32>
      %parallel_loop3A_546 = arith.addi %parallel_loop3A_513, %parallel_loop3A_545 : vector<16xi32>
      %parallel_loop3A_547 = tpu.vector_load_idx %arg5[%parallel_loop3A_546] : memref<16000xf32, #tpu.memory_space<vmem>>[vector<16xi32>], vector<16xf32>,
      %parallel_loop3A_548 = arith.addf %parallel_loop3A_500, %parallel_loop3A_547 : vector<16xf32>
      %parallel_loop3A_549 = arith.constant 7 : i32
      %parallel_loop3A_550 = vector.broadcast %parallel_loop3A_549 : i32 to vector<16xi32>
      %parallel_loop3A_551 = arith.addi %parallel_loop3A_513, %parallel_loop3A_550 : vector<16xi32>
      %parallel_loop3A_552 = tpu.vector_load_idx %arg5[%parallel_loop3A_551] : memref<16000xf32, #tpu.memory_space<vmem>>[vector<16xi32>], vector<16xf32>,
      %parallel_loop3A_553 = arith.addf %parallel_loop3A_501, %parallel_loop3A_552 : vector<16xf32>
      %parallel_loop3A_554 = arith.constant 8 : i32
      %parallel_loop3A_555 = vector.broadcast %parallel_loop3A_554 : i32 to vector<16xi32>
      %parallel_loop3A_556 = arith.addi %parallel_loop3A_513, %parallel_loop3A_555 : vector<16xi32>
      %parallel_loop3A_557 = tpu.vector_load_idx %arg5[%parallel_loop3A_556] : memref<16000xf32, #tpu.memory_space<vmem>>[vector<16xi32>], vector<16xf32>,
      %parallel_loop3A_558 = arith.addf %parallel_loop3A_502, %parallel_loop3A_557 : vector<16xf32>
      %parallel_loop3A_559 = arith.constant 9 : i32
      %parallel_loop3A_560 = vector.broadcast %parallel_loop3A_559 : i32 to vector<16xi32>
      %parallel_loop3A_561 = arith.addi %parallel_loop3A_513, %parallel_loop3A_560 : vector<16xi32>
      %parallel_loop3A_562 = tpu.vector_load_idx %arg5[%parallel_loop3A_561] : memref<16000xf32, #tpu.memory_space<vmem>>[vector<16xi32>], vector<16xf32>,
      %parallel_loop3A_563 = arith.addf %parallel_loop3A_503, %parallel_loop3A_562 : vector<16xf32>
      scf.yield %parallel_loop3A_518, %parallel_loop3A_523, %parallel_loop3A_528, %parallel_loop3A_533, %parallel_loop3A_538, %parallel_loop3A_543, %parallel_loop3A_548, %parallel_loop3A_553, %parallel_loop3A_558, %parallel_loop3A_563 : vector<16xf32>, vector<16xf32>, vector<16xf32>, vector<16xf32>, vector<16xf32>, vector<16xf32>, vector<16xf32>, vector<16xf32>, vector<16xf32>, vector<16xf32>
    } {sc.loop_unroll_factor = 2 : i64, sc.parallel_access}
    %add3A_321 = arith.constant 0 : i32
    %add3A_322 = vector.broadcast %add3A_321 : i32 to vector<16xi32>
    %add3A_323 = arith.addi %mul3A_316, %add3A_322 : vector<16xi32>
    tpu.vector_store_idx %arg7[%add3A_323], %parallel_loop3A_320#0 : memref<2048xf32, #tpu.memory_space<vmem>>[vector<16xi32>], vector<16xf32>,
    %add3A_324 = arith.constant 1 : i32
    %add3A_325 = vector.broadcast %add3A_324 : i32 to vector<16xi32>
    %add3A_326 = arith.addi %mul3A_316, %add3A_325 : vector<16xi32>
    tpu.vector_store_idx %arg7[%add3A_326], %parallel_loop3A_320#1 : memref<2048xf32, #tpu.memory_space<vmem>>[vector<16xi32>], vector<16xf32>,
    %add3A_327 = arith.constant 2 : i32
    %add3A_328 = vector.broadcast %add3A_327 : i32 to vector<16xi32>
    %add3A_329 = arith.addi %mul3A_316, %add3A_328 : vector<16xi32>
    tpu.vector_store_idx %arg7[%add3A_329], %parallel_loop3A_320#2 : memref<2048xf32, #tpu.memory_space<vmem>>[vector<16xi32>], vector<16xf32>,
    %add3A_330 = arith.constant 3 : i32
    %add3A_331 = vector.broadcast %add3A_330 : i32 to vector<16xi32>
    %add3A_332 = arith.addi %mul3A_316, %add3A_331 : vector<16xi32>
    tpu.vector_store_idx %arg7[%add3A_332], %parallel_loop3A_320#3 : memref<2048xf32, #tpu.memory_space<vmem>>[vector<16xi32>], vector<16xf32>,
    %add3A_333 = arith.constant 4 : i32
    %add3A_334 = vector.broadcast %add3A_333 : i32 to vector<16xi32>
    %add3A_335 = arith.addi %mul3A_316, %add3A_334 : vector<16xi32>
    tpu.vector_store_idx %arg7[%add3A_335], %parallel_loop3A_320#4 : memref<2048xf32, #tpu.memory_space<vmem>>[vector<16xi32>], vector<16xf32>,
    %add3A_336 = arith.constant 5 : i32
    %add3A_337 = vector.broadcast %add3A_336 : i32 to vector<16xi32>
    %add3A_338 = arith.addi %mul3A_316, %add3A_337 : vector<16xi32>
    tpu.vector_store_idx %arg7[%add3A_338], %parallel_loop3A_320#5 : memref<2048xf32, #tpu.memory_space<vmem>>[vector<16xi32>], vector<16xf32>,
    %add3A_339 = arith.constant 6 : i32
    %add3A_340 = vector.broadcast %add3A_339 : i32 to vector<16xi32>
    %add3A_341 = arith.addi %mul3A_316, %add3A_340 : vector<16xi32>
    tpu.vector_store_idx %arg7[%add3A_341], %parallel_loop3A_320#6 : memref<2048xf32, #tpu.memory_space<vmem>>[vector<16xi32>], vector<16xf32>,
    %add3A_342 = arith.constant 7 : i32
    %add3A_343 = vector.broadcast %add3A_342 : i32 to vector<16xi32>
    %add3A_344 = arith.addi %mul3A_316, %add3A_343 : vector<16xi32>
    tpu.vector_store_idx %arg7[%add3A_344], %parallel_loop3A_320#7 : memref<2048xf32, #tpu.memory_space<vmem>>[vector<16xi32>], vector<16xf32>,
    %add3A_345 = arith.constant 8 : i32
    %add3A_346 = vector.broadcast %add3A_345 : i32 to vector<16xi32>
    %add3A_347 = arith.addi %mul3A_316, %add3A_346 : vector<16xi32>
    tpu.vector_store_idx %arg7[%add3A_347], %parallel_loop3A_320#8 : memref<2048xf32, #tpu.memory_space<vmem>>[vector<16xi32>], vector<16xf32>,
    %add3A_348 = arith.constant 9 : i32
    %add3A_349 = vector.broadcast %add3A_348 : i32 to vector<16xi32>
    %add3A_350 = arith.addi %mul3A_316, %add3A_349 : vector<16xi32>
    tpu.vector_store_idx %arg7[%add3A_350], %parallel_loop3A_320#9 : memref<2048xf32, #tpu.memory_space<vmem>>[vector<16xi32>], vector<16xf32>,
    %add3A_351 = arith.constant 10 : i32
    %add3A_352 = vector.broadcast %add3A_351 : i32 to vector<16xi32>
    %add3A_353 = arith.addi %mul3A_316, %add3A_352 : vector<16xi32>
    tpu.vector_store_idx %arg7[%add3A_353], %broadcast_in_dim3A_3 : memref<2048xf32, #tpu.memory_space<vmem>>[vector<16xi32>], vector<16xf32>,
    %add3A_354 = arith.constant 11 : i32
    %add3A_355 = vector.broadcast %add3A_354 : i32 to vector<16xi32>
    %add3A_356 = arith.addi %mul3A_316, %add3A_355 : vector<16xi32>
    tpu.vector_store_idx %arg7[%add3A_356], %broadcast_in_dim3A_3 : memref<2048xf32, #tpu.memory_space<vmem>>[vector<16xi32>], vector<16xf32>,
    %add3A_357 = arith.constant 12 : i32
    %add3A_358 = vector.broadcast %add3A_357 : i32 to vector<16xi32>
    %add3A_359 = arith.addi %mul3A_316, %add3A_358 : vector<16xi32>
    tpu.vector_store_idx %arg7[%add3A_359], %broadcast_in_dim3A_3 : memref<2048xf32, #tpu.memory_space<vmem>>[vector<16xi32>], vector<16xf32>,
    %add3A_360 = arith.constant 13 : i32
    %add3A_361 = vector.broadcast %add3A_360 : i32 to vector<16xi32>
    %add3A_362 = arith.addi %mul3A_316, %add3A_361 : vector<16xi32>
    tpu.vector_store_idx %arg7[%add3A_362], %broadcast_in_dim3A_3 : memref<2048xf32, #tpu.memory_space<vmem>>[vector<16xi32>], vector<16xf32>,
    %add3A_363 = arith.constant 14 : i32
    %add3A_364 = vector.broadcast %add3A_363 : i32 to vector<16xi32>
    %add3A_365 = arith.addi %mul3A_316, %add3A_364 : vector<16xi32>
    tpu.vector_store_idx %arg7[%add3A_365], %broadcast_in_dim3A_3 : memref<2048xf32, #tpu.memory_space<vmem>>[vector<16xi32>], vector<16xf32>,
    %add3A_366 = arith.constant 15 : i32
    %add3A_367 = vector.broadcast %add3A_366 : i32 to vector<16xi32>
    %add3A_368 = arith.addi %mul3A_316, %add3A_367 : vector<16xi32>
    tpu.vector_store_idx %arg7[%add3A_368], %broadcast_in_dim3A_3 : memref<2048xf32, #tpu.memory_space<vmem>>[vector<16xi32>], vector<16xf32>,
    %add3A_369 = arith.constant 96 : i32
    %add3A_370 = vector.broadcast %add3A_369 : i32 to vector<16xi32>
    %add3A_371 = arith.addi %add3A_370, %iota3A : vector<16xi32>
    %mul3A_372 = arith.constant 200 : i32
    %mul3A_373 = vector.broadcast %mul3A_372 : i32 to vector<16xi32>
    %mul3A_374 = arith.muli %add3A_371, %mul3A_373 : vector<16xi32>
    %mul3A_375 = arith.constant 16 : i32
    %mul3A_376 = vector.broadcast %mul3A_375 : i32 to vector<16xi32>
    %mul3A_377 = arith.muli %add3A_371, %mul3A_376 : vector<16xi32>
    %parallel_loop3A_378 = arith.constant 0 : i32
    %parallel_loop3A_379 = arith.constant 200 : i32
    %parallel_loop3A_380 = arith.constant 1 : i32
    %parallel_loop3A_381:10 = scf.for %parallel_loop3A_493 = %parallel_loop3A_378 to %parallel_loop3A_379 step %parallel_loop3A_380 iter_args(%parallel_loop3A_494 = %broadcast_in_dim3A_3, %parallel_loop3A_495 = %broadcast_in_dim3A_3, %parallel_loop3A_496 = %broadcast_in_dim3A_3, %parallel_loop3A_497 = %broadcast_in_dim3A_3, %parallel_loop3A_498 = %broadcast_in_dim3A_3, %parallel_loop3A_499 = %broadcast_in_dim3A_3, %parallel_loop3A_500 = %broadcast_in_dim3A_3, %parallel_loop3A_501 = %broadcast_in_dim3A_3, %parallel_loop3A_502 = %broadcast_in_dim3A_3, %parallel_loop3A_503 = %broadcast_in_dim3A_3) -> (vector<16xf32>, vector<16xf32>, vector<16xf32>, vector<16xf32>, vector<16xf32>, vector<16xf32>, vector<16xf32>, vector<16xf32>, vector<16xf32>, vector<16xf32>)  : i32 {
      %parallel_loop3A_504 = vector.broadcast %parallel_loop3A_493 : i32 to vector<16xi32>
      %parallel_loop3A_505 = arith.addi %mul3A_374, %parallel_loop3A_504 : vector<16xi32>
      %parallel_loop3A_506 = tpu.vector_load_idx %arg6[%parallel_loop3A_505] : memref<25600xi32, #tpu.memory_space<vmem>>[vector<16xi32>], vector<16xi32>,
      %parallel_loop3A_507 = arith.constant 3200 : i32
      %parallel_loop3A_508 = vector.broadcast %parallel_loop3A_507 : i32 to vector<16xi32>
      %parallel_loop3A_509 = arith.muli %parallel_loop3A_506, %parallel_loop3A_508 : vector<16xi32>
      %parallel_loop3A_510 = arith.constant 16 : i32
      %parallel_loop3A_511 = arith.muli %parallel_loop3A_493, %parallel_loop3A_510 : i32
      %parallel_loop3A_512 = vector.broadcast %parallel_loop3A_511 : i32 to vector<16xi32>
      %parallel_loop3A_513 = arith.addi %parallel_loop3A_509, %parallel_loop3A_512 : vector<16xi32>
      %parallel_loop3A_514 = arith.constant 0 : i32
      %parallel_loop3A_515 = vector.broadcast %parallel_loop3A_514 : i32 to vector<16xi32>
      %parallel_loop3A_516 = arith.addi %parallel_loop3A_513, %parallel_loop3A_515 : vector<16xi32>
      %parallel_loop3A_517 = tpu.vector_load_idx %arg5[%parallel_loop3A_516] : memref<16000xf32, #tpu.memory_space<vmem>>[vector<16xi32>], vector<16xf32>,
      %parallel_loop3A_518 = arith.addf %parallel_loop3A_494, %parallel_loop3A_517 : vector<16xf32>
      %parallel_loop3A_519 = arith.constant 1 : i32
      %parallel_loop3A_520 = vector.broadcast %parallel_loop3A_519 : i32 to vector<16xi32>
      %parallel_loop3A_521 = arith.addi %parallel_loop3A_513, %parallel_loop3A_520 : vector<16xi32>
      %parallel_loop3A_522 = tpu.vector_load_idx %arg5[%parallel_loop3A_521] : memref<16000xf32, #tpu.memory_space<vmem>>[vector<16xi32>], vector<16xf32>,
      %parallel_loop3A_523 = arith.addf %parallel_loop3A_495, %parallel_loop3A_522 : vector<16xf32>
      %parallel_loop3A_524 = arith.constant 2 : i32
      %parallel_loop3A_525 = vector.broadcast %parallel_loop3A_524 : i32 to vector<16xi32>
      %parallel_loop3A_526 = arith.addi %parallel_loop3A_513, %parallel_loop3A_525 : vector<16xi32>
      %parallel_loop3A_527 = tpu.vector_load_idx %arg5[%parallel_loop3A_526] : memref<16000xf32, #tpu.memory_space<vmem>>[vector<16xi32>], vector<16xf32>,
      %parallel_loop3A_528 = arith.addf %parallel_loop3A_496, %parallel_loop3A_527 : vector<16xf32>
      %parallel_loop3A_529 = arith.constant 3 : i32
      %parallel_loop3A_530 = vector.broadcast %parallel_loop3A_529 : i32 to vector<16xi32>
      %parallel_loop3A_531 = arith.addi %parallel_loop3A_513, %parallel_loop3A_530 : vector<16xi32>
      %parallel_loop3A_532 = tpu.vector_load_idx %arg5[%parallel_loop3A_531] : memref<16000xf32, #tpu.memory_space<vmem>>[vector<16xi32>], vector<16xf32>,
      %parallel_loop3A_533 = arith.addf %parallel_loop3A_497, %parallel_loop3A_532 : vector<16xf32>
      %parallel_loop3A_534 = arith.constant 4 : i32
      %parallel_loop3A_535 = vector.broadcast %parallel_loop3A_534 : i32 to vector<16xi32>
      %parallel_loop3A_536 = arith.addi %parallel_loop3A_513, %parallel_loop3A_535 : vector<16xi32>
      %parallel_loop3A_537 = tpu.vector_load_idx %arg5[%parallel_loop3A_536] : memref<16000xf32, #tpu.memory_space<vmem>>[vector<16xi32>], vector<16xf32>,
      %parallel_loop3A_538 = arith.addf %parallel_loop3A_498, %parallel_loop3A_537 : vector<16xf32>
      %parallel_loop3A_539 = arith.constant 5 : i32
      %parallel_loop3A_540 = vector.broadcast %parallel_loop3A_539 : i32 to vector<16xi32>
      %parallel_loop3A_541 = arith.addi %parallel_loop3A_513, %parallel_loop3A_540 : vector<16xi32>
      %parallel_loop3A_542 = tpu.vector_load_idx %arg5[%parallel_loop3A_541] : memref<16000xf32, #tpu.memory_space<vmem>>[vector<16xi32>], vector<16xf32>,
      %parallel_loop3A_543 = arith.addf %parallel_loop3A_499, %parallel_loop3A_542 : vector<16xf32>
      %parallel_loop3A_544 = arith.constant 6 : i32
      %parallel_loop3A_545 = vector.broadcast %parallel_loop3A_544 : i32 to vector<16xi32>
      %parallel_loop3A_546 = arith.addi %parallel_loop3A_513, %parallel_loop3A_545 : vector<16xi32>
      %parallel_loop3A_547 = tpu.vector_load_idx %arg5[%parallel_loop3A_546] : memref<16000xf32, #tpu.memory_space<vmem>>[vector<16xi32>], vector<16xf32>,
      %parallel_loop3A_548 = arith.addf %parallel_loop3A_500, %parallel_loop3A_547 : vector<16xf32>
      %parallel_loop3A_549 = arith.constant 7 : i32
      %parallel_loop3A_550 = vector.broadcast %parallel_loop3A_549 : i32 to vector<16xi32>
      %parallel_loop3A_551 = arith.addi %parallel_loop3A_513, %parallel_loop3A_550 : vector<16xi32>
      %parallel_loop3A_552 = tpu.vector_load_idx %arg5[%parallel_loop3A_551] : memref<16000xf32, #tpu.memory_space<vmem>>[vector<16xi32>], vector<16xf32>,
      %parallel_loop3A_553 = arith.addf %parallel_loop3A_501, %parallel_loop3A_552 : vector<16xf32>
      %parallel_loop3A_554 = arith.constant 8 : i32
      %parallel_loop3A_555 = vector.broadcast %parallel_loop3A_554 : i32 to vector<16xi32>
      %parallel_loop3A_556 = arith.addi %parallel_loop3A_513, %parallel_loop3A_555 : vector<16xi32>
      %parallel_loop3A_557 = tpu.vector_load_idx %arg5[%parallel_loop3A_556] : memref<16000xf32, #tpu.memory_space<vmem>>[vector<16xi32>], vector<16xf32>,
      %parallel_loop3A_558 = arith.addf %parallel_loop3A_502, %parallel_loop3A_557 : vector<16xf32>
      %parallel_loop3A_559 = arith.constant 9 : i32
      %parallel_loop3A_560 = vector.broadcast %parallel_loop3A_559 : i32 to vector<16xi32>
      %parallel_loop3A_561 = arith.addi %parallel_loop3A_513, %parallel_loop3A_560 : vector<16xi32>
      %parallel_loop3A_562 = tpu.vector_load_idx %arg5[%parallel_loop3A_561] : memref<16000xf32, #tpu.memory_space<vmem>>[vector<16xi32>], vector<16xf32>,
      %parallel_loop3A_563 = arith.addf %parallel_loop3A_503, %parallel_loop3A_562 : vector<16xf32>
      scf.yield %parallel_loop3A_518, %parallel_loop3A_523, %parallel_loop3A_528, %parallel_loop3A_533, %parallel_loop3A_538, %parallel_loop3A_543, %parallel_loop3A_548, %parallel_loop3A_553, %parallel_loop3A_558, %parallel_loop3A_563 : vector<16xf32>, vector<16xf32>, vector<16xf32>, vector<16xf32>, vector<16xf32>, vector<16xf32>, vector<16xf32>, vector<16xf32>, vector<16xf32>, vector<16xf32>
    } {sc.loop_unroll_factor = 2 : i64, sc.parallel_access}
    %add3A_382 = arith.constant 0 : i32
    %add3A_383 = vector.broadcast %add3A_382 : i32 to vector<16xi32>
    %add3A_384 = arith.addi %mul3A_377, %add3A_383 : vector<16xi32>
    tpu.vector_store_idx %arg7[%add3A_384], %parallel_loop3A_381#0 : memref<2048xf32, #tpu.memory_space<vmem>>[vector<16xi32>], vector<16xf32>,
    %add3A_385 = arith.constant 1 : i32
    %add3A_386 = vector.broadcast %add3A_385 : i32 to vector<16xi32>
    %add3A_387 = arith.addi %mul3A_377, %add3A_386 : vector<16xi32>
    tpu.vector_store_idx %arg7[%add3A_387], %parallel_loop3A_381#1 : memref<2048xf32, #tpu.memory_space<vmem>>[vector<16xi32>], vector<16xf32>,
    %add3A_388 = arith.constant 2 : i32
    %add3A_389 = vector.broadcast %add3A_388 : i32 to vector<16xi32>
    %add3A_390 = arith.addi %mul3A_377, %add3A_389 : vector<16xi32>
    tpu.vector_store_idx %arg7[%add3A_390], %parallel_loop3A_381#2 : memref<2048xf32, #tpu.memory_space<vmem>>[vector<16xi32>], vector<16xf32>,
    %add3A_391 = arith.constant 3 : i32
    %add3A_392 = vector.broadcast %add3A_391 : i32 to vector<16xi32>
    %add3A_393 = arith.addi %mul3A_377, %add3A_392 : vector<16xi32>
    tpu.vector_store_idx %arg7[%add3A_393], %parallel_loop3A_381#3 : memref<2048xf32, #tpu.memory_space<vmem>>[vector<16xi32>], vector<16xf32>,
    %add3A_394 = arith.constant 4 : i32
    %add3A_395 = vector.broadcast %add3A_394 : i32 to vector<16xi32>
    %add3A_396 = arith.addi %mul3A_377, %add3A_395 : vector<16xi32>
    tpu.vector_store_idx %arg7[%add3A_396], %parallel_loop3A_381#4 : memref<2048xf32, #tpu.memory_space<vmem>>[vector<16xi32>], vector<16xf32>,
    %add3A_397 = arith.constant 5 : i32
    %add3A_398 = vector.broadcast %add3A_397 : i32 to vector<16xi32>
    %add3A_399 = arith.addi %mul3A_377, %add3A_398 : vector<16xi32>
    tpu.vector_store_idx %arg7[%add3A_399], %parallel_loop3A_381#5 : memref<2048xf32, #tpu.memory_space<vmem>>[vector<16xi32>], vector<16xf32>,
    %add3A_400 = arith.constant 6 : i32
    %add3A_401 = vector.broadcast %add3A_400 : i32 to vector<16xi32>
    %add3A_402 = arith.addi %mul3A_377, %add3A_401 : vector<16xi32>
    tpu.vector_store_idx %arg7[%add3A_402], %parallel_loop3A_381#6 : memref<2048xf32, #tpu.memory_space<vmem>>[vector<16xi32>], vector<16xf32>,
    %add3A_403 = arith.constant 7 : i32
    %add3A_404 = vector.broadcast %add3A_403 : i32 to vector<16xi32>
    %add3A_405 = arith.addi %mul3A_377, %add3A_404 : vector<16xi32>
    tpu.vector_store_idx %arg7[%add3A_405], %parallel_loop3A_381#7 : memref<2048xf32, #tpu.memory_space<vmem>>[vector<16xi32>], vector<16xf32>,
    %add3A_406 = arith.constant 8 : i32
    %add3A_407 = vector.broadcast %add3A_406 : i32 to vector<16xi32>
    %add3A_408 = arith.addi %mul3A_377, %add3A_407 : vector<16xi32>
    tpu.vector_store_idx %arg7[%add3A_408], %parallel_loop3A_381#8 : memref<2048xf32, #tpu.memory_space<vmem>>[vector<16xi32>], vector<16xf32>,
    %add3A_409 = arith.constant 9 : i32
    %add3A_410 = vector.broadcast %add3A_409 : i32 to vector<16xi32>
    %add3A_411 = arith.addi %mul3A_377, %add3A_410 : vector<16xi32>
    tpu.vector_store_idx %arg7[%add3A_411], %parallel_loop3A_381#9 : memref<2048xf32, #tpu.memory_space<vmem>>[vector<16xi32>], vector<16xf32>,
    %add3A_412 = arith.constant 10 : i32
    %add3A_413 = vector.broadcast %add3A_412 : i32 to vector<16xi32>
    %add3A_414 = arith.addi %mul3A_377, %add3A_413 : vector<16xi32>
    tpu.vector_store_idx %arg7[%add3A_414], %broadcast_in_dim3A_3 : memref<2048xf32, #tpu.memory_space<vmem>>[vector<16xi32>], vector<16xf32>,
    %add3A_415 = arith.constant 11 : i32
    %add3A_416 = vector.broadcast %add3A_415 : i32 to vector<16xi32>
    %add3A_417 = arith.addi %mul3A_377, %add3A_416 : vector<16xi32>
    tpu.vector_store_idx %arg7[%add3A_417], %broadcast_in_dim3A_3 : memref<2048xf32, #tpu.memory_space<vmem>>[vector<16xi32>], vector<16xf32>,
    %add3A_418 = arith.constant 12 : i32
    %add3A_419 = vector.broadcast %add3A_418 : i32 to vector<16xi32>
    %add3A_420 = arith.addi %mul3A_377, %add3A_419 : vector<16xi32>
    tpu.vector_store_idx %arg7[%add3A_420], %broadcast_in_dim3A_3 : memref<2048xf32, #tpu.memory_space<vmem>>[vector<16xi32>], vector<16xf32>,
    %add3A_421 = arith.constant 13 : i32
    %add3A_422 = vector.broadcast %add3A_421 : i32 to vector<16xi32>
    %add3A_423 = arith.addi %mul3A_377, %add3A_422 : vector<16xi32>
    tpu.vector_store_idx %arg7[%add3A_423], %broadcast_in_dim3A_3 : memref<2048xf32, #tpu.memory_space<vmem>>[vector<16xi32>], vector<16xf32>,
    %add3A_424 = arith.constant 14 : i32
    %add3A_425 = vector.broadcast %add3A_424 : i32 to vector<16xi32>
    %add3A_426 = arith.addi %mul3A_377, %add3A_425 : vector<16xi32>
    tpu.vector_store_idx %arg7[%add3A_426], %broadcast_in_dim3A_3 : memref<2048xf32, #tpu.memory_space<vmem>>[vector<16xi32>], vector<16xf32>,
    %add3A_427 = arith.constant 15 : i32
    %add3A_428 = vector.broadcast %add3A_427 : i32 to vector<16xi32>
    %add3A_429 = arith.addi %mul3A_377, %add3A_428 : vector<16xi32>
    tpu.vector_store_idx %arg7[%add3A_429], %broadcast_in_dim3A_3 : memref<2048xf32, #tpu.memory_space<vmem>>[vector<16xi32>], vector<16xf32>,
    %add3A_430 = arith.constant 112 : i32
    %add3A_431 = vector.broadcast %add3A_430 : i32 to vector<16xi32>
    %add3A_432 = arith.addi %add3A_431, %iota3A : vector<16xi32>
    %mul3A_433 = arith.constant 200 : i32
    %mul3A_434 = vector.broadcast %mul3A_433 : i32 to vector<16xi32>
    %mul3A_435 = arith.muli %add3A_432, %mul3A_434 : vector<16xi32>
    %mul3A_436 = arith.constant 16 : i32
    %mul3A_437 = vector.broadcast %mul3A_436 : i32 to vector<16xi32>
    %mul3A_438 = arith.muli %add3A_432, %mul3A_437 : vector<16xi32>
    %parallel_loop3A_439 = arith.constant 0 : i32
    %parallel_loop3A_440 = arith.constant 200 : i32
    %parallel_loop3A_441 = arith.constant 1 : i32
    %parallel_loop3A_442:10 = scf.for %parallel_loop3A_493 = %parallel_loop3A_439 to %parallel_loop3A_440 step %parallel_loop3A_441 iter_args(%parallel_loop3A_494 = %broadcast_in_dim3A_3, %parallel_loop3A_495 = %broadcast_in_dim3A_3, %parallel_loop3A_496 = %broadcast_in_dim3A_3, %parallel_loop3A_497 = %broadcast_in_dim3A_3, %parallel_loop3A_498 = %broadcast_in_dim3A_3, %parallel_loop3A_499 = %broadcast_in_dim3A_3, %parallel_loop3A_500 = %broadcast_in_dim3A_3, %parallel_loop3A_501 = %broadcast_in_dim3A_3, %parallel_loop3A_502 = %broadcast_in_dim3A_3, %parallel_loop3A_503 = %broadcast_in_dim3A_3) -> (vector<16xf32>, vector<16xf32>, vector<16xf32>, vector<16xf32>, vector<16xf32>, vector<16xf32>, vector<16xf32>, vector<16xf32>, vector<16xf32>, vector<16xf32>)  : i32 {
      %parallel_loop3A_504 = vector.broadcast %parallel_loop3A_493 : i32 to vector<16xi32>
      %parallel_loop3A_505 = arith.addi %mul3A_435, %parallel_loop3A_504 : vector<16xi32>
      %parallel_loop3A_506 = tpu.vector_load_idx %arg6[%parallel_loop3A_505] : memref<25600xi32, #tpu.memory_space<vmem>>[vector<16xi32>], vector<16xi32>,
      %parallel_loop3A_507 = arith.constant 3200 : i32
      %parallel_loop3A_508 = vector.broadcast %parallel_loop3A_507 : i32 to vector<16xi32>
      %parallel_loop3A_509 = arith.muli %parallel_loop3A_506, %parallel_loop3A_508 : vector<16xi32>
      %parallel_loop3A_510 = arith.constant 16 : i32
      %parallel_loop3A_511 = arith.muli %parallel_loop3A_493, %parallel_loop3A_510 : i32
      %parallel_loop3A_512 = vector.broadcast %parallel_loop3A_511 : i32 to vector<16xi32>
      %parallel_loop3A_513 = arith.addi %parallel_loop3A_509, %parallel_loop3A_512 : vector<16xi32>
      %parallel_loop3A_514 = arith.constant 0 : i32
      %parallel_loop3A_515 = vector.broadcast %parallel_loop3A_514 : i32 to vector<16xi32>
      %parallel_loop3A_516 = arith.addi %parallel_loop3A_513, %parallel_loop3A_515 : vector<16xi32>
      %parallel_loop3A_517 = tpu.vector_load_idx %arg5[%parallel_loop3A_516] : memref<16000xf32, #tpu.memory_space<vmem>>[vector<16xi32>], vector<16xf32>,
      %parallel_loop3A_518 = arith.addf %parallel_loop3A_494, %parallel_loop3A_517 : vector<16xf32>
      %parallel_loop3A_519 = arith.constant 1 : i32
      %parallel_loop3A_520 = vector.broadcast %parallel_loop3A_519 : i32 to vector<16xi32>
      %parallel_loop3A_521 = arith.addi %parallel_loop3A_513, %parallel_loop3A_520 : vector<16xi32>
      %parallel_loop3A_522 = tpu.vector_load_idx %arg5[%parallel_loop3A_521] : memref<16000xf32, #tpu.memory_space<vmem>>[vector<16xi32>], vector<16xf32>,
      %parallel_loop3A_523 = arith.addf %parallel_loop3A_495, %parallel_loop3A_522 : vector<16xf32>
      %parallel_loop3A_524 = arith.constant 2 : i32
      %parallel_loop3A_525 = vector.broadcast %parallel_loop3A_524 : i32 to vector<16xi32>
      %parallel_loop3A_526 = arith.addi %parallel_loop3A_513, %parallel_loop3A_525 : vector<16xi32>
      %parallel_loop3A_527 = tpu.vector_load_idx %arg5[%parallel_loop3A_526] : memref<16000xf32, #tpu.memory_space<vmem>>[vector<16xi32>], vector<16xf32>,
      %parallel_loop3A_528 = arith.addf %parallel_loop3A_496, %parallel_loop3A_527 : vector<16xf32>
      %parallel_loop3A_529 = arith.constant 3 : i32
      %parallel_loop3A_530 = vector.broadcast %parallel_loop3A_529 : i32 to vector<16xi32>
      %parallel_loop3A_531 = arith.addi %parallel_loop3A_513, %parallel_loop3A_530 : vector<16xi32>
      %parallel_loop3A_532 = tpu.vector_load_idx %arg5[%parallel_loop3A_531] : memref<16000xf32, #tpu.memory_space<vmem>>[vector<16xi32>], vector<16xf32>,
      %parallel_loop3A_533 = arith.addf %parallel_loop3A_497, %parallel_loop3A_532 : vector<16xf32>
      %parallel_loop3A_534 = arith.constant 4 : i32
      %parallel_loop3A_535 = vector.broadcast %parallel_loop3A_534 : i32 to vector<16xi32>
      %parallel_loop3A_536 = arith.addi %parallel_loop3A_513, %parallel_loop3A_535 : vector<16xi32>
      %parallel_loop3A_537 = tpu.vector_load_idx %arg5[%parallel_loop3A_536] : memref<16000xf32, #tpu.memory_space<vmem>>[vector<16xi32>], vector<16xf32>,
      %parallel_loop3A_538 = arith.addf %parallel_loop3A_498, %parallel_loop3A_537 : vector<16xf32>
      %parallel_loop3A_539 = arith.constant 5 : i32
      %parallel_loop3A_540 = vector.broadcast %parallel_loop3A_539 : i32 to vector<16xi32>
      %parallel_loop3A_541 = arith.addi %parallel_loop3A_513, %parallel_loop3A_540 : vector<16xi32>
      %parallel_loop3A_542 = tpu.vector_load_idx %arg5[%parallel_loop3A_541] : memref<16000xf32, #tpu.memory_space<vmem>>[vector<16xi32>], vector<16xf32>,
      %parallel_loop3A_543 = arith.addf %parallel_loop3A_499, %parallel_loop3A_542 : vector<16xf32>
      %parallel_loop3A_544 = arith.constant 6 : i32
      %parallel_loop3A_545 = vector.broadcast %parallel_loop3A_544 : i32 to vector<16xi32>
      %parallel_loop3A_546 = arith.addi %parallel_loop3A_513, %parallel_loop3A_545 : vector<16xi32>
      %parallel_loop3A_547 = tpu.vector_load_idx %arg5[%parallel_loop3A_546] : memref<16000xf32, #tpu.memory_space<vmem>>[vector<16xi32>], vector<16xf32>,
      %parallel_loop3A_548 = arith.addf %parallel_loop3A_500, %parallel_loop3A_547 : vector<16xf32>
      %parallel_loop3A_549 = arith.constant 7 : i32
      %parallel_loop3A_550 = vector.broadcast %parallel_loop3A_549 : i32 to vector<16xi32>
      %parallel_loop3A_551 = arith.addi %parallel_loop3A_513, %parallel_loop3A_550 : vector<16xi32>
      %parallel_loop3A_552 = tpu.vector_load_idx %arg5[%parallel_loop3A_551] : memref<16000xf32, #tpu.memory_space<vmem>>[vector<16xi32>], vector<16xf32>,
      %parallel_loop3A_553 = arith.addf %parallel_loop3A_501, %parallel_loop3A_552 : vector<16xf32>
      %parallel_loop3A_554 = arith.constant 8 : i32
      %parallel_loop3A_555 = vector.broadcast %parallel_loop3A_554 : i32 to vector<16xi32>
      %parallel_loop3A_556 = arith.addi %parallel_loop3A_513, %parallel_loop3A_555 : vector<16xi32>
      %parallel_loop3A_557 = tpu.vector_load_idx %arg5[%parallel_loop3A_556] : memref<16000xf32, #tpu.memory_space<vmem>>[vector<16xi32>], vector<16xf32>,
      %parallel_loop3A_558 = arith.addf %parallel_loop3A_502, %parallel_loop3A_557 : vector<16xf32>
      %parallel_loop3A_559 = arith.constant 9 : i32
      %parallel_loop3A_560 = vector.broadcast %parallel_loop3A_559 : i32 to vector<16xi32>
      %parallel_loop3A_561 = arith.addi %parallel_loop3A_513, %parallel_loop3A_560 : vector<16xi32>
      %parallel_loop3A_562 = tpu.vector_load_idx %arg5[%parallel_loop3A_561] : memref<16000xf32, #tpu.memory_space<vmem>>[vector<16xi32>], vector<16xf32>,
      %parallel_loop3A_563 = arith.addf %parallel_loop3A_503, %parallel_loop3A_562 : vector<16xf32>
      scf.yield %parallel_loop3A_518, %parallel_loop3A_523, %parallel_loop3A_528, %parallel_loop3A_533, %parallel_loop3A_538, %parallel_loop3A_543, %parallel_loop3A_548, %parallel_loop3A_553, %parallel_loop3A_558, %parallel_loop3A_563 : vector<16xf32>, vector<16xf32>, vector<16xf32>, vector<16xf32>, vector<16xf32>, vector<16xf32>, vector<16xf32>, vector<16xf32>, vector<16xf32>, vector<16xf32>
    } {sc.loop_unroll_factor = 2 : i64, sc.parallel_access}
    %add3A_443 = arith.constant 0 : i32
    %add3A_444 = vector.broadcast %add3A_443 : i32 to vector<16xi32>
    %add3A_445 = arith.addi %mul3A_438, %add3A_444 : vector<16xi32>
    tpu.vector_store_idx %arg7[%add3A_445], %parallel_loop3A_442#0 : memref<2048xf32, #tpu.memory_space<vmem>>[vector<16xi32>], vector<16xf32>,
    %add3A_446 = arith.constant 1 : i32
    %add3A_447 = vector.broadcast %add3A_446 : i32 to vector<16xi32>
    %add3A_448 = arith.addi %mul3A_438, %add3A_447 : vector<16xi32>
    tpu.vector_store_idx %arg7[%add3A_448], %parallel_loop3A_442#1 : memref<2048xf32, #tpu.memory_space<vmem>>[vector<16xi32>], vector<16xf32>,
    %add3A_449 = arith.constant 2 : i32
    %add3A_450 = vector.broadcast %add3A_449 : i32 to vector<16xi32>
    %add3A_451 = arith.addi %mul3A_438, %add3A_450 : vector<16xi32>
    tpu.vector_store_idx %arg7[%add3A_451], %parallel_loop3A_442#2 : memref<2048xf32, #tpu.memory_space<vmem>>[vector<16xi32>], vector<16xf32>,
    %add3A_452 = arith.constant 3 : i32
    %add3A_453 = vector.broadcast %add3A_452 : i32 to vector<16xi32>
    %add3A_454 = arith.addi %mul3A_438, %add3A_453 : vector<16xi32>
    tpu.vector_store_idx %arg7[%add3A_454], %parallel_loop3A_442#3 : memref<2048xf32, #tpu.memory_space<vmem>>[vector<16xi32>], vector<16xf32>,
    %add3A_455 = arith.constant 4 : i32
    %add3A_456 = vector.broadcast %add3A_455 : i32 to vector<16xi32>
    %add3A_457 = arith.addi %mul3A_438, %add3A_456 : vector<16xi32>
    tpu.vector_store_idx %arg7[%add3A_457], %parallel_loop3A_442#4 : memref<2048xf32, #tpu.memory_space<vmem>>[vector<16xi32>], vector<16xf32>,
    %add3A_458 = arith.constant 5 : i32
    %add3A_459 = vector.broadcast %add3A_458 : i32 to vector<16xi32>
    %add3A_460 = arith.addi %mul3A_438, %add3A_459 : vector<16xi32>
    tpu.vector_store_idx %arg7[%add3A_460], %parallel_loop3A_442#5 : memref<2048xf32, #tpu.memory_space<vmem>>[vector<16xi32>], vector<16xf32>,
    %add3A_461 = arith.constant 6 : i32
    %add3A_462 = vector.broadcast %add3A_461 : i32 to vector<16xi32>
    %add3A_463 = arith.addi %mul3A_438, %add3A_462 : vector<16xi32>
    tpu.vector_store_idx %arg7[%add3A_463], %parallel_loop3A_442#6 : memref<2048xf32, #tpu.memory_space<vmem>>[vector<16xi32>], vector<16xf32>,
    %add3A_464 = arith.constant 7 : i32
    %add3A_465 = vector.broadcast %add3A_464 : i32 to vector<16xi32>
    %add3A_466 = arith.addi %mul3A_438, %add3A_465 : vector<16xi32>
    tpu.vector_store_idx %arg7[%add3A_466], %parallel_loop3A_442#7 : memref<2048xf32, #tpu.memory_space<vmem>>[vector<16xi32>], vector<16xf32>,
    %add3A_467 = arith.constant 8 : i32
    %add3A_468 = vector.broadcast %add3A_467 : i32 to vector<16xi32>
    %add3A_469 = arith.addi %mul3A_438, %add3A_468 : vector<16xi32>
    tpu.vector_store_idx %arg7[%add3A_469], %parallel_loop3A_442#8 : memref<2048xf32, #tpu.memory_space<vmem>>[vector<16xi32>], vector<16xf32>,
    %add3A_470 = arith.constant 9 : i32
    %add3A_471 = vector.broadcast %add3A_470 : i32 to vector<16xi32>
    %add3A_472 = arith.addi %mul3A_438, %add3A_471 : vector<16xi32>
    tpu.vector_store_idx %arg7[%add3A_472], %parallel_loop3A_442#9 : memref<2048xf32, #tpu.memory_space<vmem>>[vector<16xi32>], vector<16xf32>,
    %add3A_473 = arith.constant 10 : i32
    %add3A_474 = vector.broadcast %add3A_473 : i32 to vector<16xi32>
    %add3A_475 = arith.addi %mul3A_438, %add3A_474 : vector<16xi32>
    tpu.vector_store_idx %arg7[%add3A_475], %broadcast_in_dim3A_3 : memref<2048xf32, #tpu.memory_space<vmem>>[vector<16xi32>], vector<16xf32>,
    %add3A_476 = arith.constant 11 : i32
    %add3A_477 = vector.broadcast %add3A_476 : i32 to vector<16xi32>
    %add3A_478 = arith.addi %mul3A_438, %add3A_477 : vector<16xi32>
    tpu.vector_store_idx %arg7[%add3A_478], %broadcast_in_dim3A_3 : memref<2048xf32, #tpu.memory_space<vmem>>[vector<16xi32>], vector<16xf32>,
    %add3A_479 = arith.constant 12 : i32
    %add3A_480 = vector.broadcast %add3A_479 : i32 to vector<16xi32>
    %add3A_481 = arith.addi %mul3A_438, %add3A_480 : vector<16xi32>
    tpu.vector_store_idx %arg7[%add3A_481], %broadcast_in_dim3A_3 : memref<2048xf32, #tpu.memory_space<vmem>>[vector<16xi32>], vector<16xf32>,
    %add3A_482 = arith.constant 13 : i32
    %add3A_483 = vector.broadcast %add3A_482 : i32 to vector<16xi32>
    %add3A_484 = arith.addi %mul3A_438, %add3A_483 : vector<16xi32>
    tpu.vector_store_idx %arg7[%add3A_484], %broadcast_in_dim3A_3 : memref<2048xf32, #tpu.memory_space<vmem>>[vector<16xi32>], vector<16xf32>,
    %add3A_485 = arith.constant 14 : i32
    %add3A_486 = vector.broadcast %add3A_485 : i32 to vector<16xi32>
    %add3A_487 = arith.addi %mul3A_438, %add3A_486 : vector<16xi32>
    tpu.vector_store_idx %arg7[%add3A_487], %broadcast_in_dim3A_3 : memref<2048xf32, #tpu.memory_space<vmem>>[vector<16xi32>], vector<16xf32>,
    %add3A_488 = arith.constant 15 : i32
    %add3A_489 = vector.broadcast %add3A_488 : i32 to vector<16xi32>
    %add3A_490 = arith.addi %mul3A_438, %add3A_489 : vector<16xi32>
    tpu.vector_store_idx %arg7[%add3A_490], %broadcast_in_dim3A_3 : memref<2048xf32, #tpu.memory_space<vmem>>[vector<16xi32>], vector<16xf32>,
    %mul3A_491 = arith.constant 2048 : i32
    %mul3A_492 = arith.muli %add3A, %mul3A_491 : i32
    "tpu.region"() ({
      %run_scoped3A = tpu.sem_alloc : memref<!tpu.dma_semaphore, #tpu.memory_space<semaphore_mem>>
      %dma_start3A = tpu.memref_slice %arg4[%mul3A_492] : memref<65536xf32, #tpu.memory_space<hbm>> -> memref<2048xf32, #tpu.memory_space<hbm>>
      %dma_start3A_493 = tpu.memref_slice %arg4[%mul3A_492] : memref<65536xf32, #tpu.memory_space<hbm>> -> memref<2048xf32, #tpu.memory_space<hbm>>
      tpu.enqueue_dma source(%arg7 : memref<2048xf32, #tpu.memory_space<vmem>>) target(%dma_start3A_493 : memref<2048xf32, #tpu.memory_space<hbm>>) target_semaphore(%run_scoped3A : memref<!tpu.dma_semaphore, #tpu.memory_space<semaphore_mem>>)
      %dma_wait3A = tpu.memref_slice %arg4[%mul3A_492] : memref<65536xf32, #tpu.memory_space<hbm>> -> memref<2048xf32, #tpu.memory_space<hbm>>
      %dma_wait3A_494 = tpu.memref_slice %arg4[%mul3A_492] : memref<65536xf32, #tpu.memory_space<hbm>> -> memref<2048xf32, #tpu.memory_space<hbm>>
      tpu.wait_dma2 semaphore(%run_scoped3A : memref<!tpu.dma_semaphore, #tpu.memory_space<semaphore_mem>>) src(%arg7 : memref<2048xf32, #tpu.memory_space<vmem>>) dst(%dma_wait3A_494 : memref<2048xf32, #tpu.memory_space<hbm>>)
      tpu.yield
    }) : () -> ()
    return
  }
}

module attributes {stable_mosaic.version = 14 : i64} {
  func.func @_table_matmul_body(%arg0: memref<8x300xf32, #tpu.memory_space<vmem>>, %arg1: memref<300x3200xf32, #tpu.memory_space<vmem>>, %arg2: memref<8x3200xf32, #tpu.memory_space<vmem>>) attributes {dimension_semantics = [], scalar_prefetch = 0 : i64, scratch_operands = 0 : i64, tpu.core_type = #tpu.core_type<tc>} {
    %get3A = arith.constant 0 : index
    %get3A_0 = arith.constant 0 : index
    %get3A_1 = vector.load %arg0[%get3A, %get3A_0] : memref<8x300xf32, #tpu.memory_space<vmem>>, vector<8x300xf32>
    %get3A_2 = arith.constant 0 : index
    %get3A_3 = arith.constant 0 : index
    %get3A_4 = vector.load %arg1[%get3A_2, %get3A_3] : memref<300x3200xf32, #tpu.memory_space<vmem>>, vector<300x3200xf32>
    %dot_general3A = arith.constant dense<0.000000e+00> : vector<8x3200xf32>
    %dot_general3A_5 = tpu.matmul %get3A_1, %get3A_4, %dot_general3A {dimension_numbers = #tpu.dot_dimension_numbers<[1], [0], [0], [1], [0, 0, 1, 1], [], []>, transpose_lhs_hint = false} : vector<8x300xf32>, vector<300x3200xf32>, vector<8x3200xf32> -> vector<8x3200xf32>
    %swap3A = arith.constant 0 : index
    %swap3A_6 = arith.constant 0 : index
    %swap3A_7 = vector.load %arg2[%swap3A, %swap3A_6] : memref<8x3200xf32, #tpu.memory_space<vmem>>, vector<8x3200xf32>
    tpu.vector_store %arg2[%swap3A, %swap3A_6], %dot_general3A_5 {strides = array<i32>} : memref<8x3200xf32, #tpu.memory_space<vmem>>, vector<8x3200xf32>,
    return
  }
}

module attributes {stable_mosaic.version = 14 : i64} {
  func.func @_logsoftmax_body(%arg0: memref<4096x16xf32, #tpu.memory_space<vmem>>, %arg1: memref<1x16xf32, #tpu.memory_space<vmem>>, %arg2: memref<4096x16xf32, #tpu.memory_space<vmem>>) attributes {dimension_semantics = [], scalar_prefetch = 0 : i64, scratch_operands = 0 : i64, tpu.core_type = #tpu.core_type<tc>} {
    %get3A = arith.constant 0 : index
    %get3A_0 = arith.constant 0 : index
    %get3A_1 = vector.load %arg0[%get3A, %get3A_0] : memref<4096x16xf32, #tpu.memory_space<vmem>>, vector<4096x16xf32>
    %get3A_2 = arith.constant 0 : index
    %get3A_3 = arith.constant 0 : index
    %get3A_4 = vector.load %arg1[%get3A_2, %get3A_3] : memref<1x16xf32, #tpu.memory_space<vmem>>, vector<1x16xf32>
    %add3A = vector.broadcast %get3A_4 : vector<1x16xf32> to vector<4096x16xf32>
    %add3A_5 = arith.addf %get3A_1, %add3A : vector<4096x16xf32>
    %reduce_max3A = arith.constant dense<0xFF800000> : vector<4096xf32>
    %reduce_max3A_6 = vector.multi_reduction <maximumf>, %add3A_5, %reduce_max3A [1] : vector<4096x16xf32> to vector<4096xf32>
    %broadcast_in_dim3A = vector.shape_cast %reduce_max3A_6 : vector<4096xf32> to vector<4096x1xf32>
    %sub3A = vector.broadcast %broadcast_in_dim3A : vector<4096x1xf32> to vector<4096x16xf32>
    %sub3A_7 = arith.subf %add3A_5, %sub3A : vector<4096x16xf32>
    %exp3A = math.exp %sub3A_7 : vector<4096x16xf32>
    %reduce_sum3A = arith.constant dense<0.000000e+00> : vector<4096xf32>
    %reduce_sum3A_8 = vector.multi_reduction <add>, %exp3A, %reduce_sum3A [1] : vector<4096x16xf32> to vector<4096xf32>
    %broadcast_in_dim3A_9 = vector.shape_cast %reduce_sum3A_8 : vector<4096xf32> to vector<4096x1xf32>
    %sub3A_10 = vector.broadcast %broadcast_in_dim3A : vector<4096x1xf32> to vector<4096x16xf32>
    %sub3A_11 = arith.subf %add3A_5, %sub3A_10 : vector<4096x16xf32>
    %log3A = math.log %broadcast_in_dim3A_9 : vector<4096x1xf32>
    %sub3A_12 = vector.broadcast %log3A : vector<4096x1xf32> to vector<4096x16xf32>
    %sub3A_13 = arith.subf %sub3A_11, %sub3A_12 : vector<4096x16xf32>
    %swap3A = arith.constant 0 : index
    %swap3A_14 = arith.constant 0 : index
    %swap3A_15 = vector.load %arg2[%swap3A, %swap3A_14] : memref<4096x16xf32, #tpu.memory_space<vmem>>, vector<4096x16xf32>
    tpu.vector_store %arg2[%swap3A, %swap3A_14], %sub3A_13 {strides = array<i32>} : memref<4096x16xf32, #tpu.memory_space<vmem>>, vector<4096x16xf32>,
    return
  }
}

</mosaic_0001>

<sc_bundles>
// kernel: kernel.5.cloned.1.call-start
scs
__scs_entry_jumppad:
0x0: {  	(pc) =	sbr.rel $0x88, $3  }
0x1: {  	(tag) =	ssettag $0x0;
	lr =	simm.s32 $0x1  }
0x2: {  	[smem:$0x3F9D] =	sst lr;
	_ =	strace $0xD0000000  }
0x3: {  	_ = 	snop  }
0x4: {  	_ = 	snop  }
0x5: {  	_ = 	snop  }
0x6: {  	_ = 	snop  }
0x7: {  	_ = 	snop  }
__scs_overlays_trampoline_lowered:
0x8: {  	[smem:$0x3FAC] =	sst s0  }
0x9: {  	[smem:$0x3FAD] =	sst s1  }
0xa: {  	[smem:$0x3FAE] =	sst s2  }
0xb: {  	[smem:$0x3FAF] =	sst s3  }
0xc: {  	[smem:$0x3FB0] =	sst s4  }
0xd: {  	[smem:$0x3FB1] =	sst s5  }
0xe: {  	[smem:$0x3FB2] =	sst s6  }
0xf: {  	[smem:$0x3FB3] =	sst s7  }
0x10: {  	[smem:$0x3FB4] =	sst s8  }
0x11: {  	[smem:$0x3FB5] =	sst s9;
	s0 =	simm.s32 @!p0 $0x0  }
0x12: {  	s1 =	sld [smem:$0x3F9B];
	s0 =	simm.s32 @p0 $0x1  }
0x13: {  	[smem:$0x3FB6] =	sst s0;
	s0 =	simm.s32 @!p1 $0x0  }
0x14: {  	s2 =	sld [smem:$0x3F9A];
	s0 =	simm.s32 @p1 $0x1  }
0x15: {  	[smem:$0x3FB7] =	sst s0;
	s0 =	simm.s32 @!p2 $0x0  }
0x16: {  	s3 =	sld [smem:$0x3FDB];
	s0 =	simm.s32 @p2 $0x1  }
0x17: {  	s4 =	simm.s32 $0x1BF5;
	[smem:$0x3FB9] =	sst s0  }
0x18: {  	s0 =	sld [smem:$0x3F9C];
	_ =	swait.ge [sflag:s4], $0x0  }
0x19: {  	s7 =	sld [smem:$0x3F9D]  }
0x1a: {  	s8 =	sadd.s32 $0xFFFFE003, lr  }
0x1b: {  	s9 =	sadd.s32 $0xFFFFFEF7, lr;
	s5 =	simm.s32 $0xFFFFFFFF;
	p2 =	slt.u32 s8, $0xFFFFF086  }
0x1c: {  	p1 =	slt.u32 s9, $0xF7A;
	s5 =	simm.s32 @!p2 $0x0  }
0x1d: {  	s5 =	simm.s32 @p1 $0x1;
	p0 =	seq.s32 s7, s2  }
0x1e: {  	s7 =	smul.u32 @!p0 $0xF7A, s2;
	p2 =	seq.s32 @!p0 s5, $0x0  }
0x1f: {  	s9 =	smul.u32 $0xF7A, s1;
	s8 =	simm.s32 @!p0 $0x1BF5;
	p2 =	por !p2, p0  }
0x20: {  	[sflag:s8] =	ssyncset.s32 @!p0 $0xFFFFF086;
	s6 =	sadd.s32 @!p0 s3, s7;
	s7 =	simm.s32 @!p0 $0x108  }
0x21: {  	s3 =	sadd.s32 s3, s9;
	s6 =	sadd.s32 @!p0 $0x88, s6;
	s7 =	simm.s32 @p2 $0x1082  }
0x22: {  	[simem:s7], [sflag:s8] =	dma.local @!p0 [hbm:s6], $0xF7A  }
0x23: {  	s9 =	sor.u32 $0xD0000000, s2;
	s6 =	simm.s32 $0x108;
	_ =	swait.ge @!p0 [sflag:s8], $0x0  }
0x24: {  	s3 =	sadd.s32 $0x88, s3;
	s6 =	simm.s32 @!p1 $0x1082;
	[sflag:s4] =	ssyncset.s32 $0xFFFFF086  }
0x25: {  	[simem:s6], [sflag:s4] =	dma.local [hbm:s3], $0xF7A  }
0x26: {  	[smem:$0x3F9D] =	sst s1;
	(tag) =	ssettag s2;
	_ =	strace s9  }
0x27: {  	s1 =	sld [smem:$0x3FAD]  }
0x28: {  	s2 =	sld [smem:$0x3FAE]  }
0x29: {  	s4 =	sld [smem:$0x3FB0]  }
0x2a: {  	p0 =	seq.s32 s5, $0x0;
	s5 =	sld [smem:$0x3FB1]  }
0x2b: {  	s6 =	sld [smem:$0x3FB2]  }
0x2c: {  	s7 =	sld [smem:$0x3FB3]  }
0x2d: {  	s3 =	simm.s32 $0x108;
	s8 =	sld [smem:$0x3FB4]  }
0x2e: {  	s3 =	simm.s32 @!p0 $0x1082;
	s9 =	sld [smem:$0x3FB5]  }
0x2f: {  	lr =	sadd.s32 s0, s3;
	s0 =	sld [smem:$0x3FAC]  }
0x30: {  	s3 =	sld [smem:$0x3FAF]  }
0x31: {  	[smem:$0x3FB8] =	sst s10  }
0x32: {  	s10 =	sld [smem:$0x3FB6];
	_ =	sdelay $0x3  }
0x33: {  	p0 =	seq.s32 s10, $0x1;
	s10 =	sld [smem:$0x3FB8];
	_ =	sdelay $0x3  }
0x34: {  	[smem:$0x3FB8] =	sst s10  }
0x35: {  	s10 =	sld [smem:$0x3FB7];
	_ =	sdelay $0x3  }
0x36: {  	p1 =	seq.s32 s10, $0x1;
	s10 =	sld [smem:$0x3FB8];
	_ =	sdelay $0x3  }
0x37: {  	[smem:$0x3FB8] =	sst s10  }
0x38: {  	s10 =	sld [smem:$0x3FB9]  }
0x39: {  	_ = 	snop;
	(pc) =	sbr.ind lr, $3  }
0x3a: {  	_ = 	snop  }
0x3b: {  	_ = 	snop  }
0x3c: {  	p2 =	seq.s32 s10, $0x1;
	s10 =	sld [smem:$0x3FB8]  }
0x3d: {  	_ =	shalt  }
0x3e: {  	_ =	shalt  }
0x3f: {  	_ =	shalt  }
0x40: {  	_ =	shalt  }
0x41: {  	_ =	shalt  }
0x42: {  	_ =	shalt  }
0x43: {  	_ =	shalt  }
0x44: {  	_ =	shalt  }
0x45: {  	_ =	shalt  }
0x46: {  	_ =	shalt  }
0x47: {  	_ =	shalt  }
0x48: {  	_ =	shalt  }
0x49: {  	_ =	shalt  }
0x4a: {  	_ =	shalt  }
0x4b: {  	_ =	shalt  }
0x4c: {  	_ =	shalt  }
0x4d: {  	_ =	shalt  }
0x4e: {  	_ =	shalt  }
0x4f: {  	_ =	shalt  }
0x50: {  	_ =	shalt  }
0x51: {  	_ =	shalt  }
0x52: {  	_ =	shalt  }
0x53: {  	_ =	shalt  }
0x54: {  	_ =	shalt  }
0x55: {  	_ =	shalt  }
0x56: {  	_ =	shalt  }
0x57: {  	_ =	shalt  }
0x58: {  	_ =	shalt  }
0x59: {  	_ =	shalt  }
0x5a: {  	_ =	shalt  }
0x5b: {  	_ =	shalt  }
0x5c: {  	_ =	shalt  }
0x5d: {  	_ =	shalt  }
0x5e: {  	_ =	shalt  }
0x5f: {  	_ =	shalt  }
0x60: {  	_ =	shalt  }
0x61: {  	_ =	shalt  }
0x62: {  	_ =	shalt  }
0x63: {  	_ =	shalt  }
0x64: {  	_ =	shalt  }
0x65: {  	_ =	shalt  }
0x66: {  	_ =	shalt  }
0x67: {  	_ =	shalt  }
0x68: {  	_ =	shalt  }
0x69: {  	_ =	shalt  }
0x6a: {  	_ =	shalt  }
0x6b: {  	_ =	shalt  }
0x6c: {  	_ =	shalt  }
0x6d: {  	_ =	shalt  }
0x6e: {  	_ =	shalt  }
0x6f: {  	_ =	shalt  }
0x70: {  	_ =	shalt  }
0x71: {  	_ =	shalt  }
0x72: {  	_ =	shalt  }
0x73: {  	_ =	shalt  }
0x74: {  	_ =	shalt  }
0x75: {  	_ =	shalt  }
0x76: {  	_ =	shalt  }
0x77: {  	_ =	shalt  }
0x78: {  	_ =	shalt  }
0x79: {  	_ =	shalt  }
0x7a: {  	_ =	shalt  }
0x7b: {  	_ =	shalt  }
0x7c: {  	_ =	shalt  }
0x7d: {  	_ =	shalt  }
0x7e: {  	_ =	shalt  }
0x7f: {  	_ =	shalt  }
0x80: {  	_ =	shalt  }
0x81: {  	_ =	shalt  }
0x82: {  	_ =	shalt  }
0x83: {  	_ =	shalt  }
0x84: {  	_ =	shalt  }
0x85: {  	_ =	shalt  }
0x86: {  	_ =	shalt  }
0x87: {  	_ =	shalt  }
.Lfunc_end0:
.L_simem_size_0:
called_computation_lowered:
.L_overlay_start_0:
0x88: {  	s2 =	sld [smem:$0x3FD9]  }
0x89: {  	s3 =	sld [smem:$0x3FFE];
	_ =	sdelay $0x1  }
0x8a: {  	s1 =	srdreg.scid  }
0x8b: {  	s0 =	sand.u32 $0x1, s1  }
0x8c: {  	s17 =	sshll.u32 s0, $0xA;
	s2 =	sadd.s32 s3, s2  }
0x8d: {  	s2 =	sadd.s32 s2, s17  }
0x8e: {  	[smem:$0x3FC4] =	sst s2  }
0x8f: {  	_ = 	snop  }
0x90: {  	s2 =	sld [smem:$0x3FD0];
	(tm) =	ssettm $0x1  }
0x91: {  	s18 =	sld [smem:$0x3FFB];
	_ =	sdelay $0x3  }
0x92: {  	_ =	strace s18  }
0x93: {  	s3 =	sld [smem:$0x3FFC];
	_ =	sdelay $0x3  }
0x94: {  	_ =	strace s3  }
0x95: {  	s3 =	sld [smem:$0x3FFD];
	_ =	sdelay $0x3  }
0x96: {  	_ =	strace s3  }
0x97: {  	_ =	strace $0x8FFFFFFF  }
0x98: {  	s19 =	sld [smem:$0x3FDB];
	_ =	sdelay $0x1  }
0x99: {  	s4 =	simm.s32 $_scs_section_size  }
0x9a: {  	s5 =	simm.s32 $_size__tile_overlayer_lowered;
	s6 =	simm.s32 $_tile_overlayer_lowered  }
0x9b: {  	s22 =	simm.s32 $0x1BFF;
	s21 =	sshll.u32 s6, $0x1;
	s3 =	sadd.s32 s4, s19  }
0x9c: {  	s7 =	simm.s32 $0x0;
	s20 =	sshll.u32 s5, $0x1;
	s5 =	sadd.s32 s21, s3  }
0x9d: {  	[timem:s7], [sflag:s22] =	dma.local [hbm:s5], s20  }
0x9e: {  	_ =	swait.ge [sflag:s22], s20  }
0x9f: {  	s4 =	ssub.s32 $0x0, s20;
	[sflag:s22] =	ssyncset.done $0x0  }
0xa0: {  	[sflag:s22] =	ssyncadd.s32 s4;
	_ =	sdelay $0x1  }
0xa1: {  	s23 =	simm.s32 $0x1B8B  }
0xa2: {  	_ =	swait.ge [sflag:s23], $0x1  }
0xa3: {  	[sflag:s23] =	ssyncset.done $0x0  }
0xa4: {  	s25 =	simm.s32 $0x1B8E;
	s24 =	sld [smem:$0x3FFE];
	[sflag:s23] =	ssyncadd.s32 $0xFFFFFFFF  }
0xa5: {  	s26 =	simm.s32 $execute0_lowered;
	[smem:$0x3FD2] =	sst s25  }
0xa6: {  	s5 =	sshll.u32 s26, $0x1;
	_ =	strace $0x80000046;
	[dreg:$0x1] =	wrdreg $0xFFFFFFFF  }
0xa7: {  	s28 =	simm.s32 $_size_execute0_lowered;
	s3 =	sadd.s32 s3, s5;
	[dreg:$0x0] =	wrdreg $0x0  }
0xa8: {  	s5 =	sshll.u32 s28, $0x1;
	[dreg:$0x2] =	wrdreg s3  }
0xa9: {  	[dreg:$0x3] =	wrdreg s5  }
0xaa: {  	[dreg:$0x4] =	wrdreg $0xC0  }
0xab: {  	_ =	task [dreg:s7], $0x5FFFF  }
0xac: {  	[dreg:$0x1] =	wrdreg $0xFFFFFFFF  }
0xad: {  	[dreg:$0x0] =	wrdreg $0x60  }
0xae: {  	[dreg:$0x2] =	wrdreg s24  }
0xaf: {  	[dreg:$0x3] =	wrdreg s2  }
0xb0: {  	[dreg:$0x4] =	wrdreg $0x9  }
0xb1: {  	_ =	task.clear_ibuf [dreg:s7], $0x5FFFF;
	_ =	strace $0x90000046  }
0xb2: {  	s29 =	simm.s32 $0x9;
	_ =	strace $0x80000048  }
0xb3: {  	_ =	swait.ge [sflag:s29], $0x1  }
0xb4: {  	[sflag:s29] =	ssyncadd.s32 $0xFFFFFFFF  }
0xb5: {  	_ =	strace $0x90000048  }
0xb6: {  	_ =	sfence  }
0xb7: {  	s30 =	sld [smem:$0x0];
	_ =	sdelay $0x2  }
0xb8: {  	s31 =	sshll.u32 s1, $0xD;
	s1 =	sshrl.u32 s1, $0x2  }
0xb9: {  	s3 =	sand.u32 $0x4000, s31;
	s1 =	sadd.s32 s1, s30  }
0xba: {  	s0 =	sor.u32 s3, s0;
	s1 =	sshll.u32 s1, $0x11  }
0xbb: {  	s0 =	sor.u32 s1, s0  }
0xbc: {  	s0 =	sadd.s32 $0x8F2B, s0  }
0xbd: {  	[sflag:s0] =	ssyncadd.remote.s32 $0x1  }
0xbe: {  	_ =	sfence.sel $0xFFFF  }
0xbf: {  	[dreg:$0x0] =	wrdreg $0xFFFFFFFF;
	(pc) =	sbr.abs _section_cstart, $3  }
0xc0: {  	[dreg:$0x1] =	wrdreg $0xFFFFFFFF  }
0xc1: {  	_ =	task.clear_ibuf [dreg:s7], $0x2FFFF;
	_ =	strace $0x9FFFFFFF  }
0xc2: {  	(tm) =	ssettm $0x7FFFFFFF  }
0xc3: {  	_ =	shalt  }
tec
execute0_lowered:
.L_overlay_start_1:
0x0: {  	(tag) =	ssettag $0x1  }
0x1: {  	v1 =	vlaneseq.u32  }
0x2: {  	v0 =	vmul.u32 $0x10, v1;
	_ =	sdelay $0x1  }
0x3: {  	v2 =	vor.u32 $0x1, v0  }
0x4: {  	[tilespmem:$0x1FE00] =	vst v2;
	v2 =	vor.u32 $0x2, v0  }
0x5: {  	[tilespmem:$0x1FE10] =	vst v2;
	v2 =	vor.u32 $0x3, v0  }
0x6: {  	[tilespmem:$0x1FE20] =	vst v2;
	v2 =	vor.u32 $0x4, v0  }
0x7: {  	[tilespmem:$0x1FE30] =	vst v2;
	v2 =	vor.u32 $0x5, v0  }
0x8: {  	[tilespmem:$0x1FE40] =	vst v2;
	v2 =	vor.u32 $0x6, v0  }
0x9: {  	[tilespmem:$0x1FE50] =	vst v2;
	v2 =	vor.u32 $0x7, v0  }
0xa: {  	[tilespmem:$0x1FE60] =	vst v2;
	v2 =	vor.u32 $0x8, v0  }
0xb: {  	[tilespmem:$0x1FE70] =	vst v2;
	v2 =	vor.u32 $0x9, v0  }
0xc: {  	[tilespmem:$0x1FE80] =	vst v2;
	v2 =	vor.u32 $0xA, v0  }
0xd: {  	[tilespmem:$0x1FE90] =	vst v2;
	v2 =	vor.u32 $0xB, v0  }
0xe: {  	[tilespmem:$0x1FEA0] =	vst v2;
	v2 =	vor.u32 $0xC, v0  }
0xf: {  	[tilespmem:$0x1FEB0] =	vst v2;
	v2 =	vor.u32 $0xD, v0  }
0x10: {  	[tilespmem:$0x1FEC0] =	vst v2;
	v2 =	vor.u32 $0xE, v0  }
0x11: {  	[tilespmem:$0x1FED0] =	vst v2;
	v2 =	vor.u32 $0xF, v0  }
0x12: {  	[tilespmem:$0x1FEE0] =	vst v2;
	v2 =	vor.u32 $0x100, v0  }
0x13: {  	[tilespmem:$0x1FEF0] =	vst v2;
	v2 =	vor.u32 $0x101, v0  }
0x14: {  	[tilespmem:$0x1FF00] =	vst v2;
	v2 =	vor.u32 $0x102, v0  }
0x15: {  	[tilespmem:$0x1FF10] =	vst v2;
	v2 =	vor.u32 $0x103, v0  }
0x16: {  	[tilespmem:$0x1FF20] =	vst v2;
	v2 =	vor.u32 $0x104, v0  }
0x17: {  	[tilespmem:$0x1FF30] =	vst v2;
	v2 =	vor.u32 $0x105, v0  }
0x18: {  	[tilespmem:$0x1FF40] =	vst v2;
	v2 =	vor.u32 $0x106, v0  }
0x19: {  	[tilespmem:$0x1FF50] =	vst v2;
	v2 =	vor.u32 $0x107, v0  }
0x1a: {  	[tilespmem:$0x1FF60] =	vst v2;
	v2 =	vor.u32 $0x108, v0  }
0x1b: {  	v1 =	vmul.u32 $0xC8, v1;
	[tilespmem:$0x1FF70] =	vst v2;
	v2 =	vor.u32 $0x109, v0  }
0x1c: {  	s4 =	rddreg [dreg:$0x0];
	s1 =	srdreg.scid;
	[tilespmem:$0x1FF80] =	vst v2;
	v2 =	vor.u32 $0x10A, v0  }
0x1d: {  	s0 =	stileid.u32;
	s5 =	rddreg [dreg:$0x1];
	v51 =	vimm.f32 $0.0e+00;
	v17 =	vadd.s32 $0xC80, v1;
	[tilespmem:$0x1FF90] =	vst v2;
	v2 =	vor.u32 $0x10B, v0  }
0x1e: {  	s2 =	simm.s32 $0x0;
	s3 =	sand.u32 $0x1, s1;
	s6 =	sshll.u32 s0, $0x1;
	v34 =	vadd.s32 $0x1900, v1;
	v36 =	vor.u32 $0x201, v0;
	[tilespmem:$0x1FFA0] =	vst v2;
	v2 =	vor.u32 $0x10C, v0  }
0x1f: {  	s9 =	simm.s32 $0xA280;
	s1 =	rddreg [dreg:$0x2];
	s6 =	sor.u32 s3, s6;
	v37 =	vor.u32 $0x202, v0;
	v38 =	vor.u32 $0x203, v0;
	[tilespmem:$0x1FFB0] =	vst v2;
	v2 =	vor.u32 $0x10D, v0  }
0x20: {  	s10 =	simm.s32 $0x0;
	[smem:$0x7FF] =	sst s2;
	s7 =	smul.u32 $0xC80, s6;
	v39 =	vor.u32 $0x204, v0;
	v40 =	vor.u32 $0x205, v0;
	[tilespmem:$0x1FFC0] =	vst v2;
	v2 =	vor.u32 $0x10E, v0  }
0x21: {  	s8 =	ssub.s32 $0x2, s3;
	s3 =	sadd.s32 $0xA00, s4;
	v41 =	vor.u32 $0x206, v0;
	v42 =	vor.u32 $0x207, v0;
	s6 =	sshll.u32 s6, $0x8;
	[tilespmem:$0x1FFD0] =	vst v2;
	v2 =	vor.u32 $0x10F, v0  }
0x22: {  	s31 =	sshrl.u32 s8, $0x1;
	v43 =	vor.u32 $0x208, v0;
	v44 =	vor.u32 $0x209, v0;
	s5 =	sadd.s32 s5, s6;
	s4 =	sadd.s32 s7, s4;
	[tilespmem:$0x1FFE0] =	vst v2;
	v2 =	vor.u32 $0x200, v0  }
0x23: {  	v45 =	vor.u32 $0x20A, v0;
	v46 =	vor.u32 $0x20B, v0;
	v47 =	vor.u32 $0x20C, v0;
	s7 =	ssub.s32 s8, s31;
	s8 =	simm.s32 $0x3E80;
	s4 =	sadd.s32 $0x1200, s4;
	[tilespmem:$0x1FFF0] =	vst v2  }
0x24: {  	v48 =	vor.u32 $0x20D, v0;
	v49 =	vor.u32 $0x20E, v0;
	v50 =	vor.u32 $0x20F, v0;
	s6 =	smax.u32 s7, $0x1;
	s7 =	simm.s32 $0x1;
	_ =	strace $0x80000047  }
.LBB2_1:
0x25: {  	[tilespmem:s2], [sflag:$0x1] =	stream.linear.gather [hbm4b:s3+s2], $0x3E80, $0x38;
	[tilespmem:$0xAA80] =	vst v63  }
0x26: {  	_ =	swait.ge [sflag:s7], $0x3E80  }
0x27: {  	s11 =	simm.s32 $0x1;
	[sflag:s7] =	ssyncset.done $0x0  }
0x28: {  	v2 =	vadd.s32 s11, v1;
	[sflag:s7] =	ssyncadd.s32 $0xFFFFC180  }
0x29: {  	v3 =	vadd.s32 s2, v1;
	[tilespmem:s8], [sflag:$0x1] =	stream.linear.gather [hbm4b:s4+s2], $0x6400, $0x38;
	[tilespmem:$0xAA80] =	vst v63  }
0x2a: {  	_ =	swait.ge [sflag:s7], $0x6400  }
0x2b: {  	[sflag:s7] =	ssyncset.done $0x0  }
0x2c: {  	[sflag:s7] =	ssyncadd.s32 $0xFFFF9C00  }
0x2d: {  	v2 =	vld.idx.msk [tilespmem:v2+s8+$0x0], $0xffff  }
0x2e: {  	v3 =	vld.idx.msk [tilespmem:v3+s8+$0x0], $0xffff;
	_ =	sdelay $0x3  }
0x2f: {  	s28 =	simm.s32 $0x10;
	v2 =	vmul.u32 $0xC80, v2  }
0x30: {  	s29 =	simm.s32 $0x0;
	s12 =	simm.s32 $0x2;
	v4 =	vmov s28;
	v3 =	vmul.u32 $0xC80, v3  }
0x31: {  	v6 =	vmov s29;
	v7 =	vadd.s32 s12, v1;
	v2 =	vadd.s32 s28, v2  }
0x32: {  	v4 =	vand.u32 $0x70, v4;
	v3 =	vadd.s32 s29, v3;
	v2 =	vand.u32 $0xFFFFFF80, v2  }
0x33: {  	v6 =	vand.u32 $0x60, v6;
	v3 =	vand.u32 $0xFFFFFF80, v3;
	v2 =	vor.u32 v4, v2  }
0x34: {  	v3 =	vor.u32 v6, v3  }
0x35: {  	v4 =	vor.u32 $0x2, v2  }
0x36: {  	v5 =	vor.u32 $0x6, v2  }
0x37: {  	v7 =	vld.idx.msk [tilespmem:v7+s8+$0x0], $0xffff;
	v6 =	vor.u32 $0x3, v3  }
0x38: {  	v9 =	vor.u32 $0x4, v3;
	v8 =	vld.idx.msk [tilespmem:v2+s2+$0x0], $0xffff  }
0x39: {  	s30 =	simm.s32 $0x3;
	v11 =	vor.u32 $0x1, v2;
	v10 =	vld.idx.msk [tilespmem:v3+s2+$0x0], $0xffff  }
0x3a: {  	v52 =	vld.idx.msk [tilespmem:v4+s2+$0x0], $0xffff;
	v4 =	vadd.s32 s30, v1  }
0x3b: {  	v12 =	vor.u32 $0x9, v2;
	v53 =	vld.idx.msk [tilespmem:v5+s2+$0x0], $0xffff  }
0x3c: {  	v13 =	vor.u32 $0x7, v3;
	v6 =	vld.idx.msk [tilespmem:v6+s2+$0x0], $0xffff  }
0x3d: {  	v15 =	vor.u32 $0x1, v3;
	v9 =	vld.idx.msk [tilespmem:v9+s2+$0x0], $0xffff  }
0x3e: {  	v5 =	vor.u32 $0x5, v3;
	v58 =	vld.idx.msk [tilespmem:v11+s2+$0x0], $0xffff  }
0x3f: {  	v11 =	vor.u32 $0x6, v3;
	v4 =	vld.idx.msk [tilespmem:v4+s8+$0x0], $0xffff  }
0x40: {  	s31 =	simm.s32 $0x20;
	v18 =	vor.u32 $0x2, v3;
	v56 =	vld.idx.msk [tilespmem:v12+s2+$0x0], $0xffff  }
0x41: {  	v20 =	vmov s31;
	v14 =	vor.u32 $0x8, v3;
	v61 =	vor.u32 $0x4, v2;
	v59 =	vld.idx.msk [tilespmem:v13+s2+$0x0], $0xffff  }
0x42: {  	v63 =	vor.u32 $0x5, v2;
	v3 =	vor.u32 $0x9, v3;
	v13 =	vor.u32 $0x3, v2;
	v21 =	vld.idx.msk [tilespmem:v15+s2+$0x0], $0xffff  }
0x43: {  	v15 =	vmul.u32 $0xC80, v7;
	v10 =	vadd.f32 v10, v51;
	v16 =	vld.idx.msk [tilespmem:v5+s2+$0x0], $0xffff;
	v5 =	vor.u32 $0x8, v2  }
0x44: {  	v7 =	vadd.f32 v9, v51;
	v62 =	vld.idx.msk [tilespmem:v11+s2+$0x0], $0xffff;
	v11 =	vadd.f32 v6, v51;
	v4 =	vmul.u32 $0xC80, v4  }
0x45: {  	s11 =	simm.s32 $0x30;
	v57 =	vld.idx.msk [tilespmem:v18+s2+$0x0], $0xffff;
	v9 =	vimm.f32 $0.0e+00;
	v6 =	vimm.f32 $0.0e+00;
	v54 =	vadd.f32 v8, v10  }
0x46: {  	v10 =	vld.idx.msk [tilespmem:v14+s2+$0x0], $0xffff;
	v14 =	vor.u32 $0x7, v2;
	v2 =	vmov s11;
	v4 =	vadd.s32 s11, v4  }
0x47: {  	v12 =	vld.idx.msk [tilespmem:v3+s2+$0x0], $0xffff;
	v3 =	vimm.f32 $0.0e+00;
	v2 =	vand.u32 $0x70, v2;
	v4 =	vand.u32 $0xFFFFFF80, v4  }
0x48: {  	v61 =	vld.idx.msk [tilespmem:v61+s2+$0x0], $0xffff;
	v8 =	vadd.f32 v16, v51;
	v16 =	vadd.f32 v21, v51;
	v55 =	vor.u32 v2, v4  }
0x49: {  	v60 =	vld.idx.msk [tilespmem:v13+s2+$0x0], $0xffff;
	v2 =	vadd.s32 s31, v15;
	v4 =	vimm.f32 $0.0e+00;
	v18 =	vor.u32 $0x2, v55  }
0x4a: {  	s12 =	simm.s32 $0x4;
	v13 =	vld.idx.msk [tilespmem:v63+s2+$0x0], $0xffff;
	v15 =	vor.u32 $0x6, v55;
	v19 =	vand.u32 $0xFFFFFF80, v2;
	v2 =	vimm.f32 $0.0e+00  }
.LBB2_2:
0x4b: {  	v21 =	vadd.s32 s12, v1;
	p0 =	slt.u32 s12, $0xC6;
	v20 =	vand.u32 $0x60, v20;
	v9 =	vadd.f32 v10, v9;
	v10 =	vld.idx.msk [tilespmem:v5+s2+$0x0], $0xffff;
	s13 =	smov.u32 s12;
	s12 =	sadd.s32 $0x2, s12  }
0x4c: {  	v4 =	vadd.f32 v62, v4;
	v19 =	vor.u32 v20, v19;
	v16 =	vadd.f32 v58, v16;
	v14 =	vld.idx.msk [tilespmem:v14+s2+$0x0], $0xffff  }
0x4d: {  	v6 =	vadd.f32 v59, v6;
	v3 =	vadd.f32 v12, v3;
	v20 =	vor.u32 $0x3, v19;
	v62 =	vld.idx.msk [tilespmem:v55+s2+$0x0], $0xffff  }
0x4e: {  	s13 =	sadd.s32 $0x1, s13;
	v12 =	vor.u32 $0x4, v19;
	v11 =	vadd.f32 v60, v11;
	v4 =	vadd.f32 v53, v4;
	v18 =	vld.idx.msk [tilespmem:v18+s2+$0x0], $0xffff  }
0x4f: {  	v58 =	vadd.s32 s13, v1;
	v7 =	vadd.f32 v61, v7;
	v3 =	vadd.f32 v56, v3;
	v53 =	vld.idx.msk [tilespmem:v15+s2+$0x0], $0xffff  }
0x50: {  	v5 =	vor.u32 $0x8, v55;
	v8 =	vadd.f32 v13, v8;
	v15 =	vld.idx.msk [tilespmem:v21+s8+$0x0], $0xffff;
	v21 =	vor.u32 $0x5, v19  }
0x51: {  	v2 =	vadd.f32 v57, v2;
	v56 =	vor.u32 $0x1, v55;
	v9 =	vadd.f32 v10, v9;
	v13 =	vld.idx.msk [tilespmem:v19+s2+$0x0], $0xffff  }
0x52: {  	v10 =	vor.u32 $0x9, v55;
	v6 =	vadd.f32 v14, v6;
	v20 =	vld.idx.msk [tilespmem:v20+s2+$0x0], $0xffff  }
0x53: {  	v2 =	vadd.f32 v52, v2;
	v14 =	vor.u32 $0x7, v19;
	v12 =	vld.idx.msk [tilespmem:v12+s2+$0x0], $0xffff  }
0x54: {  	v60 =	vor.u32 $0x8, v19;
	v52 =	vmov v18;
	v57 =	vld.idx.msk [tilespmem:v58+s8+$0x0], $0xffff  }
0x55: {  	v18 =	vor.u32 $0x1, v19;
	v21 =	vld.idx.msk [tilespmem:v21+s2+$0x0], $0xffff  }
0x56: {  	s11 =	sadd.s32 $0x20, s11;
	v61 =	vor.u32 $0x2, v19;
	v58 =	vld.idx.msk [tilespmem:v56+s2+$0x0], $0xffff  }
0x57: {  	v63 =	vor.u32 $0x6, v19;
	v13 =	vadd.f32 v13, v54;
	v56 =	vld.idx.msk [tilespmem:v10+s2+$0x0], $0xffff  }
0x58: {  	v19 =	vor.u32 $0x9, v19;
	v59 =	vld.idx.msk [tilespmem:v14+s2+$0x0], $0xffff  }
0x59: {  	v54 =	vadd.f32 v62, v13;
	v13 =	vor.u32 $0x3, v55;
	v10 =	vld.idx.msk [tilespmem:v60+s2+$0x0], $0xffff  }
0x5a: {  	v23 =	vor.u32 $0x4, v55;
	v60 =	vmul.u32 $0xC80, v57;
	v22 =	vld.idx.msk [tilespmem:v18+s2+$0x0], $0xffff  }
0x5b: {  	v24 =	vor.u32 $0x5, v55;
	v14 =	vor.u32 $0x7, v55;
	v57 =	vld.idx.msk [tilespmem:v61+s2+$0x0], $0xffff  }
.Ltmp0:
0x5c: {  	v7 =	vadd.f32 v12, v7;
	v18 =	vmov s11;
	v55 =	vadd.s32 s11, v60;
	v62 =	vld.idx.msk [tilespmem:v63+s2+$0x0], $0xffff;
	(pc) =	sbr.rel @p0 .LBB2_2-.Ltmp0, $4  }
0x5d: {  	v15 =	vmul.u32 $0xC80, v15;
	v18 =	vand.u32 $0x70, v18;
	v55 =	vand.u32 $0xFFFFFF80, v55;
	v12 =	vld.idx.msk [tilespmem:v19+s2+$0x0], $0xffff  }
0x5e: {  	s13 =	sadd.s32 $0xFFFFFFF0, s11;
	v11 =	vadd.f32 v20, v11;
	v8 =	vadd.f32 v21, v8;
	v55 =	vor.u32 v18, v55;
	v60 =	vld.idx.msk [tilespmem:v13+s2+$0x0], $0xffff  }
0x5f: {  	v13 =	vadd.s32 s13, v15;
	v18 =	vor.u32 $0x2, v55;
	v15 =	vor.u32 $0x6, v55;
	v61 =	vld.idx.msk [tilespmem:v23+s2+$0x0], $0xffff  }
0x60: {  	v20 =	vmov s13;
	v19 =	vand.u32 $0xFFFFFF80, v13;
	v16 =	vadd.f32 v22, v16;
	v13 =	vld.idx.msk [tilespmem:v24+s2+$0x0], $0xffff  }
0x61: {  	_ =	sdelay $0x3  }
0x62: {  	v5 =	vld.idx.msk [tilespmem:v5+s2+$0x0], $0xffff;
	v24 =	vor.u32 $0x1, v55  }
0x63: {  	v20 =	vand.u32 $0x60, v20;
	v14 =	vld.idx.msk [tilespmem:v14+s2+$0x0], $0xffff;
	v25 =	vor.u32 $0x9, v55  }
0x64: {  	v21 =	vld.idx.msk [tilespmem:v55+s2+$0x0], $0xffff;
	v33 =	vor.u32 $0x3, v55;
	v19 =	vor.u32 v20, v19  }
0x65: {  	v18 =	vld.idx.msk [tilespmem:v18+s2+$0x0], $0xffff;
	v20 =	vor.u32 $0x3, v19  }
0x66: {  	v15 =	vld.idx.msk [tilespmem:v15+s2+$0x0], $0xffff  }
0x67: {  	v9 =	vadd.f32 v10, v9;
	v22 =	vor.u32 $0x4, v19;
	v24 =	vld.idx.msk [tilespmem:v24+s2+$0x0], $0xffff  }
0x68: {  	v23 =	vor.u32 $0x5, v19;
	v25 =	vld.idx.msk [tilespmem:v25+s2+$0x0], $0xffff  }
0x69: {  	v26 =	vor.u32 $0x7, v19;
	v5 =	vadd.f32 v5, v9;
	v9 =	vld.idx.msk [tilespmem:v33+s2+$0x0], $0xffff  }
0x6a: {  	v27 =	vor.u32 $0x8, v19;
	v20 =	vld.idx.msk [tilespmem:v20+s2+$0x0], $0xffff  }
0x6b: {  	v28 =	vor.u32 $0x1, v19;
	v63 =	vld.idx.msk [tilespmem:v19+s2+$0x0], $0xffff  }
0x6c: {  	v22 =	vld.idx.msk [tilespmem:v22+s2+$0x0], $0xffff  }
0x6d: {  	v29 =	vor.u32 $0x2, v19;
	v11 =	vadd.f32 v60, v11;
	v23 =	vld.idx.msk [tilespmem:v23+s2+$0x0], $0xffff  }
0x6e: {  	v30 =	vor.u32 $0x6, v19;
	v26 =	vld.idx.msk [tilespmem:v26+s2+$0x0], $0xffff  }
0x6f: {  	v19 =	vor.u32 $0x9, v19;
	v10 =	vld.idx.msk [tilespmem:v27+s2+$0x0], $0xffff;
	v11 =	vadd.f32 v20, v11  }
0x70: {  	v4 =	vadd.f32 v62, v4;
	v6 =	vadd.f32 v59, v6;
	v35 =	vor.u32 $0x4, v55;
	v28 =	vld.idx.msk [tilespmem:v28+s2+$0x0], $0xffff  }
0x71: {  	v2 =	vadd.f32 v57, v2;
	v60 =	vor.u32 $0x5, v55;
	v9 =	vadd.f32 v9, v11;
	v11 =	vld [tilespmem:$0x1FE00]  }
0x72: {  	v3 =	vadd.f32 v12, v3;
	v7 =	vadd.f32 v61, v7;
	v61 =	vor.u32 $0x8, v55;
	v12 =	vld.idx.msk [tilespmem:v29+s2+$0x0], $0xffff  }
0x73: {  	v62 =	vor.u32 $0x7, v55;
	v16 =	vadd.f32 v58, v16;
	v2 =	vadd.f32 v52, v2;
	v30 =	vld.idx.msk [tilespmem:v30+s2+$0x0], $0xffff  }
0x74: {  	v8 =	vadd.f32 v13, v8;
	v19 =	vld.idx.msk [tilespmem:v19+s2+$0x0], $0xffff;
	v13 =	vadd.f32 v63, v54  }
0x75: {  	v6 =	vadd.f32 v14, v6;
	v63 =	vld.idx.msk [tilespmem:v35+s2+$0x0], $0xffff;
	v14 =	vadd.f32 v28, v16  }
0x76: {  	v16 =	vld.idx.msk [tilespmem:v60+s2+$0x0], $0xffff;
	v13 =	vadd.f32 v21, v13  }
0x77: {  	v2 =	vadd.f32 v12, v2;
	v21 =	vld.idx.msk [tilespmem:v61+s2+$0x0], $0xffff;
	v12 =	vadd.f32 v24, v14  }
0x78: {  	v14 =	vld.idx.msk [tilespmem:v62+s2+$0x0], $0xffff;
	[tilespmem:v0+s9+$0x0] =	vst.idx.msk $0xffff, v13  }
0x79: {  	[tilespmem:v11+s9+$0x0] =	vst.idx.msk $0xffff, v12;
	v11 =	vld [tilespmem:$0x1FE10];
	_ =	sdelay $0x5  }
0x7a: {  	v8 =	vadd.f32 v23, v8;
	v2 =	vadd.f32 v18, v2;
	_ =	sdelay $0x1  }
0x7b: {  	[tilespmem:v11+s9+$0x0] =	vst.idx.msk $0xffff, v2;
	v2 =	vadd.f32 v26, v6;
	v6 =	vadd.f32 v16, v8;
	v8 =	vld [tilespmem:$0x1FE20];
	_ =	sdelay $0x7  }
0x7c: {  	[tilespmem:v8+s9+$0x0] =	vst.idx.msk $0xffff, v9;
	v8 =	vld [tilespmem:$0x1FE30];
	_ =	sdelay $0x3  }
0x7d: {  	v7 =	vadd.f32 v22, v7;
	_ =	sdelay $0x1  }
0x7e: {  	v7 =	vadd.f32 v63, v7;
	_ =	sdelay $0x1  }
0x7f: {  	[tilespmem:v8+s9+$0x0] =	vst.idx.msk $0xffff, v7;
	v7 =	vld [tilespmem:$0x1FE40];
	_ =	sdelay $0x7  }
0x80: {  	[tilespmem:v7+s9+$0x0] =	vst.idx.msk $0xffff, v6;
	v6 =	vld [tilespmem:$0x1FE50];
	_ =	sdelay $0x1  }
0x81: {  	v4 =	vadd.f32 v53, v4;
	_ =	sdelay $0x1  }
0x82: {  	v4 =	vadd.f32 v30, v4;
	_ =	sdelay $0x1  }
0x83: {  	v4 =	vadd.f32 v15, v4;
	_ =	sdelay $0x1  }
0x84: {  	[tilespmem:v6+s9+$0x0] =	vst.idx.msk $0xffff, v4;
	v4 =	vld [tilespmem:$0x1FE60];
	_ =	sdelay $0x5  }
0x85: {  	v2 =	vadd.f32 v14, v2;
	_ =	sdelay $0x1  }
0x86: {  	[tilespmem:v4+s9+$0x0] =	vst.idx.msk $0xffff, v2;
	v2 =	vld [tilespmem:$0x1FE70];
	_ =	sdelay $0x3  }
0x87: {  	v5 =	vadd.f32 v10, v5;
	_ =	sdelay $0x1  }
0x88: {  	v5 =	vadd.f32 v21, v5;
	_ =	sdelay $0x1  }
0x89: {  	[tilespmem:v2+s9+$0x0] =	vst.idx.msk $0xffff, v5;
	v2 =	vld [tilespmem:$0x1FE80];
	_ =	sdelay $0x1  }
0x8a: {  	v3 =	vadd.f32 v56, v3;
	_ =	sdelay $0x1  }
0x8b: {  	v3 =	vadd.f32 v19, v3;
	_ =	sdelay $0x1  }
0x8c: {  	v3 =	vadd.f32 v25, v3;
	_ =	sdelay $0x1  }
0x8d: {  	[tilespmem:v2+s9+$0x0] =	vst.idx.msk $0xffff, v3;
	v2 =	vld [tilespmem:$0x1FE90];
	_ =	sdelay $0x6  }
0x8e: {  	v54 =	vimm.f32 $0.0e+00  }
0x8f: {  	[tilespmem:v2+s9+$0x0] =	vst.idx.msk $0xffff, v54;
	v2 =	vld [tilespmem:$0x1FEA0]  }
0x90: {  	v3 =	vld [tilespmem:$0x1FEB0];
	_ =	sdelay $0x6  }
0x91: {  	[tilespmem:v2+s9+$0x0] =	vst.idx.msk $0xffff, v54  }
0x92: {  	[tilespmem:v3+s9+$0x0] =	vst.idx.msk $0xffff, v54;
	v3 =	vld [tilespmem:$0x1FEC0];
	_ =	sdelay $0x7  }
0x93: {  	[tilespmem:v3+s9+$0x0] =	vst.idx.msk $0xffff, v54;
	v3 =	vld [tilespmem:$0x1FED0];
	_ =	sdelay $0x7  }
0x94: {  	[tilespmem:v3+s9+$0x0] =	vst.idx.msk $0xffff, v54;
	v3 =	vld [tilespmem:$0x1FEE0];
	_ =	sdelay $0x2  }
0x95: {  	s11 =	simm.s32 $0x1  }
0x96: {  	v2 =	vadd.s32 s11, v17;
	_ =	sdelay $0x3  }
0x97: {  	s26 =	simm.s32 $0x0;
	[tilespmem:v3+s9+$0x0] =	vst.idx.msk $0xffff, v54  }
0x98: {  	v3 =	vadd.s32 s26, v17;
	v2 =	vld.idx.msk [tilespmem:v2+s8+$0x0], $0xffff;
	_ =	sdelay $0x4  }
0x99: {  	v3 =	vld.idx.msk [tilespmem:v3+s8+$0x0], $0xffff;
	v2 =	vmul.u32 $0xC80, v2  }
0x9a: {  	s28 =	simm.s32 $0x10  }
0x9b: {  	s12 =	simm.s32 $0x2;
	v4 =	vmov s28;
	v2 =	vadd.s32 s28, v2  }
0x9c: {  	v7 =	vadd.s32 s12, v17;
	v4 =	vand.u32 $0x70, v4;
	v2 =	vand.u32 $0xFFFFFF80, v2  }
0x9d: {  	v2 =	vor.u32 v4, v2  }
0x9e: {  	v3 =	vmul.u32 $0xC80, v3;
	v4 =	vor.u32 $0x2, v2  }
0x9f: {  	s29 =	simm.s32 $0x0;
	v5 =	vor.u32 $0x6, v2  }
0xa0: {  	v6 =	vmov s29;
	v11 =	vor.u32 $0x1, v2;
	v3 =	vadd.s32 s29, v3  }
0xa1: {  	v6 =	vand.u32 $0x60, v6;
	v7 =	vld.idx.msk [tilespmem:v7+s8+$0x0], $0xffff;
	v12 =	vor.u32 $0x9, v2;
	v3 =	vand.u32 $0xFFFFFF80, v3  }
0xa2: {  	v3 =	vor.u32 v6, v3;
	v8 =	vld.idx.msk [tilespmem:v2+s2+$0x0], $0xffff  }
0xa3: {  	s30 =	simm.s32 $0x3;
	v6 =	vor.u32 $0x3, v3;
	v52 =	vld.idx.msk [tilespmem:v4+s2+$0x0], $0xffff  }
0xa4: {  	v4 =	vadd.s32 s30, v17;
	v53 =	vld.idx.msk [tilespmem:v5+s2+$0x0], $0xffff  }
0xa5: {  	v9 =	vor.u32 $0x4, v3;
	v59 =	vld.idx.msk [tilespmem:v11+s2+$0x0], $0xffff  }
0xa6: {  	v13 =	vor.u32 $0x7, v3;
	v57 =	vld.idx.msk [tilespmem:v12+s2+$0x0], $0xffff  }
0xa7: {  	v14 =	vor.u32 $0x1, v3;
	v10 =	vld.idx.msk [tilespmem:v3+s2+$0x0], $0xffff  }
0xa8: {  	v5 =	vor.u32 $0x5, v3;
	v6 =	vld.idx.msk [tilespmem:v6+s2+$0x0], $0xffff  }
0xa9: {  	v19 =	vor.u32 $0x4, v2;
	v4 =	vld.idx.msk [tilespmem:v4+s8+$0x0], $0xffff  }
0xaa: {  	v18 =	vor.u32 $0x2, v3;
	v15 =	vld.idx.msk [tilespmem:v9+s2+$0x0], $0xffff  }
0xab: {  	v22 =	vor.u32 $0x5, v2;
	v9 =	vor.u32 $0x8, v3;
	v60 =	vld.idx.msk [tilespmem:v13+s2+$0x0], $0xffff  }
0xac: {  	v11 =	vor.u32 $0x6, v3;
	v12 =	vor.u32 $0x3, v2;
	v21 =	vld.idx.msk [tilespmem:v14+s2+$0x0], $0xffff;
	v13 =	vmul.u32 $0xC80, v7  }
0xad: {  	s31 =	simm.s32 $0x20;
	v3 =	vor.u32 $0x9, v3;
	v14 =	vor.u32 $0x7, v2;
	v16 =	vld.idx.msk [tilespmem:v5+s2+$0x0], $0xffff;
	v5 =	vor.u32 $0x8, v2  }
0xae: {  	v61 =	vld.idx.msk [tilespmem:v19+s2+$0x0], $0xffff;
	v2 =	vadd.s32 s31, v13;
	v10 =	vadd.f32 v10, v54;
	v4 =	vmul.u32 $0xC80, v4  }
0xaf: {  	v20 =	vmov s31;
	s11 =	simm.s32 $0x30;
	v58 =	vld.idx.msk [tilespmem:v18+s2+$0x0], $0xffff;
	v19 =	vand.u32 $0xFFFFFF80, v2;
	v2 =	vimm.f32 $0.0e+00  }
0xb0: {  	v9 =	vld.idx.msk [tilespmem:v9+s2+$0x0], $0xffff;
	v55 =	vadd.f32 v8, v10;
	v8 =	vmov s11;
	v4 =	vadd.s32 s11, v4  }
0xb1: {  	v62 =	vld.idx.msk [tilespmem:v11+s2+$0x0], $0xffff;
	v7 =	vadd.f32 v15, v54;
	v8 =	vand.u32 $0x70, v8;
	v4 =	vand.u32 $0xFFFFFF80, v4  }
0xb2: {  	v11 =	vld.idx.msk [tilespmem:v3+s2+$0x0], $0xffff;
	v3 =	vimm.f32 $0.0e+00;
	v10 =	vadd.f32 v6, v54;
	v56 =	vor.u32 v8, v4  }
0xb3: {  	v13 =	vld.idx.msk [tilespmem:v12+s2+$0x0], $0xffff;
	v6 =	vimm.f32 $0.0e+00;
	v8 =	vadd.f32 v16, v54;
	v18 =	vor.u32 $0x2, v56  }
0xb4: {  	s12 =	simm.s32 $0x4;
	v12 =	vld.idx.msk [tilespmem:v22+s2+$0x0], $0xffff;
	v16 =	vadd.f32 v21, v54;
	v4 =	vimm.f32 $0.0e+00;
	v15 =	vor.u32 $0x6, v56  }
.LBB2_4:
0xb5: {  	v21 =	vadd.s32 s12, v17;
	p0 =	slt.u32 s12, $0xC6;
	v20 =	vand.u32 $0x60, v20;
	v9 =	vadd.f32 v9, v54;
	v22 =	vld.idx.msk [tilespmem:v5+s2+$0x0], $0xffff;
	s13 =	smov.u32 s12;
	s12 =	sadd.s32 $0x2, s12  }
0xb6: {  	v4 =	vadd.f32 v62, v4;
	v19 =	vor.u32 v20, v19;
	v16 =	vadd.f32 v59, v16;
	v14 =	vld.idx.msk [tilespmem:v14+s2+$0x0], $0xffff  }
0xb7: {  	v6 =	vadd.f32 v60, v6;
	v3 =	vadd.f32 v11, v3;
	v20 =	vor.u32 $0x3, v19;
	v23 =	vld.idx.msk [tilespmem:v56+s2+$0x0], $0xffff  }
0xb8: {  	s13 =	sadd.s32 $0x1, s13;
	v11 =	vor.u32 $0x4, v19;
	v10 =	vadd.f32 v13, v10;
	v4 =	vadd.f32 v53, v4;
	v18 =	vld.idx.msk [tilespmem:v18+s2+$0x0], $0xffff  }
0xb9: {  	v13 =	vadd.s32 s13, v17;
	v7 =	vadd.f32 v61, v7;
	v3 =	vadd.f32 v57, v3;
	v53 =	vld.idx.msk [tilespmem:v15+s2+$0x0], $0xffff  }
0xba: {  	v5 =	vor.u32 $0x8, v56;
	v8 =	vadd.f32 v12, v8;
	v15 =	vld.idx.msk [tilespmem:v21+s8+$0x0], $0xffff;
	v21 =	vor.u32 $0x5, v19  }
0xbb: {  	v24 =	vor.u32 $0x1, v56;
	v2 =	vadd.f32 v58, v2;
	v54 =	vadd.f32 v22, v9;
	v12 =	vld.idx.msk [tilespmem:v19+s2+$0x0], $0xffff  }
0xbc: {  	v9 =	vor.u32 $0x9, v56;
	v6 =	vadd.f32 v14, v6;
	v20 =	vld.idx.msk [tilespmem:v20+s2+$0x0], $0xffff  }
0xbd: {  	v2 =	vadd.f32 v52, v2;
	v14 =	vor.u32 $0x7, v19;
	v11 =	vld.idx.msk [tilespmem:v11+s2+$0x0], $0xffff  }
0xbe: {  	v22 =	vor.u32 $0x8, v19;
	v52 =	vmov v18;
	v13 =	vld.idx.msk [tilespmem:v13+s8+$0x0], $0xffff  }
0xbf: {  	v18 =	vor.u32 $0x1, v19;
	v21 =	vld.idx.msk [tilespmem:v21+s2+$0x0], $0xffff  }
0xc0: {  	s11 =	sadd.s32 $0x20, s11;
	v25 =	vor.u32 $0x2, v19;
	v59 =	vld.idx.msk [tilespmem:v24+s2+$0x0], $0xffff  }
0xc1: {  	v12 =	vadd.f32 v12, v55;
	v24 =	vor.u32 $0x6, v19;
	v57 =	vld.idx.msk [tilespmem:v9+s2+$0x0], $0xffff  }
0xc2: {  	v19 =	vor.u32 $0x9, v19;
	v60 =	vld.idx.msk [tilespmem:v14+s2+$0x0], $0xffff  }
0xc3: {  	v55 =	vadd.f32 v23, v12;
	v12 =	vor.u32 $0x3, v56;
	v9 =	vld.idx.msk [tilespmem:v22+s2+$0x0], $0xffff  }
0xc4: {  	v23 =	vor.u32 $0x4, v56;
	v13 =	vmul.u32 $0xC80, v13;
	v22 =	vld.idx.msk [tilespmem:v18+s2+$0x0], $0xffff  }
0xc5: {  	v14 =	vor.u32 $0x7, v56;
	v58 =	vld.idx.msk [tilespmem:v25+s2+$0x0], $0xffff;
	v25 =	vor.u32 $0x5, v56  }
.Ltmp1:
0xc6: {  	v7 =	vadd.f32 v11, v7;
	v18 =	vmov s11;
	v13 =	vadd.s32 s11, v13;
	v62 =	vld.idx.msk [tilespmem:v24+s2+$0x0], $0xffff;
	(pc) =	sbr.rel @p0 .LBB2_4-.Ltmp1, $4  }
0xc7: {  	v15 =	vmul.u32 $0xC80, v15;
	v18 =	vand.u32 $0x70, v18;
	v13 =	vand.u32 $0xFFFFFF80, v13;
	v11 =	vld.idx.msk [tilespmem:v19+s2+$0x0], $0xffff  }
0xc8: {  	s13 =	sadd.s32 $0xFFFFFFF0, s11;
	v10 =	vadd.f32 v20, v10;
	v8 =	vadd.f32 v21, v8;
	v56 =	vor.u32 v18, v13;
	v13 =	vld.idx.msk [tilespmem:v12+s2+$0x0], $0xffff  }
0xc9: {  	v12 =	vadd.s32 s13, v15;
	v18 =	vor.u32 $0x2, v56;
	v15 =	vor.u32 $0x6, v56;
	v61 =	vld.idx.msk [tilespmem:v23+s2+$0x0], $0xffff  }
0xca: {  	v20 =	vmov s13;
	v19 =	vand.u32 $0xFFFFFF80, v12;
	v16 =	vadd.f32 v22, v16;
	v12 =	vld.idx.msk [tilespmem:v25+s2+$0x0], $0xffff  }
0xcb: {  	_ =	sdelay $0x3  }
0xcc: {  	v5 =	vld.idx.msk [tilespmem:v5+s2+$0x0], $0xffff;
	v24 =	vor.u32 $0x1, v56  }
0xcd: {  	v20 =	vand.u32 $0x60, v20;
	v14 =	vld.idx.msk [tilespmem:v14+s2+$0x0], $0xffff;
	v26 =	vor.u32 $0x9, v56  }
0xce: {  	v21 =	vld.idx.msk [tilespmem:v56+s2+$0x0], $0xffff;
	v33 =	vor.u32 $0x3, v56;
	v19 =	vor.u32 v20, v19  }
0xcf: {  	v18 =	vld.idx.msk [tilespmem:v18+s2+$0x0], $0xffff;
	v30 =	vor.u32 $0x2, v19  }
0xd0: {  	v15 =	vld.idx.msk [tilespmem:v15+s2+$0x0], $0xffff;
	v20 =	vor.u32 $0x3, v19  }
0xd1: {  	v9 =	vadd.f32 v9, v54;
	v24 =	vld.idx.msk [tilespmem:v24+s2+$0x0], $0xffff  }
0xd2: {  	v22 =	vor.u32 $0x4, v19;
	v26 =	vld.idx.msk [tilespmem:v26+s2+$0x0], $0xffff  }
0xd3: {  	v23 =	vor.u32 $0x5, v19;
	v5 =	vadd.f32 v5, v9;
	v9 =	vld.idx.msk [tilespmem:v33+s2+$0x0], $0xffff  }
0xd4: {  	v3 =	vadd.f32 v11, v3;
	v27 =	vor.u32 $0x7, v19;
	v11 =	vld.idx.msk [tilespmem:v30+s2+$0x0], $0xffff  }
0xd5: {  	v2 =	vadd.f32 v58, v2;
	v29 =	vor.u32 $0x1, v19;
	v20 =	vld.idx.msk [tilespmem:v20+s2+$0x0], $0xffff  }
0xd6: {  	v25 =	vld.idx.msk [tilespmem:v19+s2+$0x0], $0xffff  }
0xd7: {  	v2 =	vadd.f32 v52, v2;
	v22 =	vld.idx.msk [tilespmem:v22+s2+$0x0], $0xffff  }
0xd8: {  	v28 =	vor.u32 $0x8, v19;
	v10 =	vadd.f32 v13, v10;
	v23 =	vld.idx.msk [tilespmem:v23+s2+$0x0], $0xffff  }
0xd9: {  	v63 =	vor.u32 $0x6, v19;
	v27 =	vld.idx.msk [tilespmem:v27+s2+$0x0], $0xffff;
	v2 =	vadd.f32 v11, v2  }
0xda: {  	v35 =	vor.u32 $0x4, v56;
	v29 =	vld.idx.msk [tilespmem:v29+s2+$0x0], $0xffff;
	v10 =	vadd.f32 v20, v10  }
0xdb: {  	v13 =	vor.u32 $0x5, v56;
	v2 =	vadd.f32 v18, v2;
	v18 =	vld [tilespmem:$0x1FEF0]  }
0xdc: {  	v19 =	vor.u32 $0x9, v19;
	v9 =	vadd.f32 v9, v10;
	v10 =	vld [tilespmem:$0x1FF00]  }
0xdd: {  	v4 =	vadd.f32 v62, v4;
	v6 =	vadd.f32 v60, v6;
	v60 =	vor.u32 $0x8, v56;
	v28 =	vld.idx.msk [tilespmem:v28+s2+$0x0], $0xffff  }
0xde: {  	v62 =	vor.u32 $0x7, v56;
	v16 =	vadd.f32 v59, v16;
	v7 =	vadd.f32 v61, v7;
	v61 =	vld.idx.msk [tilespmem:v63+s2+$0x0], $0xffff  }
0xdf: {  	v8 =	vadd.f32 v12, v8;
	v63 =	vld.idx.msk [tilespmem:v35+s2+$0x0], $0xffff;
	v12 =	vadd.f32 v25, v55  }
0xe0: {  	v6 =	vadd.f32 v14, v6;
	v13 =	vld.idx.msk [tilespmem:v13+s2+$0x0], $0xffff;
	v14 =	vadd.f32 v29, v16  }
0xe1: {  	v19 =	vld.idx.msk [tilespmem:v19+s2+$0x0], $0xffff;
	v12 =	vadd.f32 v21, v12  }
0xe2: {  	v16 =	vld.idx.msk [tilespmem:v60+s2+$0x0], $0xffff;
	v11 =	vadd.f32 v24, v14  }
0xe3: {  	v14 =	vld.idx.msk [tilespmem:v62+s2+$0x0], $0xffff;
	[tilespmem:v18+s9+$0x0] =	vst.idx.msk $0xffff, v12  }
0xe4: {  	[tilespmem:v10+s9+$0x0] =	vst.idx.msk $0xffff, v11;
	v10 =	vld [tilespmem:$0x1FF10];
	_ =	sdelay $0x5  }
0xe5: {  	v8 =	vadd.f32 v23, v8;
	_ =	sdelay $0x1  }
0xe6: {  	[tilespmem:v10+s9+$0x0] =	vst.idx.msk $0xffff, v2;
	v2 =	vadd.f32 v27, v6;
	v6 =	vadd.f32 v13, v8;
	v8 =	vld [tilespmem:$0x1FF20];
	_ =	sdelay $0x7  }
0xe7: {  	[tilespmem:v8+s9+$0x0] =	vst.idx.msk $0xffff, v9;
	v8 =	vld [tilespmem:$0x1FF30];
	_ =	sdelay $0x3  }
0xe8: {  	v7 =	vadd.f32 v22, v7;
	_ =	sdelay $0x1  }
0xe9: {  	v7 =	vadd.f32 v63, v7;
	_ =	sdelay $0x1  }
0xea: {  	[tilespmem:v8+s9+$0x0] =	vst.idx.msk $0xffff, v7;
	v7 =	vld [tilespmem:$0x1FF40];
	_ =	sdelay $0x7  }
0xeb: {  	[tilespmem:v7+s9+$0x0] =	vst.idx.msk $0xffff, v6;
	v6 =	vld [tilespmem:$0x1FF50];
	_ =	sdelay $0x1  }
0xec: {  	v4 =	vadd.f32 v53, v4;
	_ =	sdelay $0x1  }
0xed: {  	v4 =	vadd.f32 v61, v4;
	_ =	sdelay $0x1  }
0xee: {  	v4 =	vadd.f32 v15, v4;
	_ =	sdelay $0x1  }
0xef: {  	[tilespmem:v6+s9+$0x0] =	vst.idx.msk $0xffff, v4;
	v4 =	vld [tilespmem:$0x1FF60];
	_ =	sdelay $0x5  }
0xf0: {  	v2 =	vadd.f32 v14, v2;
	_ =	sdelay $0x1  }
0xf1: {  	[tilespmem:v4+s9+$0x0] =	vst.idx.msk $0xffff, v2;
	v2 =	vld [tilespmem:$0x1FF70];
	_ =	sdelay $0x3  }
0xf2: {  	v5 =	vadd.f32 v28, v5;
	_ =	sdelay $0x1  }
0xf3: {  	v5 =	vadd.f32 v16, v5;
	_ =	sdelay $0x1  }
0xf4: {  	[tilespmem:v2+s9+$0x0] =	vst.idx.msk $0xffff, v5;
	v2 =	vld [tilespmem:$0x1FF80];
	_ =	sdelay $0x1  }
0xf5: {  	v3 =	vadd.f32 v57, v3;
	_ =	sdelay $0x1  }
0xf6: {  	v3 =	vadd.f32 v19, v3;
	_ =	sdelay $0x1  }
0xf7: {  	v3 =	vadd.f32 v26, v3;
	_ =	sdelay $0x1  }
0xf8: {  	[tilespmem:v2+s9+$0x0] =	vst.idx.msk $0xffff, v3;
	v2 =	vld [tilespmem:$0x1FF90];
	_ =	sdelay $0x6  }
0xf9: {  	v54 =	vimm.f32 $0.0e+00  }
0xfa: {  	[tilespmem:v2+s9+$0x0] =	vst.idx.msk $0xffff, v54;
	v2 =	vld [tilespmem:$0x1FFA0]  }
0xfb: {  	v3 =	vld [tilespmem:$0x1FFB0];
	_ =	sdelay $0x6  }
0xfc: {  	[tilespmem:v2+s9+$0x0] =	vst.idx.msk $0xffff, v54  }
0xfd: {  	[tilespmem:v3+s9+$0x0] =	vst.idx.msk $0xffff, v54;
	v3 =	vld [tilespmem:$0x1FFC0];
	_ =	sdelay $0x7  }
0xfe: {  	[tilespmem:v3+s9+$0x0] =	vst.idx.msk $0xffff, v54;
	v3 =	vld [tilespmem:$0x1FFD0];
	_ =	sdelay $0x7  }
0xff: {  	[tilespmem:v3+s9+$0x0] =	vst.idx.msk $0xffff, v54;
	v3 =	vld [tilespmem:$0x1FFE0];
	_ =	sdelay $0x2  }
0x100: {  	s11 =	simm.s32 $0x1  }
0x101: {  	v2 =	vadd.s32 s11, v34;
	_ =	sdelay $0x3  }
0x102: {  	s26 =	simm.s32 $0x0;
	[tilespmem:v3+s9+$0x0] =	vst.idx.msk $0xffff, v54  }
0x103: {  	v3 =	vadd.s32 s26, v34;
	v2 =	vld.idx.msk [tilespmem:v2+s8+$0x0], $0xffff;
	_ =	sdelay $0x4  }
0x104: {  	v3 =	vld.idx.msk [tilespmem:v3+s8+$0x0], $0xffff;
	v2 =	vmul.u32 $0xC80, v2  }
0x105: {  	s28 =	simm.s32 $0x10  }
0x106: {  	s12 =	simm.s32 $0x2;
	v4 =	vmov s28;
	v2 =	vadd.s32 s28, v2  }
0x107: {  	v7 =	vadd.s32 s12, v34;
	v4 =	vand.u32 $0x70, v4;
	v2 =	vand.u32 $0xFFFFFF80, v2  }
0x108: {  	v2 =	vor.u32 v4, v2  }
0x109: {  	v3 =	vmul.u32 $0xC80, v3;
	v4 =	vor.u32 $0x2, v2  }
0x10a: {  	s29 =	simm.s32 $0x0;
	v5 =	vor.u32 $0x6, v2  }
0x10b: {  	v6 =	vmov s29;
	v11 =	vor.u32 $0x1, v2;
	v3 =	vadd.s32 s29, v3  }
0x10c: {  	v6 =	vand.u32 $0x60, v6;
	v7 =	vld.idx.msk [tilespmem:v7+s8+$0x0], $0xffff;
	v12 =	vor.u32 $0x9, v2;
	v3 =	vand.u32 $0xFFFFFF80, v3  }
0x10d: {  	v3 =	vor.u32 v6, v3;
	v8 =	vld.idx.msk [tilespmem:v2+s2+$0x0], $0xffff  }
0x10e: {  	s30 =	simm.s32 $0x3;
	v6 =	vor.u32 $0x3, v3;
	v52 =	vld.idx.msk [tilespmem:v4+s2+$0x0], $0xffff  }
0x10f: {  	v4 =	vadd.s32 s30, v34;
	v53 =	vld.idx.msk [tilespmem:v5+s2+$0x0], $0xffff  }
0x110: {  	v9 =	vor.u32 $0x4, v3;
	v59 =	vld.idx.msk [tilespmem:v11+s2+$0x0], $0xffff  }
0x111: {  	v13 =	vor.u32 $0x7, v3;
	v57 =	vld.idx.msk [tilespmem:v12+s2+$0x0], $0xffff  }
0x112: {  	v14 =	vor.u32 $0x1, v3;
	v10 =	vld.idx.msk [tilespmem:v3+s2+$0x0], $0xffff  }
0x113: {  	v5 =	vor.u32 $0x5, v3;
	v6 =	vld.idx.msk [tilespmem:v6+s2+$0x0], $0xffff  }
0x114: {  	v19 =	vor.u32 $0x4, v2;
	v4 =	vld.idx.msk [tilespmem:v4+s8+$0x0], $0xffff  }
0x115: {  	v18 =	vor.u32 $0x2, v3;
	v15 =	vld.idx.msk [tilespmem:v9+s2+$0x0], $0xffff  }
0x116: {  	v22 =	vor.u32 $0x5, v2;
	v9 =	vor.u32 $0x8, v3;
	v60 =	vld.idx.msk [tilespmem:v13+s2+$0x0], $0xffff  }
0x117: {  	v11 =	vor.u32 $0x6, v3;
	v12 =	vor.u32 $0x3, v2;
	v21 =	vld.idx.msk [tilespmem:v14+s2+$0x0], $0xffff;
	v13 =	vmul.u32 $0xC80, v7  }
0x118: {  	s31 =	simm.s32 $0x20;
	v3 =	vor.u32 $0x9, v3;
	v14 =	vor.u32 $0x7, v2;
	v16 =	vld.idx.msk [tilespmem:v5+s2+$0x0], $0xffff;
	v5 =	vor.u32 $0x8, v2  }
0x119: {  	v61 =	vld.idx.msk [tilespmem:v19+s2+$0x0], $0xffff;
	v2 =	vadd.s32 s31, v13;
	v10 =	vadd.f32 v10, v54;
	v4 =	vmul.u32 $0xC80, v4  }
0x11a: {  	v20 =	vmov s31;
	s11 =	simm.s32 $0x30;
	v58 =	vld.idx.msk [tilespmem:v18+s2+$0x0], $0xffff;
	v19 =	vand.u32 $0xFFFFFF80, v2;
	v2 =	vimm.f32 $0.0e+00  }
0x11b: {  	v9 =	vld.idx.msk [tilespmem:v9+s2+$0x0], $0xffff;
	v55 =	vadd.f32 v8, v10;
	v8 =	vmov s11;
	v4 =	vadd.s32 s11, v4  }
0x11c: {  	v62 =	vld.idx.msk [tilespmem:v11+s2+$0x0], $0xffff;
	v7 =	vadd.f32 v15, v54;
	v8 =	vand.u32 $0x70, v8;
	v4 =	vand.u32 $0xFFFFFF80, v4  }
0x11d: {  	v11 =	vld.idx.msk [tilespmem:v3+s2+$0x0], $0xffff;
	v3 =	vimm.f32 $0.0e+00;
	v10 =	vadd.f32 v6, v54;
	v56 =	vor.u32 v8, v4  }
0x11e: {  	v13 =	vld.idx.msk [tilespmem:v12+s2+$0x0], $0xffff;
	v6 =	vimm.f32 $0.0e+00;
	v8 =	vadd.f32 v16, v54;
	v18 =	vor.u32 $0x2, v56  }
0x11f: {  	s12 =	simm.s32 $0x4;
	v12 =	vld.idx.msk [tilespmem:v22+s2+$0x0], $0xffff;
	v16 =	vadd.f32 v21, v54;
	v4 =	vimm.f32 $0.0e+00;
	v15 =	vor.u32 $0x6, v56  }
.LBB2_6:
0x120: {  	v21 =	vadd.s32 s12, v34;
	p0 =	slt.u32 s12, $0xC6;
	v20 =	vand.u32 $0x60, v20;
	v9 =	vadd.f32 v9, v54;
	v22 =	vld.idx.msk [tilespmem:v5+s2+$0x0], $0xffff;
	s13 =	smov.u32 s12;
	s12 =	sadd.s32 $0x2, s12  }
0x121: {  	v4 =	vadd.f32 v62, v4;
	v19 =	vor.u32 v20, v19;
	v16 =	vadd.f32 v59, v16;
	v14 =	vld.idx.msk [tilespmem:v14+s2+$0x0], $0xffff  }
0x122: {  	v6 =	vadd.f32 v60, v6;
	v3 =	vadd.f32 v11, v3;
	v20 =	vor.u32 $0x3, v19;
	v23 =	vld.idx.msk [tilespmem:v56+s2+$0x0], $0xffff  }
0x123: {  	s13 =	sadd.s32 $0x1, s13;
	v11 =	vor.u32 $0x4, v19;
	v10 =	vadd.f32 v13, v10;
	v4 =	vadd.f32 v53, v4;
	v18 =	vld.idx.msk [tilespmem:v18+s2+$0x0], $0xffff  }
0x124: {  	v13 =	vadd.s32 s13, v34;
	v7 =	vadd.f32 v61, v7;
	v3 =	vadd.f32 v57, v3;
	v53 =	vld.idx.msk [tilespmem:v15+s2+$0x0], $0xffff  }
0x125: {  	v5 =	vor.u32 $0x8, v56;
	v8 =	vadd.f32 v12, v8;
	v15 =	vld.idx.msk [tilespmem:v21+s8+$0x0], $0xffff;
	v21 =	vor.u32 $0x5, v19  }
0x126: {  	v24 =	vor.u32 $0x1, v56;
	v2 =	vadd.f32 v58, v2;
	v54 =	vadd.f32 v22, v9;
	v12 =	vld.idx.msk [tilespmem:v19+s2+$0x0], $0xffff  }
0x127: {  	v9 =	vor.u32 $0x9, v56;
	v6 =	vadd.f32 v14, v6;
	v20 =	vld.idx.msk [tilespmem:v20+s2+$0x0], $0xffff  }
0x128: {  	v2 =	vadd.f32 v52, v2;
	v14 =	vor.u32 $0x7, v19;
	v11 =	vld.idx.msk [tilespmem:v11+s2+$0x0], $0xffff  }
0x129: {  	v22 =	vor.u32 $0x8, v19;
	v52 =	vmov v18;
	v13 =	vld.idx.msk [tilespmem:v13+s8+$0x0], $0xffff  }
0x12a: {  	v18 =	vor.u32 $0x1, v19;
	v21 =	vld.idx.msk [tilespmem:v21+s2+$0x0], $0xffff  }
0x12b: {  	s11 =	sadd.s32 $0x20, s11;
	v25 =	vor.u32 $0x2, v19;
	v59 =	vld.idx.msk [tilespmem:v24+s2+$0x0], $0xffff  }
0x12c: {  	v12 =	vadd.f32 v12, v55;
	v24 =	vor.u32 $0x6, v19;
	v57 =	vld.idx.msk [tilespmem:v9+s2+$0x0], $0xffff  }
0x12d: {  	v19 =	vor.u32 $0x9, v19;
	v60 =	vld.idx.msk [tilespmem:v14+s2+$0x0], $0xffff  }
0x12e: {  	v55 =	vadd.f32 v23, v12;
	v12 =	vor.u32 $0x3, v56;
	v9 =	vld.idx.msk [tilespmem:v22+s2+$0x0], $0xffff  }
0x12f: {  	v23 =	vor.u32 $0x4, v56;
	v13 =	vmul.u32 $0xC80, v13;
	v22 =	vld.idx.msk [tilespmem:v18+s2+$0x0], $0xffff  }
0x130: {  	v14 =	vor.u32 $0x7, v56;
	v58 =	vld.idx.msk [tilespmem:v25+s2+$0x0], $0xffff;
	v25 =	vor.u32 $0x5, v56  }
.Ltmp2:
0x131: {  	v7 =	vadd.f32 v11, v7;
	v18 =	vmov s11;
	v13 =	vadd.s32 s11, v13;
	v62 =	vld.idx.msk [tilespmem:v24+s2+$0x0], $0xffff;
	(pc) =	sbr.rel @p0 .LBB2_6-.Ltmp2, $4  }
0x132: {  	v15 =	vmul.u32 $0xC80, v15;
	v18 =	vand.u32 $0x70, v18;
	v13 =	vand.u32 $0xFFFFFF80, v13;
	v11 =	vld.idx.msk [tilespmem:v19+s2+$0x0], $0xffff  }
0x133: {  	s13 =	sadd.s32 $0xFFFFFFF0, s11;
	v10 =	vadd.f32 v20, v10;
	v8 =	vadd.f32 v21, v8;
	v56 =	vor.u32 v18, v13;
	v13 =	vld.idx.msk [tilespmem:v12+s2+$0x0], $0xffff  }
0x134: {  	v12 =	vadd.s32 s13, v15;
	v18 =	vor.u32 $0x2, v56;
	v15 =	vor.u32 $0x6, v56;
	v61 =	vld.idx.msk [tilespmem:v23+s2+$0x0], $0xffff  }
0x135: {  	v20 =	vmov s13;
	v19 =	vand.u32 $0xFFFFFF80, v12;
	v16 =	vadd.f32 v22, v16;
	v12 =	vld.idx.msk [tilespmem:v25+s2+$0x0], $0xffff  }
0x136: {  	_ =	sdelay $0x3  }
0x137: {  	v20 =	vand.u32 $0x60, v20;
	v5 =	vld.idx.msk [tilespmem:v5+s2+$0x0], $0xffff;
	v24 =	vor.u32 $0x1, v56  }
0x138: {  	v14 =	vld.idx.msk [tilespmem:v14+s2+$0x0], $0xffff;
	v26 =	vor.u32 $0x9, v56;
	v19 =	vor.u32 v20, v19  }
0x139: {  	v21 =	vld.idx.msk [tilespmem:v56+s2+$0x0], $0xffff;
	v30 =	vor.u32 $0x2, v19  }
0x13a: {  	v18 =	vld.idx.msk [tilespmem:v18+s2+$0x0], $0xffff;
	v35 =	vor.u32 $0x3, v56  }
0x13b: {  	v15 =	vld.idx.msk [tilespmem:v15+s2+$0x0], $0xffff;
	v6 =	vadd.f32 v60, v6;
	v60 =	vor.u32 $0x4, v56  }
0x13c: {  	v24 =	vld.idx.msk [tilespmem:v24+s2+$0x0], $0xffff  }
0x13d: {  	v9 =	vadd.f32 v9, v54;
	v20 =	vor.u32 $0x3, v19;
	v26 =	vld.idx.msk [tilespmem:v26+s2+$0x0], $0xffff  }
0x13e: {  	v3 =	vadd.f32 v11, v3;
	v22 =	vor.u32 $0x4, v19;
	v11 =	vld.idx.msk [tilespmem:v30+s2+$0x0], $0xffff  }
0x13f: {  	v2 =	vadd.f32 v58, v2;
	v29 =	vor.u32 $0x1, v19;
	v5 =	vadd.f32 v5, v9;
	v9 =	vld.idx.msk [tilespmem:v35+s2+$0x0], $0xffff  }
0x140: {  	v33 =	vld.idx.msk [tilespmem:v60+s2+$0x0], $0xffff  }
0x141: {  	v23 =	vor.u32 $0x5, v19;
	v2 =	vadd.f32 v52, v2;
	v25 =	vld.idx.msk [tilespmem:v19+s2+$0x0], $0xffff  }
0x142: {  	v27 =	vor.u32 $0x7, v19;
	v20 =	vld.idx.msk [tilespmem:v20+s2+$0x0], $0xffff  }
0x143: {  	v28 =	vor.u32 $0x8, v19;
	v22 =	vld.idx.msk [tilespmem:v22+s2+$0x0], $0xffff;
	v2 =	vadd.f32 v11, v2  }
0x144: {  	v63 =	vor.u32 $0x6, v19;
	v29 =	vld.idx.msk [tilespmem:v29+s2+$0x0], $0xffff  }
0x145: {  	v10 =	vadd.f32 v13, v10;
	v13 =	vor.u32 $0x5, v56;
	v2 =	vadd.f32 v18, v2;
	v18 =	vld [tilespmem:$0x1FFF0]  }
0x146: {  	v4 =	vadd.f32 v62, v4;
	v19 =	vor.u32 $0x9, v19;
	v23 =	vld.idx.msk [tilespmem:v23+s2+$0x0], $0xffff  }
0x147: {  	v62 =	vor.u32 $0x8, v56;
	v27 =	vld.idx.msk [tilespmem:v27+s2+$0x0], $0xffff  }
0x148: {  	v32 =	vor.u32 $0x7, v56;
	v16 =	vadd.f32 v59, v16;
	v4 =	vadd.f32 v53, v4;
	v28 =	vld.idx.msk [tilespmem:v28+s2+$0x0], $0xffff  }
0x149: {  	v8 =	vadd.f32 v12, v8;
	v31 =	vld.idx.msk [tilespmem:v63+s2+$0x0], $0xffff;
	v12 =	vadd.f32 v25, v55  }
0x14a: {  	v6 =	vadd.f32 v14, v6;
	v13 =	vld.idx.msk [tilespmem:v13+s2+$0x0], $0xffff;
	v14 =	vadd.f32 v29, v16  }
0x14b: {  	v7 =	vadd.f32 v61, v7;
	v19 =	vld.idx.msk [tilespmem:v19+s2+$0x0], $0xffff;
	v12 =	vadd.f32 v21, v12  }
0x14c: {  	v16 =	vld.idx.msk [tilespmem:v62+s2+$0x0], $0xffff;
	v10 =	vadd.f32 v20, v10;
	v11 =	vadd.f32 v24, v14  }
0x14d: {  	v3 =	vadd.f32 v57, v3;
	v7 =	vadd.f32 v22, v7;
	v14 =	vld.idx.msk [tilespmem:v32+s2+$0x0], $0xffff;
	[tilespmem:v18+s9+$0x0] =	vst.idx.msk $0xffff, v12  }
0x14e: {  	v8 =	vadd.f32 v23, v8;
	v9 =	vadd.f32 v9, v10;
	[tilespmem:v36+s9+$0x0] =	vst.idx.msk $0xffff, v11  }
0x14f: {  	v4 =	vadd.f32 v31, v4;
	v7 =	vadd.f32 v33, v7;
	[tilespmem:v37+s9+$0x0] =	vst.idx.msk $0xffff, v2  }
0x150: {  	v2 =	vadd.f32 v27, v6;
	v6 =	vadd.f32 v13, v8;
	[tilespmem:v38+s9+$0x0] =	vst.idx.msk $0xffff, v9  }
0x151: {  	v5 =	vadd.f32 v28, v5;
	v4 =	vadd.f32 v15, v4;
	[tilespmem:v39+s9+$0x0] =	vst.idx.msk $0xffff, v7  }
0x152: {  	v3 =	vadd.f32 v19, v3;
	v2 =	vadd.f32 v14, v2;
	[tilespmem:v40+s9+$0x0] =	vst.idx.msk $0xffff, v6  }
0x153: {  	v5 =	vadd.f32 v16, v5;
	[tilespmem:v41+s9+$0x0] =	vst.idx.msk $0xffff, v4  }
0x154: {  	v3 =	vadd.f32 v26, v3;
	[tilespmem:v42+s9+$0x0] =	vst.idx.msk $0xffff, v2  }
0x155: {  	[tilespmem:v43+s9+$0x0] =	vst.idx.msk $0xffff, v5  }
0x156: {  	v52 =	vimm.f32 $0.0e+00;
	[tilespmem:v44+s9+$0x0] =	vst.idx.msk $0xffff, v3  }
0x157: {  	s11 =	simm.s32 $0x0;
	v53 =	vadd.s32 $0x2580, v1;
	[tilespmem:v45+s9+$0x0] =	vst.idx.msk $0xffff, v52  }
0x158: {  	v2 =	vadd.s32 s11, v53;
	[tilespmem:v46+s9+$0x0] =	vst.idx.msk $0xffff, v52  }
0x159: {  	[tilespmem:v47+s9+$0x0] =	vst.idx.msk $0xffff, v52  }
0x15a: {  	[tilespmem:v48+s9+$0x0] =	vst.idx.msk $0xffff, v52  }
0x15b: {  	[tilespmem:v49+s9+$0x0] =	vst.idx.msk $0xffff, v52  }
0x15c: {  	[tilespmem:v50+s9+$0x0] =	vst.idx.msk $0xffff, v52  }
0x15d: {  	s28 =	simm.s32 $0x1;
	v2 =	vld.idx.msk [tilespmem:v2+s8+$0x0], $0xffff  }
0x15e: {  	v3 =	vadd.s32 s28, v53;
	_ =	sdelay $0x3  }
0x15f: {  	v2 =	vmul.u32 $0xC80, v2  }
0x160: {  	s29 =	simm.s32 $0x0;
	s12 =	simm.s32 $0x3;
	v3 =	vld.idx.msk [tilespmem:v3+s8+$0x0], $0xffff  }
0x161: {  	s31 =	simm.s32 $0x2;
	v4 =	vmov s29;
	v5 =	vadd.s32 s12, v53;
	v2 =	vadd.s32 s29, v2  }
0x162: {  	v13 =	vadd.s32 s31, v53;
	v4 =	vand.u32 $0x60, v4;
	v2 =	vand.u32 $0xFFFFFF80, v2  }
0x163: {  	v2 =	vor.u32 v4, v2  }
0x164: {  	v4 =	vor.u32 $0x9, v2  }
0x165: {  	v3 =	vmul.u32 $0xC80, v3;
	v6 =	vor.u32 $0x3, v2  }
0x166: {  	s30 =	simm.s32 $0x10;
	v10 =	vld.idx.msk [tilespmem:v5+s8+$0x0], $0xffff;
	v7 =	vor.u32 $0x4, v2  }
0x167: {  	v8 =	vmov s30;
	v22 =	vld.idx.msk [tilespmem:v13+s8+$0x0], $0xffff;
	v3 =	vadd.s32 s30, v3;
	v5 =	vor.u32 $0x8, v2  }
0x168: {  	v8 =	vand.u32 $0x70, v8;
	v3 =	vand.u32 $0xFFFFFF80, v3;
	v9 =	vor.u32 $0x6, v2;
	v12 =	vld.idx.msk [tilespmem:v2+s2+$0x0], $0xffff  }
0x169: {  	v56 =	vor.u32 v8, v3;
	v3 =	vor.u32 $0x1, v2;
	v14 =	vld.idx.msk [tilespmem:v4+s2+$0x0], $0xffff  }
0x16a: {  	v16 =	vor.u32 $0x8, v56;
	v15 =	vld.idx.msk [tilespmem:v6+s2+$0x0], $0xffff  }
0x16b: {  	v18 =	vor.u32 $0x7, v56;
	v6 =	vld.idx.msk [tilespmem:v7+s2+$0x0], $0xffff  }
0x16c: {  	v21 =	vor.u32 $0x4, v56;
	v7 =	vld.idx.msk [tilespmem:v5+s2+$0x0], $0xffff  }
0x16d: {  	v58 =	vimm.f32 $0.0e+00;
	v59 =	vimm.f32 $0.0e+00;
	s12 =	simm.s32 $0x20;
	v19 =	vor.u32 $0x6, v56;
	v20 =	vld.idx.msk [tilespmem:v9+s2+$0x0], $0xffff  }
0x16e: {  	v60 =	vimm.f32 $0.0e+00;
	v13 =	vmov s12;
	v23 =	vor.u32 $0x2, v56;
	v3 =	vld.idx.msk [tilespmem:v3+s2+$0x0], $0xffff  }
0x16f: {  	v62 =	vor.u32 $0x2, v2;
	v11 =	vor.u32 $0x1, v56;
	v35 =	vor.u32 $0x3, v56;
	v9 =	vld.idx.msk [tilespmem:v16+s2+$0x0], $0xffff  }
0x170: {  	v8 =	vor.u32 $0x5, v56;
	v5 =	vor.u32 $0x9, v56;
	v4 =	vor.u32 $0x5, v2;
	v55 =	vld.idx.msk [tilespmem:v18+s2+$0x0], $0xffff  }
0x171: {  	s11 =	simm.s32 $0x30;
	v16 =	vor.u32 $0x7, v2;
	v18 =	vand.u32 $0x60, v13;
	v13 =	vld.idx.msk [tilespmem:v21+s2+$0x0], $0xffff;
	v54 =	vadd.f32 v12, v52  }
0x172: {  	v12 =	vld.idx.msk [tilespmem:v19+s2+$0x0], $0xffff;
	v19 =	vmul.u32 $0xC80, v10;
	v61 =	vadd.f32 v15, v52;
	v15 =	vmov s11  }
0x173: {  	v57 =	vld.idx.msk [tilespmem:v23+s2+$0x0], $0xffff;
	v63 =	vadd.f32 v14, v52;
	v14 =	vadd.f32 v20, v52;
	v20 =	vmul.u32 $0xC80, v22  }
0x174: {  	s15 =	simm.s32 $0x4;
	s13 =	simm.s32 $0x50;
	v10 =	vld.idx.msk [tilespmem:v35+s2+$0x0], $0xffff;
	v2 =	vadd.f32 v3, v52;
	v3 =	vimm.f32 $0.0e+00;
	v15 =	vand.u32 $0x70, v15  }
.LBB2_8:
0x175: {  	s16 =	sadd.s32 $0xFFFFFFF0, s13  }
0x176: {  	s17 =	sadd.s32 $0x1, s15;
	v6 =	vadd.f32 v6, v52;
	v3 =	vadd.f32 v7, v3;
	v21 =	vld.idx.msk [tilespmem:v11+s2+$0x0], $0xffff;
	s18 =	smov.u32 s15;
	s14 =	sadd.s32 $0x2, s15  }
0x177: {  	p0 =	slt.u32 s15, $0xC6;
	v22 =	vadd.s32 s18, v53;
	v7 =	vadd.s32 s17, v53;
	v11 =	vadd.s32 s12, v20;
	v20 =	vld.idx.msk [tilespmem:v8+s2+$0x0], $0xffff;
	s12 =	smov.u32 s16  }
0x178: {  	v14 =	vadd.f32 v12, v14;
	v8 =	vand.u32 $0xFFFFFF80, v11;
	v11 =	vadd.s32 s11, v19;
	v16 =	vld.idx.msk [tilespmem:v16+s2+$0x0], $0xffff;
	s11 =	smov.u32 s13  }
0x179: {  	v52 =	vadd.f32 v13, v6;
	v3 =	vadd.f32 v9, v3;
	v18 =	vor.u32 v18, v8;
	v6 =	vld.idx.msk [tilespmem:v5+s2+$0x0], $0xffff  }
0x17a: {  	v5 =	vand.u32 $0xFFFFFF80, v11;
	v9 =	vor.u32 $0x3, v18;
	v12 =	vor.u32 $0x9, v18;
	v13 =	vld.idx.msk [tilespmem:v62+s2+$0x0], $0xffff  }
0x17b: {  	v19 =	vor.u32 $0x4, v18;
	v23 =	vor.u32 $0x6, v18;
	v15 =	vor.u32 v15, v5;
	v24 =	vld.idx.msk [tilespmem:v4+s2+$0x0], $0xffff  }
0x17c: {  	v62 =	vor.u32 $0x2, v18;
	v11 =	vor.u32 $0x1, v15;
	v8 =	vor.u32 $0x5, v15;
	v25 =	vld.idx.msk [tilespmem:v7+s8+$0x0], $0xffff  }
0x17d: {  	v26 =	vor.u32 $0x2, v15;
	v5 =	vor.u32 $0x9, v15;
	v7 =	vor.u32 $0x8, v18;
	v27 =	vld.idx.msk [tilespmem:v56+s2+$0x0], $0xffff;
	v56 =	vmovc v15  }
0x17e: {  	v28 =	vor.u32 $0x1, v18;
	v15 =	vld.idx.msk [tilespmem:v18+s2+$0x0], $0xffff;
	v29 =	vor.u32 $0x3, v56;
	v30 =	vor.u32 $0x8, v56  }
0x17f: {  	v4 =	vor.u32 $0x5, v18;
	v32 =	vor.u32 $0x4, v56;
	v31 =	vld.idx.msk [tilespmem:v12+s2+$0x0], $0xffff;
	v12 =	vor.u32 $0x7, v56  }
0x180: {  	v33 =	vmov s12;
	v10 =	vadd.f32 v10, v61;
	v63 =	vadd.f32 v6, v63;
	v35 =	vld.idx.msk [tilespmem:v9+s2+$0x0], $0xffff  }
0x181: {  	v9 =	vadd.f32 v13, v60;
	v13 =	vadd.f32 v16, v59;
	v6 =	vld.idx.msk [tilespmem:v19+s2+$0x0], $0xffff;
	v19 =	vor.u32 $0x6, v56  }
0x182: {  	v2 =	vadd.f32 v21, v2;
	v16 =	vadd.f32 v24, v58;
	v7 =	vld.idx.msk [tilespmem:v7+s2+$0x0], $0xffff  }
0x183: {  	v24 =	vadd.f32 v27, v54;
	v59 =	vadd.f32 v55, v13;
	v21 =	vld.idx.msk [tilespmem:v28+s2+$0x0], $0xffff  }
0x184: {  	v60 =	vadd.f32 v57, v9;
	v58 =	vadd.f32 v20, v16;
	v23 =	vld.idx.msk [tilespmem:v23+s2+$0x0], $0xffff  }
0x185: {  	v54 =	vadd.f32 v15, v24;
	v20 =	vld.idx.msk [tilespmem:v22+s8+$0x0], $0xffff  }
0x186: {  	v9 =	vld.idx.msk [tilespmem:v30+s2+$0x0], $0xffff  }
.Ltmp3:
0x187: {  	v55 =	vld.idx.msk [tilespmem:v12+s2+$0x0], $0xffff;
	(pc) =	sbr.rel @p0 .LBB2_8-.Ltmp3, $4  }
0x188: {  	v61 =	vadd.f32 v35, v10;
	v12 =	vld.idx.msk [tilespmem:v19+s2+$0x0], $0xffff  }
0x189: {  	v16 =	vor.u32 $0x7, v18;
	v63 =	vadd.f32 v31, v63;
	v10 =	vmov s13;
	v13 =	vld.idx.msk [tilespmem:v32+s2+$0x0], $0xffff  }
0x18a: {  	v18 =	vand.u32 $0x60, v33;
	v15 =	vand.u32 $0x70, v10;
	v14 =	vadd.f32 v23, v14;
	v57 =	vld.idx.msk [tilespmem:v26+s2+$0x0], $0xffff  }
0x18b: {  	s15 =	smov.u32 s14;
	s13 =	sadd.s32 $0x20, s13;
	v19 =	vmul.u32 $0xC80, v25;
	v2 =	vadd.f32 v21, v2;
	v20 =	vmul.u32 $0xC80, v20;
	v10 =	vld.idx.msk [tilespmem:v29+s2+$0x0], $0xffff  }
0x18c: {  	_ =	sdelay $0x3  }
0x18d: {  	v11 =	vld.idx.msk [tilespmem:v11+s2+$0x0], $0xffff;
	v20 =	vadd.s32 s12, v20  }
0x18e: {  	v8 =	vld.idx.msk [tilespmem:v8+s2+$0x0], $0xffff;
	v19 =	vadd.s32 s11, v19;
	v20 =	vand.u32 $0xFFFFFF80, v20  }
0x18f: {  	v16 =	vld.idx.msk [tilespmem:v16+s2+$0x0], $0xffff;
	v19 =	vand.u32 $0xFFFFFF80, v19;
	v18 =	vor.u32 v18, v20  }
0x190: {  	v5 =	vld.idx.msk [tilespmem:v5+s2+$0x0], $0xffff;
	v15 =	vor.u32 v15, v19  }
0x191: {  	v22 =	vld.idx.msk [tilespmem:v62+s2+$0x0], $0xffff;
	v20 =	vor.u32 $0x9, v18  }
0x192: {  	v4 =	vld.idx.msk [tilespmem:v4+s2+$0x0], $0xffff;
	v21 =	vor.u32 $0x3, v18  }
0x193: {  	v25 =	vld.idx.msk [tilespmem:v56+s2+$0x0], $0xffff;
	v23 =	vor.u32 $0x4, v18  }
0x194: {  	v24 =	vor.u32 $0x8, v18;
	v26 =	vld.idx.msk [tilespmem:v18+s2+$0x0], $0xffff  }
0x195: {  	v27 =	vor.u32 $0x1, v18;
	v35 =	vld.idx.msk [tilespmem:v15+s2+$0x0], $0xffff  }
0x196: {  	v28 =	vor.u32 $0x6, v18;
	v19 =	vld.idx.msk [tilespmem:v20+s2+$0x0], $0xffff  }
0x197: {  	v29 =	vor.u32 $0x7, v15;
	v21 =	vld.idx.msk [tilespmem:v21+s2+$0x0], $0xffff  }
0x198: {  	v30 =	vor.u32 $0x6, v15;
	v23 =	vld.idx.msk [tilespmem:v23+s2+$0x0], $0xffff  }
0x199: {  	v31 =	vor.u32 $0x4, v15;
	v24 =	vld.idx.msk [tilespmem:v24+s2+$0x0], $0xffff  }
0x19a: {  	v32 =	vor.u32 $0x2, v15;
	v27 =	vld.idx.msk [tilespmem:v27+s2+$0x0], $0xffff  }
0x19b: {  	v33 =	vor.u32 $0x2, v18;
	v28 =	vld.idx.msk [tilespmem:v28+s2+$0x0], $0xffff  }
0x19c: {  	v3 =	vadd.f32 v7, v3;
	v7 =	vor.u32 $0x1, v15;
	v29 =	vld.idx.msk [tilespmem:v29+s2+$0x0], $0xffff  }
0x19d: {  	v6 =	vadd.f32 v6, v52;
	v12 =	vadd.f32 v12, v14;
	v14 =	vor.u32 $0x3, v15;
	v30 =	vld.idx.msk [tilespmem:v30+s2+$0x0], $0xffff  }
0x19e: {  	v3 =	vadd.f32 v9, v3;
	v9 =	vor.u32 $0x5, v18;
	v31 =	vld.idx.msk [tilespmem:v31+s2+$0x0], $0xffff  }
0x19f: {  	v6 =	vadd.f32 v13, v6;
	v56 =	vor.u32 $0x5, v15;
	v13 =	vld.idx.msk [tilespmem:v32+s2+$0x0], $0xffff  }
0x1a0: {  	v10 =	vadd.f32 v10, v61;
	v22 =	vadd.f32 v22, v60;
	v18 =	vor.u32 $0x7, v18;
	v33 =	vld.idx.msk [tilespmem:v33+s2+$0x0], $0xffff  }
0x1a1: {  	v16 =	vadd.f32 v16, v59;
	v4 =	vadd.f32 v4, v58;
	v20 =	vor.u32 $0x8, v15;
	v7 =	vld.idx.msk [tilespmem:v7+s2+$0x0], $0xffff  }
0x1a2: {  	v25 =	vadd.f32 v25, v54;
	v2 =	vadd.f32 v11, v2;
	v15 =	vor.u32 $0x9, v15;
	v14 =	vld.idx.msk [tilespmem:v14+s2+$0x0], $0xffff  }
0x1a3: {  	v11 =	vadd.f32 v55, v16;
	v16 =	vor.u32 $0x300, v0;
	v22 =	vadd.f32 v57, v22;
	v9 =	vld.idx.msk [tilespmem:v9+s2+$0x0], $0xffff  }
0x1a4: {  	v61 =	vor.u32 $0x301, v0;
	v4 =	vadd.f32 v8, v4;
	v8 =	vld.idx.msk [tilespmem:v56+s2+$0x0], $0xffff;
	v25 =	vadd.f32 v26, v25  }
0x1a5: {  	v62 =	vor.u32 $0x302, v0;
	v5 =	vadd.f32 v5, v63;
	v18 =	vld.idx.msk [tilespmem:v18+s2+$0x0], $0xffff;
	v2 =	vadd.f32 v27, v2  }
0x1a6: {  	v63 =	vor.u32 $0x303, v0;
	v20 =	vld.idx.msk [tilespmem:v20+s2+$0x0], $0xffff;
	v22 =	vadd.f32 v33, v22;
	v25 =	vadd.f32 v35, v25  }
0x1a7: {  	v10 =	vadd.f32 v21, v10;
	v15 =	vld.idx.msk [tilespmem:v15+s2+$0x0], $0xffff;
	v2 =	vadd.f32 v7, v2;
	v7 =	vor.u32 $0x304, v0  }
0x1a8: {  	v6 =	vadd.f32 v23, v6;
	v13 =	vadd.f32 v13, v22;
	[tilespmem:v16+s9+$0x0] =	vst.idx.msk $0xffff, v25;
	v16 =	vor.u32 $0x305, v0  }
0x1a9: {  	v4 =	vadd.f32 v9, v4;
	v10 =	vadd.f32 v14, v10;
	[tilespmem:v61+s9+$0x0] =	vst.idx.msk $0xffff, v2;
	v2 =	vor.u32 $0x306, v0  }
0x1aa: {  	v9 =	vadd.f32 v28, v12;
	v12 =	vor.u32 $0x307, v0;
	v6 =	vadd.f32 v31, v6;
	[tilespmem:v62+s9+$0x0] =	vst.idx.msk $0xffff, v13  }
0x1ab: {  	v4 =	vadd.f32 v8, v4;
	v8 =	vor.u32 $0x308, v0;
	v11 =	vadd.f32 v18, v11;
	[tilespmem:v63+s9+$0x0] =	vst.idx.msk $0xffff, v10  }
0x1ac: {  	v3 =	vadd.f32 v24, v3;
	v9 =	vadd.f32 v30, v9;
	[tilespmem:v7+s9+$0x0] =	vst.idx.msk $0xffff, v6;
	v6 =	vor.u32 $0x309, v0  }
0x1ad: {  	v5 =	vadd.f32 v19, v5;
	v7 =	vadd.f32 v29, v11;
	[tilespmem:v16+s9+$0x0] =	vst.idx.msk $0xffff, v4;
	v4 =	vor.u32 $0x30A, v0  }
0x1ae: {  	v3 =	vadd.f32 v20, v3;
	[tilespmem:v2+s9+$0x0] =	vst.idx.msk $0xffff, v9;
	v2 =	vor.u32 $0x30B, v0  }
0x1af: {  	v5 =	vadd.f32 v15, v5;
	[tilespmem:v12+s9+$0x0] =	vst.idx.msk $0xffff, v7;
	v7 =	vor.u32 $0x30C, v0  }
0x1b0: {  	[tilespmem:v8+s9+$0x0] =	vst.idx.msk $0xffff, v3;
	v3 =	vor.u32 $0x30D, v0  }
0x1b1: {  	v52 =	vimm.f32 $0.0e+00;
	[tilespmem:v6+s9+$0x0] =	vst.idx.msk $0xffff, v5;
	v5 =	vor.u32 $0x30E, v0  }
0x1b2: {  	s25 =	simm.s32 $0x0;
	v53 =	vadd.s32 $0x3200, v1;
	[tilespmem:v4+s9+$0x0] =	vst.idx.msk $0xffff, v52;
	v4 =	vor.u32 $0x30F, v0  }
0x1b3: {  	[tilespmem:v2+s9+$0x0] =	vst.idx.msk $0xffff, v52;
	v2 =	vadd.s32 s25, v53  }
0x1b4: {  	[tilespmem:v7+s9+$0x0] =	vst.idx.msk $0xffff, v52  }
0x1b5: {  	[tilespmem:v3+s9+$0x0] =	vst.idx.msk $0xffff, v52  }
0x1b6: {  	[tilespmem:v5+s9+$0x0] =	vst.idx.msk $0xffff, v52  }
0x1b7: {  	[tilespmem:v4+s9+$0x0] =	vst.idx.msk $0xffff, v52  }
0x1b8: {  	s26 =	simm.s32 $0x1;
	v2 =	vld.idx.msk [tilespmem:v2+s8+$0x0], $0xffff  }
0x1b9: {  	v3 =	vadd.s32 s26, v53;
	_ =	sdelay $0x3  }
0x1ba: {  	v2 =	vmul.u32 $0xC80, v2  }
0x1bb: {  	s28 =	simm.s32 $0x0;
	s31 =	simm.s32 $0x2;
	v3 =	vld.idx.msk [tilespmem:v3+s8+$0x0], $0xffff  }
0x1bc: {  	s29 =	simm.s32 $0x3;
	v13 =	vadd.s32 s31, v53;
	v4 =	vmov s28;
	v2 =	vadd.s32 s28, v2  }
0x1bd: {  	v5 =	vadd.s32 s29, v53;
	v4 =	vand.u32 $0x60, v4;
	v2 =	vand.u32 $0xFFFFFF80, v2  }
0x1be: {  	v2 =	vor.u32 v4, v2  }
0x1bf: {  	v4 =	vor.u32 $0x9, v2  }
0x1c0: {  	v3 =	vmul.u32 $0xC80, v3;
	v6 =	vor.u32 $0x3, v2  }
0x1c1: {  	s30 =	simm.s32 $0x10;
	v22 =	vld.idx.msk [tilespmem:v13+s8+$0x0], $0xffff;
	v7 =	vor.u32 $0x4, v2  }
0x1c2: {  	v8 =	vmov s30;
	v10 =	vld.idx.msk [tilespmem:v5+s8+$0x0], $0xffff;
	v3 =	vadd.s32 s30, v3;
	v5 =	vor.u32 $0x8, v2  }
0x1c3: {  	v8 =	vand.u32 $0x70, v8;
	v9 =	vor.u32 $0x6, v2;
	v3 =	vand.u32 $0xFFFFFF80, v3;
	v12 =	vld.idx.msk [tilespmem:v2+s2+$0x0], $0xffff  }
0x1c4: {  	v56 =	vor.u32 v8, v3;
	v3 =	vor.u32 $0x1, v2;
	v14 =	vld.idx.msk [tilespmem:v4+s2+$0x0], $0xffff  }
0x1c5: {  	v16 =	vor.u32 $0x8, v56;
	v15 =	vld.idx.msk [tilespmem:v6+s2+$0x0], $0xffff  }
0x1c6: {  	v18 =	vor.u32 $0x7, v56;
	v6 =	vld.idx.msk [tilespmem:v7+s2+$0x0], $0xffff  }
0x1c7: {  	v21 =	vor.u32 $0x4, v56;
	v7 =	vld.idx.msk [tilespmem:v5+s2+$0x0], $0xffff  }
0x1c8: {  	s12 =	simm.s32 $0x20;
	v60 =	vimm.f32 $0.0e+00;
	v59 =	vimm.f32 $0.0e+00;
	v19 =	vor.u32 $0x6, v56;
	v20 =	vld.idx.msk [tilespmem:v9+s2+$0x0], $0xffff  }
0x1c9: {  	v58 =	vimm.f32 $0.0e+00;
	v13 =	vmov s12;
	v23 =	vor.u32 $0x2, v56;
	v3 =	vld.idx.msk [tilespmem:v3+s2+$0x0], $0xffff  }
0x1ca: {  	v62 =	vor.u32 $0x2, v2;
	v11 =	vor.u32 $0x1, v56;
	v35 =	vor.u32 $0x3, v56;
	v9 =	vld.idx.msk [tilespmem:v16+s2+$0x0], $0xffff  }
0x1cb: {  	v8 =	vor.u32 $0x5, v56;
	v5 =	vor.u32 $0x9, v56;
	v4 =	vor.u32 $0x5, v2;
	v55 =	vld.idx.msk [tilespmem:v18+s2+$0x0], $0xffff  }
0x1cc: {  	s11 =	simm.s32 $0x30;
	v16 =	vor.u32 $0x7, v2;
	v18 =	vand.u32 $0x60, v13;
	v13 =	vld.idx.msk [tilespmem:v21+s2+$0x0], $0xffff;
	v54 =	vadd.f32 v12, v52  }
0x1cd: {  	v12 =	vld.idx.msk [tilespmem:v19+s2+$0x0], $0xffff;
	v19 =	vmul.u32 $0xC80, v10;
	v61 =	vadd.f32 v15, v52;
	v15 =	vmov s11  }
0x1ce: {  	v57 =	vld.idx.msk [tilespmem:v23+s2+$0x0], $0xffff;
	v2 =	vadd.f32 v14, v52;
	v14 =	vadd.f32 v20, v52;
	v20 =	vmul.u32 $0xC80, v22  }
0x1cf: {  	s15 =	simm.s32 $0x4;
	s13 =	simm.s32 $0x50;
	v10 =	vld.idx.msk [tilespmem:v35+s2+$0x0], $0xffff;
	v15 =	vand.u32 $0x70, v15;
	v63 =	vadd.f32 v3, v52;
	v3 =	vimm.f32 $0.0e+00  }
.LBB2_10:
0x1d0: {  	s16 =	sadd.s32 $0xFFFFFFF0, s13  }
0x1d1: {  	s17 =	sadd.s32 $0x1, s15;
	v6 =	vadd.f32 v6, v52;
	v3 =	vadd.f32 v7, v3;
	v21 =	vld.idx.msk [tilespmem:v11+s2+$0x0], $0xffff;
	s18 =	smov.u32 s15;
	s14 =	sadd.s32 $0x2, s15  }
0x1d2: {  	p0 =	slt.u32 s15, $0xC6;
	v22 =	vadd.s32 s18, v53;
	v7 =	vadd.s32 s17, v53;
	v11 =	vadd.s32 s12, v20;
	v20 =	vld.idx.msk [tilespmem:v8+s2+$0x0], $0xffff;
	s12 =	smov.u32 s16  }
0x1d3: {  	v14 =	vadd.f32 v12, v14;
	v8 =	vand.u32 $0xFFFFFF80, v11;
	v11 =	vadd.s32 s11, v19;
	v16 =	vld.idx.msk [tilespmem:v16+s2+$0x0], $0xffff;
	s11 =	smov.u32 s13  }
0x1d4: {  	v52 =	vadd.f32 v13, v6;
	v3 =	vadd.f32 v9, v3;
	v18 =	vor.u32 v18, v8;
	v6 =	vld.idx.msk [tilespmem:v5+s2+$0x0], $0xffff  }
0x1d5: {  	v5 =	vand.u32 $0xFFFFFF80, v11;
	v9 =	vor.u32 $0x3, v18;
	v12 =	vor.u32 $0x9, v18;
	v13 =	vld.idx.msk [tilespmem:v62+s2+$0x0], $0xffff  }
0x1d6: {  	v19 =	vor.u32 $0x4, v18;
	v23 =	vor.u32 $0x6, v18;
	v15 =	vor.u32 v15, v5;
	v24 =	vld.idx.msk [tilespmem:v4+s2+$0x0], $0xffff  }
0x1d7: {  	v62 =	vor.u32 $0x2, v18;
	v11 =	vor.u32 $0x1, v15;
	v8 =	vor.u32 $0x5, v15;
	v25 =	vld.idx.msk [tilespmem:v7+s8+$0x0], $0xffff  }
0x1d8: {  	v26 =	vor.u32 $0x2, v15;
	v5 =	vor.u32 $0x9, v15;
	v7 =	vor.u32 $0x8, v18;
	v27 =	vld.idx.msk [tilespmem:v56+s2+$0x0], $0xffff;
	v56 =	vmovc v15  }
0x1d9: {  	v28 =	vor.u32 $0x1, v18;
	v15 =	vld.idx.msk [tilespmem:v18+s2+$0x0], $0xffff;
	v29 =	vor.u32 $0x3, v56;
	v30 =	vor.u32 $0x8, v56  }
0x1da: {  	v4 =	vor.u32 $0x5, v18;
	v32 =	vor.u32 $0x4, v56;
	v31 =	vld.idx.msk [tilespmem:v12+s2+$0x0], $0xffff;
	v12 =	vor.u32 $0x7, v56  }
0x1db: {  	v33 =	vmov s12;
	v10 =	vadd.f32 v10, v61;
	v2 =	vadd.f32 v6, v2;
	v35 =	vld.idx.msk [tilespmem:v9+s2+$0x0], $0xffff  }
0x1dc: {  	v9 =	vadd.f32 v13, v60;
	v13 =	vadd.f32 v16, v59;
	v6 =	vld.idx.msk [tilespmem:v19+s2+$0x0], $0xffff;
	v19 =	vor.u32 $0x6, v56  }
0x1dd: {  	v21 =	vadd.f32 v21, v63;
	v16 =	vadd.f32 v24, v58;
	v7 =	vld.idx.msk [tilespmem:v7+s2+$0x0], $0xffff  }
0x1de: {  	v27 =	vadd.f32 v27, v54;
	v59 =	vadd.f32 v55, v13;
	v24 =	vld.idx.msk [tilespmem:v28+s2+$0x0], $0xffff  }
0x1df: {  	v60 =	vadd.f32 v57, v9;
	v58 =	vadd.f32 v20, v16;
	v23 =	vld.idx.msk [tilespmem:v23+s2+$0x0], $0xffff  }
0x1e0: {  	v54 =	vadd.f32 v15, v27;
	v20 =	vld.idx.msk [tilespmem:v22+s8+$0x0], $0xffff  }
0x1e1: {  	v9 =	vld.idx.msk [tilespmem:v30+s2+$0x0], $0xffff  }
.Ltmp4:
0x1e2: {  	v55 =	vld.idx.msk [tilespmem:v12+s2+$0x0], $0xffff;
	(pc) =	sbr.rel @p0 .LBB2_10-.Ltmp4, $4  }
0x1e3: {  	v61 =	vadd.f32 v35, v10;
	v12 =	vld.idx.msk [tilespmem:v19+s2+$0x0], $0xffff  }
0x1e4: {  	v16 =	vor.u32 $0x7, v18;
	v2 =	vadd.f32 v31, v2;
	v10 =	vmov s13;
	v13 =	vld.idx.msk [tilespmem:v32+s2+$0x0], $0xffff  }
0x1e5: {  	v18 =	vand.u32 $0x60, v33;
	v15 =	vand.u32 $0x70, v10;
	v14 =	vadd.f32 v23, v14;
	v57 =	vld.idx.msk [tilespmem:v26+s2+$0x0], $0xffff  }
0x1e6: {  	s15 =	smov.u32 s14;
	s13 =	sadd.s32 $0x20, s13;
	v19 =	vmul.u32 $0xC80, v25;
	v63 =	vadd.f32 v24, v21;
	v20 =	vmul.u32 $0xC80, v20;
	v10 =	vld.idx.msk [tilespmem:v29+s2+$0x0], $0xffff  }
0x1e7: {  	_ =	sdelay $0x3  }
0x1e8: {  	v11 =	vld.idx.msk [tilespmem:v11+s2+$0x0], $0xffff;
	v20 =	vadd.s32 s12, v20  }
0x1e9: {  	v8 =	vld.idx.msk [tilespmem:v8+s2+$0x0], $0xffff;
	v19 =	vadd.s32 s11, v19;
	v20 =	vand.u32 $0xFFFFFF80, v20  }
0x1ea: {  	v16 =	vld.idx.msk [tilespmem:v16+s2+$0x0], $0xffff;
	v19 =	vand.u32 $0xFFFFFF80, v19;
	v18 =	vor.u32 v18, v20  }
0x1eb: {  	v5 =	vld.idx.msk [tilespmem:v5+s2+$0x0], $0xffff;
	v15 =	vor.u32 v15, v19  }
0x1ec: {  	v22 =	vld.idx.msk [tilespmem:v62+s2+$0x0], $0xffff;
	v20 =	vor.u32 $0x9, v18  }
0x1ed: {  	v4 =	vld.idx.msk [tilespmem:v4+s2+$0x0], $0xffff;
	v21 =	vor.u32 $0x3, v18  }
0x1ee: {  	v25 =	vld.idx.msk [tilespmem:v56+s2+$0x0], $0xffff;
	v23 =	vor.u32 $0x4, v18  }
0x1ef: {  	v24 =	vor.u32 $0x8, v18;
	v26 =	vld.idx.msk [tilespmem:v18+s2+$0x0], $0xffff  }
0x1f0: {  	v27 =	vor.u32 $0x1, v18;
	v62 =	vld.idx.msk [tilespmem:v15+s2+$0x0], $0xffff  }
0x1f1: {  	v28 =	vor.u32 $0x6, v18;
	v19 =	vld.idx.msk [tilespmem:v20+s2+$0x0], $0xffff  }
0x1f2: {  	v29 =	vor.u32 $0x7, v15;
	v21 =	vld.idx.msk [tilespmem:v21+s2+$0x0], $0xffff  }
0x1f3: {  	v30 =	vor.u32 $0x6, v15;
	v23 =	vld.idx.msk [tilespmem:v23+s2+$0x0], $0xffff  }
0x1f4: {  	v31 =	vor.u32 $0x4, v15;
	v24 =	vld.idx.msk [tilespmem:v24+s2+$0x0], $0xffff  }
0x1f5: {  	v32 =	vor.u32 $0x2, v15;
	v27 =	vld.idx.msk [tilespmem:v27+s2+$0x0], $0xffff  }
0x1f6: {  	v33 =	vor.u32 $0x2, v18;
	v28 =	vld.idx.msk [tilespmem:v28+s2+$0x0], $0xffff  }
0x1f7: {  	v3 =	vadd.f32 v7, v3;
	v7 =	vor.u32 $0x1, v15;
	v29 =	vld.idx.msk [tilespmem:v29+s2+$0x0], $0xffff  }
0x1f8: {  	v6 =	vadd.f32 v6, v52;
	v12 =	vadd.f32 v12, v14;
	v14 =	vor.u32 $0x3, v15;
	v30 =	vld.idx.msk [tilespmem:v30+s2+$0x0], $0xffff  }
0x1f9: {  	v3 =	vadd.f32 v9, v3;
	v9 =	vor.u32 $0x5, v18;
	v31 =	vld.idx.msk [tilespmem:v31+s2+$0x0], $0xffff  }
0x1fa: {  	v6 =	vadd.f32 v13, v6;
	v18 =	vor.u32 $0x7, v18;
	v13 =	vld.idx.msk [tilespmem:v32+s2+$0x0], $0xffff  }
0x1fb: {  	v10 =	vadd.f32 v10, v61;
	v2 =	vadd.f32 v5, v2;
	v20 =	vor.u32 $0x8, v15;
	v5 =	vld.idx.msk [tilespmem:v33+s2+$0x0], $0xffff  }
0x1fc: {  	v56 =	vor.u32 $0x5, v15;
	v22 =	vadd.f32 v22, v60;
	v16 =	vadd.f32 v16, v59;
	v7 =	vld.idx.msk [tilespmem:v7+s2+$0x0], $0xffff  }
0x1fd: {  	v4 =	vadd.f32 v4, v58;
	v25 =	vadd.f32 v25, v54;
	v15 =	vor.u32 $0x9, v15;
	v14 =	vld.idx.msk [tilespmem:v14+s2+$0x0], $0xffff  }
0x1fe: {  	v35 =	vor.u32 $0x400, v0;
	v11 =	vadd.f32 v11, v63;
	v16 =	vadd.f32 v55, v16;
	v9 =	vld.idx.msk [tilespmem:v9+s2+$0x0], $0xffff  }
0x1ff: {  	v63 =	vor.u32 $0x401, v0;
	v22 =	vadd.f32 v57, v22;
	v25 =	vadd.f32 v26, v25;
	v18 =	vld.idx.msk [tilespmem:v18+s2+$0x0], $0xffff  }
0x200: {  	v4 =	vadd.f32 v8, v4;
	v32 =	vor.u32 $0x402, v0;
	v20 =	vld.idx.msk [tilespmem:v20+s2+$0x0], $0xffff;
	v8 =	vadd.f32 v27, v11  }
0x201: {  	v33 =	vor.u32 $0x403, v0;
	v11 =	vld.idx.msk [tilespmem:v56+s2+$0x0], $0xffff;
	v5 =	vadd.f32 v5, v22;
	v22 =	vadd.f32 v62, v25  }
0x202: {  	v10 =	vadd.f32 v21, v10;
	v15 =	vld.idx.msk [tilespmem:v15+s2+$0x0], $0xffff;
	v7 =	vadd.f32 v7, v8;
	v8 =	vor.u32 $0x404, v0  }
0x203: {  	v6 =	vadd.f32 v23, v6;
	v5 =	vadd.f32 v13, v5;
	v13 =	vor.u32 $0x405, v0;
	[tilespmem:v35+s9+$0x0] =	vst.idx.msk $0xffff, v22  }
0x204: {  	v4 =	vadd.f32 v9, v4;
	v10 =	vadd.f32 v14, v10;
	[tilespmem:v63+s9+$0x0] =	vst.idx.msk $0xffff, v7;
	v7 =	vor.u32 $0x406, v0  }
0x205: {  	v9 =	vadd.f32 v28, v12;
	v6 =	vadd.f32 v31, v6;
	[tilespmem:v32+s9+$0x0] =	vst.idx.msk $0xffff, v5;
	v5 =	vor.u32 $0x407, v0  }
0x206: {  	v12 =	vadd.f32 v18, v16;
	v4 =	vadd.f32 v11, v4;
	[tilespmem:v33+s9+$0x0] =	vst.idx.msk $0xffff, v10;
	v10 =	vor.u32 $0x408, v0  }
0x207: {  	v3 =	vadd.f32 v24, v3;
	v9 =	vadd.f32 v30, v9;
	[tilespmem:v8+s9+$0x0] =	vst.idx.msk $0xffff, v6;
	v6 =	vor.u32 $0x409, v0  }
0x208: {  	v2 =	vadd.f32 v19, v2;
	v8 =	vadd.f32 v29, v12;
	[tilespmem:v13+s9+$0x0] =	vst.idx.msk $0xffff, v4;
	v4 =	vor.u32 $0x40A, v0  }
0x209: {  	v3 =	vadd.f32 v20, v3;
	[tilespmem:v7+s9+$0x0] =	vst.idx.msk $0xffff, v9;
	v7 =	vor.u32 $0x40B, v0  }
0x20a: {  	v2 =	vadd.f32 v15, v2;
	[tilespmem:v5+s9+$0x0] =	vst.idx.msk $0xffff, v8;
	v5 =	vor.u32 $0x40C, v0  }
0x20b: {  	[tilespmem:v10+s9+$0x0] =	vst.idx.msk $0xffff, v3;
	v3 =	vor.u32 $0x40D, v0  }
0x20c: {  	v52 =	vimm.f32 $0.0e+00;
	[tilespmem:v6+s9+$0x0] =	vst.idx.msk $0xffff, v2;
	v2 =	vor.u32 $0x40E, v0  }
0x20d: {  	s25 =	simm.s32 $0x0;
	v53 =	vadd.s32 $0x3E80, v1;
	[tilespmem:v4+s9+$0x0] =	vst.idx.msk $0xffff, v52;
	v4 =	vor.u32 $0x40F, v0  }
0x20e: {  	v6 =	vadd.s32 s25, v53;
	[tilespmem:v7+s9+$0x0] =	vst.idx.msk $0xffff, v52  }
0x20f: {  	[tilespmem:v5+s9+$0x0] =	vst.idx.msk $0xffff, v52  }
0x210: {  	[tilespmem:v3+s9+$0x0] =	vst.idx.msk $0xffff, v52  }
0x211: {  	[tilespmem:v2+s9+$0x0] =	vst.idx.msk $0xffff, v52  }
0x212: {  	[tilespmem:v4+s9+$0x0] =	vst.idx.msk $0xffff, v52  }
0x213: {  	s26 =	simm.s32 $0x1;
	v2 =	vld.idx.msk [tilespmem:v6+s8+$0x0], $0xffff  }
0x214: {  	v3 =	vadd.s32 s26, v53;
	_ =	sdelay $0x3  }
0x215: {  	v2 =	vmul.u32 $0xC80, v2  }
0x216: {  	s28 =	simm.s32 $0x0;
	s31 =	simm.s32 $0x2;
	v3 =	vld.idx.msk [tilespmem:v3+s8+$0x0], $0xffff  }
0x217: {  	s29 =	simm.s32 $0x3;
	v13 =	vadd.s32 s31, v53;
	v4 =	vmov s28;
	v2 =	vadd.s32 s28, v2  }
0x218: {  	v5 =	vadd.s32 s29, v53;
	v4 =	vand.u32 $0x60, v4;
	v2 =	vand.u32 $0xFFFFFF80, v2  }
0x219: {  	v2 =	vor.u32 v4, v2  }
0x21a: {  	v4 =	vor.u32 $0x9, v2  }
0x21b: {  	v3 =	vmul.u32 $0xC80, v3;
	v6 =	vor.u32 $0x3, v2  }
0x21c: {  	s30 =	simm.s32 $0x10;
	v22 =	vld.idx.msk [tilespmem:v13+s8+$0x0], $0xffff;
	v7 =	vor.u32 $0x4, v2  }
0x21d: {  	v8 =	vmov s30;
	v10 =	vld.idx.msk [tilespmem:v5+s8+$0x0], $0xffff;
	v3 =	vadd.s32 s30, v3;
	v5 =	vor.u32 $0x8, v2  }
0x21e: {  	v8 =	vand.u32 $0x70, v8;
	v9 =	vor.u32 $0x6, v2;
	v3 =	vand.u32 $0xFFFFFF80, v3;
	v12 =	vld.idx.msk [tilespmem:v2+s2+$0x0], $0xffff  }
0x21f: {  	v56 =	vor.u32 v8, v3;
	v3 =	vor.u32 $0x1, v2;
	v14 =	vld.idx.msk [tilespmem:v4+s2+$0x0], $0xffff  }
0x220: {  	v16 =	vor.u32 $0x8, v56;
	v15 =	vld.idx.msk [tilespmem:v6+s2+$0x0], $0xffff  }
0x221: {  	v18 =	vor.u32 $0x7, v56;
	v6 =	vld.idx.msk [tilespmem:v7+s2+$0x0], $0xffff  }
0x222: {  	v21 =	vor.u32 $0x4, v56;
	v7 =	vld.idx.msk [tilespmem:v5+s2+$0x0], $0xffff  }
0x223: {  	s12 =	simm.s32 $0x20;
	v60 =	vimm.f32 $0.0e+00;
	v59 =	vimm.f32 $0.0e+00;
	v19 =	vor.u32 $0x6, v56;
	v20 =	vld.idx.msk [tilespmem:v9+s2+$0x0], $0xffff  }
0x224: {  	v58 =	vimm.f32 $0.0e+00;
	v13 =	vmov s12;
	v23 =	vor.u32 $0x2, v56;
	v3 =	vld.idx.msk [tilespmem:v3+s2+$0x0], $0xffff  }
0x225: {  	v62 =	vor.u32 $0x2, v2;
	v11 =	vor.u32 $0x1, v56;
	v35 =	vor.u32 $0x3, v56;
	v9 =	vld.idx.msk [tilespmem:v16+s2+$0x0], $0xffff  }
0x226: {  	v8 =	vor.u32 $0x5, v56;
	v5 =	vor.u32 $0x9, v56;
	v4 =	vor.u32 $0x5, v2;
	v55 =	vld.idx.msk [tilespmem:v18+s2+$0x0], $0xffff  }
0x227: {  	s11 =	simm.s32 $0x30;
	v16 =	vor.u32 $0x7, v2;
	v18 =	vand.u32 $0x60, v13;
	v13 =	vld.idx.msk [tilespmem:v21+s2+$0x0], $0xffff;
	v54 =	vadd.f32 v12, v52  }
0x228: {  	v12 =	vld.idx.msk [tilespmem:v19+s2+$0x0], $0xffff;
	v19 =	vmul.u32 $0xC80, v10;
	v61 =	vadd.f32 v15, v52;
	v15 =	vmov s11  }
0x229: {  	v57 =	vld.idx.msk [tilespmem:v23+s2+$0x0], $0xffff;
	v2 =	vadd.f32 v14, v52;
	v14 =	vadd.f32 v20, v52;
	v20 =	vmul.u32 $0xC80, v22  }
0x22a: {  	s15 =	simm.s32 $0x4;
	s13 =	simm.s32 $0x50;
	v10 =	vld.idx.msk [tilespmem:v35+s2+$0x0], $0xffff;
	v15 =	vand.u32 $0x70, v15;
	v63 =	vadd.f32 v3, v52;
	v3 =	vimm.f32 $0.0e+00  }
.LBB2_12:
0x22b: {  	s16 =	sadd.s32 $0xFFFFFFF0, s13  }
0x22c: {  	s17 =	sadd.s32 $0x1, s15;
	v6 =	vadd.f32 v6, v52;
	v3 =	vadd.f32 v7, v3;
	v21 =	vld.idx.msk [tilespmem:v11+s2+$0x0], $0xffff;
	s18 =	smov.u32 s15;
	s14 =	sadd.s32 $0x2, s15  }
0x22d: {  	p0 =	slt.u32 s15, $0xC6;
	v22 =	vadd.s32 s18, v53;
	v7 =	vadd.s32 s17, v53;
	v11 =	vadd.s32 s12, v20;
	v20 =	vld.idx.msk [tilespmem:v8+s2+$0x0], $0xffff;
	s12 =	smov.u32 s16  }
0x22e: {  	v14 =	vadd.f32 v12, v14;
	v8 =	vand.u32 $0xFFFFFF80, v11;
	v11 =	vadd.s32 s11, v19;
	v16 =	vld.idx.msk [tilespmem:v16+s2+$0x0], $0xffff;
	s11 =	smov.u32 s13  }
0x22f: {  	v52 =	vadd.f32 v13, v6;
	v3 =	vadd.f32 v9, v3;
	v18 =	vor.u32 v18, v8;
	v6 =	vld.idx.msk [tilespmem:v5+s2+$0x0], $0xffff  }
0x230: {  	v5 =	vand.u32 $0xFFFFFF80, v11;
	v9 =	vor.u32 $0x3, v18;
	v12 =	vor.u32 $0x9, v18;
	v13 =	vld.idx.msk [tilespmem:v62+s2+$0x0], $0xffff  }
0x231: {  	v19 =	vor.u32 $0x4, v18;
	v23 =	vor.u32 $0x6, v18;
	v15 =	vor.u32 v15, v5;
	v24 =	vld.idx.msk [tilespmem:v4+s2+$0x0], $0xffff  }
0x232: {  	v62 =	vor.u32 $0x2, v18;
	v11 =	vor.u32 $0x1, v15;
	v8 =	vor.u32 $0x5, v15;
	v25 =	vld.idx.msk [tilespmem:v7+s8+$0x0], $0xffff  }
0x233: {  	v26 =	vor.u32 $0x2, v15;
	v5 =	vor.u32 $0x9, v15;
	v7 =	vor.u32 $0x8, v18;
	v27 =	vld.idx.msk [tilespmem:v56+s2+$0x0], $0xffff;
	v56 =	vmovc v15  }
0x234: {  	v28 =	vor.u32 $0x1, v18;
	v15 =	vld.idx.msk [tilespmem:v18+s2+$0x0], $0xffff;
	v29 =	vor.u32 $0x3, v56;
	v30 =	vor.u32 $0x8, v56  }
0x235: {  	v4 =	vor.u32 $0x5, v18;
	v32 =	vor.u32 $0x4, v56;
	v31 =	vld.idx.msk [tilespmem:v12+s2+$0x0], $0xffff;
	v12 =	vor.u32 $0x7, v56  }
0x236: {  	v33 =	vmov s12;
	v10 =	vadd.f32 v10, v61;
	v2 =	vadd.f32 v6, v2;
	v35 =	vld.idx.msk [tilespmem:v9+s2+$0x0], $0xffff  }
0x237: {  	v9 =	vadd.f32 v13, v60;
	v13 =	vadd.f32 v16, v59;
	v6 =	vld.idx.msk [tilespmem:v19+s2+$0x0], $0xffff;
	v19 =	vor.u32 $0x6, v56  }
0x238: {  	v21 =	vadd.f32 v21, v63;
	v16 =	vadd.f32 v24, v58;
	v7 =	vld.idx.msk [tilespmem:v7+s2+$0x0], $0xffff  }
0x239: {  	v27 =	vadd.f32 v27, v54;
	v59 =	vadd.f32 v55, v13;
	v24 =	vld.idx.msk [tilespmem:v28+s2+$0x0], $0xffff  }
0x23a: {  	v60 =	vadd.f32 v57, v9;
	v58 =	vadd.f32 v20, v16;
	v23 =	vld.idx.msk [tilespmem:v23+s2+$0x0], $0xffff  }
0x23b: {  	v54 =	vadd.f32 v15, v27;
	v20 =	vld.idx.msk [tilespmem:v22+s8+$0x0], $0xffff  }
0x23c: {  	v9 =	vld.idx.msk [tilespmem:v30+s2+$0x0], $0xffff  }
.Ltmp5:
0x23d: {  	v55 =	vld.idx.msk [tilespmem:v12+s2+$0x0], $0xffff;
	(pc) =	sbr.rel @p0 .LBB2_12-.Ltmp5, $4  }
0x23e: {  	v61 =	vadd.f32 v35, v10;
	v12 =	vld.idx.msk [tilespmem:v19+s2+$0x0], $0xffff  }
0x23f: {  	v16 =	vor.u32 $0x7, v18;
	v2 =	vadd.f32 v31, v2;
	v10 =	vmov s13;
	v13 =	vld.idx.msk [tilespmem:v32+s2+$0x0], $0xffff  }
0x240: {  	v18 =	vand.u32 $0x60, v33;
	v15 =	vand.u32 $0x70, v10;
	v14 =	vadd.f32 v23, v14;
	v57 =	vld.idx.msk [tilespmem:v26+s2+$0x0], $0xffff  }
0x241: {  	s15 =	smov.u32 s14;
	s13 =	sadd.s32 $0x20, s13;
	v19 =	vmul.u32 $0xC80, v25;
	v63 =	vadd.f32 v24, v21;
	v20 =	vmul.u32 $0xC80, v20;
	v10 =	vld.idx.msk [tilespmem:v29+s2+$0x0], $0xffff  }
0x242: {  	_ =	sdelay $0x3  }
0x243: {  	v11 =	vld.idx.msk [tilespmem:v11+s2+$0x0], $0xffff;
	v20 =	vadd.s32 s12, v20  }
0x244: {  	v8 =	vld.idx.msk [tilespmem:v8+s2+$0x0], $0xffff;
	v19 =	vadd.s32 s11, v19;
	v20 =	vand.u32 $0xFFFFFF80, v20  }
0x245: {  	v16 =	vld.idx.msk [tilespmem:v16+s2+$0x0], $0xffff;
	v19 =	vand.u32 $0xFFFFFF80, v19;
	v18 =	vor.u32 v18, v20  }
0x246: {  	v5 =	vld.idx.msk [tilespmem:v5+s2+$0x0], $0xffff;
	v15 =	vor.u32 v15, v19  }
0x247: {  	v22 =	vld.idx.msk [tilespmem:v62+s2+$0x0], $0xffff;
	v20 =	vor.u32 $0x9, v18  }
0x248: {  	v4 =	vld.idx.msk [tilespmem:v4+s2+$0x0], $0xffff;
	v21 =	vor.u32 $0x3, v18  }
0x249: {  	v25 =	vld.idx.msk [tilespmem:v56+s2+$0x0], $0xffff;
	v23 =	vor.u32 $0x4, v18  }
0x24a: {  	v24 =	vor.u32 $0x8, v18;
	v26 =	vld.idx.msk [tilespmem:v18+s2+$0x0], $0xffff  }
0x24b: {  	v27 =	vor.u32 $0x1, v18;
	v62 =	vld.idx.msk [tilespmem:v15+s2+$0x0], $0xffff  }
0x24c: {  	v28 =	vor.u32 $0x6, v18;
	v19 =	vld.idx.msk [tilespmem:v20+s2+$0x0], $0xffff  }
0x24d: {  	v29 =	vor.u32 $0x7, v15;
	v21 =	vld.idx.msk [tilespmem:v21+s2+$0x0], $0xffff  }
0x24e: {  	v30 =	vor.u32 $0x6, v15;
	v23 =	vld.idx.msk [tilespmem:v23+s2+$0x0], $0xffff  }
0x24f: {  	v31 =	vor.u32 $0x4, v15;
	v24 =	vld.idx.msk [tilespmem:v24+s2+$0x0], $0xffff  }
0x250: {  	v32 =	vor.u32 $0x2, v15;
	v27 =	vld.idx.msk [tilespmem:v27+s2+$0x0], $0xffff  }
0x251: {  	v33 =	vor.u32 $0x2, v18;
	v28 =	vld.idx.msk [tilespmem:v28+s2+$0x0], $0xffff  }
0x252: {  	v3 =	vadd.f32 v7, v3;
	v7 =	vor.u32 $0x1, v15;
	v29 =	vld.idx.msk [tilespmem:v29+s2+$0x0], $0xffff  }
0x253: {  	v6 =	vadd.f32 v6, v52;
	v12 =	vadd.f32 v12, v14;
	v14 =	vor.u32 $0x3, v15;
	v30 =	vld.idx.msk [tilespmem:v30+s2+$0x0], $0xffff  }
0x254: {  	v3 =	vadd.f32 v9, v3;
	v9 =	vor.u32 $0x5, v18;
	v31 =	vld.idx.msk [tilespmem:v31+s2+$0x0], $0xffff  }
0x255: {  	v6 =	vadd.f32 v13, v6;
	v18 =	vor.u32 $0x7, v18;
	v13 =	vld.idx.msk [tilespmem:v32+s2+$0x0], $0xffff  }
0x256: {  	v10 =	vadd.f32 v10, v61;
	v2 =	vadd.f32 v5, v2;
	v20 =	vor.u32 $0x8, v15;
	v5 =	vld.idx.msk [tilespmem:v33+s2+$0x0], $0xffff  }
0x257: {  	v56 =	vor.u32 $0x5, v15;
	v22 =	vadd.f32 v22, v60;
	v16 =	vadd.f32 v16, v59;
	v7 =	vld.idx.msk [tilespmem:v7+s2+$0x0], $0xffff  }
0x258: {  	v4 =	vadd.f32 v4, v58;
	v25 =	vadd.f32 v25, v54;
	v15 =	vor.u32 $0x9, v15;
	v14 =	vld.idx.msk [tilespmem:v14+s2+$0x0], $0xffff  }
0x259: {  	v35 =	vor.u32 $0x500, v0;
	v11 =	vadd.f32 v11, v63;
	v16 =	vadd.f32 v55, v16;
	v9 =	vld.idx.msk [tilespmem:v9+s2+$0x0], $0xffff  }
0x25a: {  	v63 =	vor.u32 $0x501, v0;
	v22 =	vadd.f32 v57, v22;
	v25 =	vadd.f32 v26, v25;
	v18 =	vld.idx.msk [tilespmem:v18+s2+$0x0], $0xffff  }
0x25b: {  	v4 =	vadd.f32 v8, v4;
	v32 =	vor.u32 $0x502, v0;
	v20 =	vld.idx.msk [tilespmem:v20+s2+$0x0], $0xffff;
	v8 =	vadd.f32 v27, v11  }
0x25c: {  	v33 =	vor.u32 $0x503, v0;
	v11 =	vld.idx.msk [tilespmem:v56+s2+$0x0], $0xffff;
	v5 =	vadd.f32 v5, v22;
	v22 =	vadd.f32 v62, v25  }
0x25d: {  	v10 =	vadd.f32 v21, v10;
	v15 =	vld.idx.msk [tilespmem:v15+s2+$0x0], $0xffff;
	v7 =	vadd.f32 v7, v8;
	v8 =	vor.u32 $0x504, v0  }
0x25e: {  	v6 =	vadd.f32 v23, v6;
	v5 =	vadd.f32 v13, v5;
	v13 =	vor.u32 $0x505, v0;
	[tilespmem:v35+s9+$0x0] =	vst.idx.msk $0xffff, v22  }
0x25f: {  	v4 =	vadd.f32 v9, v4;
	v10 =	vadd.f32 v14, v10;
	[tilespmem:v63+s9+$0x0] =	vst.idx.msk $0xffff, v7;
	v7 =	vor.u32 $0x506, v0  }
0x260: {  	v9 =	vadd.f32 v28, v12;
	v6 =	vadd.f32 v31, v6;
	[tilespmem:v32+s9+$0x0] =	vst.idx.msk $0xffff, v5;
	v5 =	vor.u32 $0x507, v0  }
0x261: {  	v12 =	vadd.f32 v18, v16;
	v4 =	vadd.f32 v11, v4;
	[tilespmem:v33+s9+$0x0] =	vst.idx.msk $0xffff, v10;
	v10 =	vor.u32 $0x508, v0  }
0x262: {  	v3 =	vadd.f32 v24, v3;
	v9 =	vadd.f32 v30, v9;
	[tilespmem:v8+s9+$0x0] =	vst.idx.msk $0xffff, v6;
	v6 =	vor.u32 $0x509, v0  }
0x263: {  	v2 =	vadd.f32 v19, v2;
	v8 =	vadd.f32 v29, v12;
	[tilespmem:v13+s9+$0x0] =	vst.idx.msk $0xffff, v4;
	v4 =	vor.u32 $0x50A, v0  }
0x264: {  	v3 =	vadd.f32 v20, v3;
	[tilespmem:v7+s9+$0x0] =	vst.idx.msk $0xffff, v9;
	v7 =	vor.u32 $0x50B, v0  }
0x265: {  	v2 =	vadd.f32 v15, v2;
	[tilespmem:v5+s9+$0x0] =	vst.idx.msk $0xffff, v8;
	v5 =	vor.u32 $0x50C, v0  }
0x266: {  	[tilespmem:v10+s9+$0x0] =	vst.idx.msk $0xffff, v3;
	v3 =	vor.u32 $0x50D, v0  }
0x267: {  	v52 =	vimm.f32 $0.0e+00;
	[tilespmem:v6+s9+$0x0] =	vst.idx.msk $0xffff, v2;
	v2 =	vor.u32 $0x50E, v0  }
0x268: {  	s25 =	simm.s32 $0x0;
	v53 =	vadd.s32 $0x4B00, v1;
	[tilespmem:v4+s9+$0x0] =	vst.idx.msk $0xffff, v52;
	v4 =	vor.u32 $0x50F, v0  }
0x269: {  	v6 =	vadd.s32 s25, v53;
	[tilespmem:v7+s9+$0x0] =	vst.idx.msk $0xffff, v52  }
0x26a: {  	[tilespmem:v5+s9+$0x0] =	vst.idx.msk $0xffff, v52  }
0x26b: {  	[tilespmem:v3+s9+$0x0] =	vst.idx.msk $0xffff, v52  }
0x26c: {  	[tilespmem:v2+s9+$0x0] =	vst.idx.msk $0xffff, v52  }
0x26d: {  	[tilespmem:v4+s9+$0x0] =	vst.idx.msk $0xffff, v52  }
0x26e: {  	s26 =	simm.s32 $0x1;
	v2 =	vld.idx.msk [tilespmem:v6+s8+$0x0], $0xffff  }
0x26f: {  	v3 =	vadd.s32 s26, v53;
	_ =	sdelay $0x3  }
0x270: {  	v2 =	vmul.u32 $0xC80, v2  }
0x271: {  	s28 =	simm.s32 $0x0;
	s31 =	simm.s32 $0x2;
	v3 =	vld.idx.msk [tilespmem:v3+s8+$0x0], $0xffff  }
0x272: {  	s29 =	simm.s32 $0x3;
	v13 =	vadd.s32 s31, v53;
	v4 =	vmov s28;
	v2 =	vadd.s32 s28, v2  }
0x273: {  	v5 =	vadd.s32 s29, v53;
	v4 =	vand.u32 $0x60, v4;
	v2 =	vand.u32 $0xFFFFFF80, v2  }
0x274: {  	v2 =	vor.u32 v4, v2  }
0x275: {  	v4 =	vor.u32 $0x9, v2  }
0x276: {  	v3 =	vmul.u32 $0xC80, v3;
	v6 =	vor.u32 $0x3, v2  }
0x277: {  	s30 =	simm.s32 $0x10;
	v22 =	vld.idx.msk [tilespmem:v13+s8+$0x0], $0xffff;
	v7 =	vor.u32 $0x4, v2  }
0x278: {  	v8 =	vmov s30;
	v10 =	vld.idx.msk [tilespmem:v5+s8+$0x0], $0xffff;
	v3 =	vadd.s32 s30, v3;
	v5 =	vor.u32 $0x8, v2  }
0x279: {  	v8 =	vand.u32 $0x70, v8;
	v9 =	vor.u32 $0x6, v2;
	v3 =	vand.u32 $0xFFFFFF80, v3;
	v12 =	vld.idx.msk [tilespmem:v2+s2+$0x0], $0xffff  }
0x27a: {  	v56 =	vor.u32 v8, v3;
	v3 =	vor.u32 $0x1, v2;
	v14 =	vld.idx.msk [tilespmem:v4+s2+$0x0], $0xffff  }
0x27b: {  	v16 =	vor.u32 $0x8, v56;
	v15 =	vld.idx.msk [tilespmem:v6+s2+$0x0], $0xffff  }
0x27c: {  	v18 =	vor.u32 $0x7, v56;
	v6 =	vld.idx.msk [tilespmem:v7+s2+$0x0], $0xffff  }
0x27d: {  	v21 =	vor.u32 $0x4, v56;
	v7 =	vld.idx.msk [tilespmem:v5+s2+$0x0], $0xffff  }
0x27e: {  	s12 =	simm.s32 $0x20;
	v60 =	vimm.f32 $0.0e+00;
	v59 =	vimm.f32 $0.0e+00;
	v19 =	vor.u32 $0x6, v56;
	v20 =	vld.idx.msk [tilespmem:v9+s2+$0x0], $0xffff  }
0x27f: {  	v58 =	vimm.f32 $0.0e+00;
	v13 =	vmov s12;
	v23 =	vor.u32 $0x2, v56;
	v3 =	vld.idx.msk [tilespmem:v3+s2+$0x0], $0xffff  }
0x280: {  	v62 =	vor.u32 $0x2, v2;
	v11 =	vor.u32 $0x1, v56;
	v35 =	vor.u32 $0x3, v56;
	v9 =	vld.idx.msk [tilespmem:v16+s2+$0x0], $0xffff  }
0x281: {  	v8 =	vor.u32 $0x5, v56;
	v5 =	vor.u32 $0x9, v56;
	v4 =	vor.u32 $0x5, v2;
	v55 =	vld.idx.msk [tilespmem:v18+s2+$0x0], $0xffff  }
0x282: {  	s11 =	simm.s32 $0x30;
	v16 =	vor.u32 $0x7, v2;
	v18 =	vand.u32 $0x60, v13;
	v13 =	vld.idx.msk [tilespmem:v21+s2+$0x0], $0xffff;
	v54 =	vadd.f32 v12, v52  }
0x283: {  	v12 =	vld.idx.msk [tilespmem:v19+s2+$0x0], $0xffff;
	v19 =	vmul.u32 $0xC80, v10;
	v61 =	vadd.f32 v15, v52;
	v15 =	vmov s11  }
0x284: {  	v57 =	vld.idx.msk [tilespmem:v23+s2+$0x0], $0xffff;
	v2 =	vadd.f32 v14, v52;
	v14 =	vadd.f32 v20, v52;
	v20 =	vmul.u32 $0xC80, v22  }
0x285: {  	s15 =	simm.s32 $0x4;
	s13 =	simm.s32 $0x50;
	v10 =	vld.idx.msk [tilespmem:v35+s2+$0x0], $0xffff;
	v15 =	vand.u32 $0x70, v15;
	v63 =	vadd.f32 v3, v52;
	v3 =	vimm.f32 $0.0e+00  }
.LBB2_14:
0x286: {  	s16 =	sadd.s32 $0xFFFFFFF0, s13  }
0x287: {  	s17 =	sadd.s32 $0x1, s15;
	v6 =	vadd.f32 v6, v52;
	v3 =	vadd.f32 v7, v3;
	v21 =	vld.idx.msk [tilespmem:v11+s2+$0x0], $0xffff;
	s18 =	smov.u32 s15;
	s14 =	sadd.s32 $0x2, s15  }
0x288: {  	p0 =	slt.u32 s15, $0xC6;
	v22 =	vadd.s32 s18, v53;
	v7 =	vadd.s32 s17, v53;
	v11 =	vadd.s32 s12, v20;
	v20 =	vld.idx.msk [tilespmem:v8+s2+$0x0], $0xffff;
	s12 =	smov.u32 s16  }
0x289: {  	v14 =	vadd.f32 v12, v14;
	v8 =	vand.u32 $0xFFFFFF80, v11;
	v11 =	vadd.s32 s11, v19;
	v16 =	vld.idx.msk [tilespmem:v16+s2+$0x0], $0xffff;
	s11 =	smov.u32 s13  }
0x28a: {  	v52 =	vadd.f32 v13, v6;
	v3 =	vadd.f32 v9, v3;
	v18 =	vor.u32 v18, v8;
	v6 =	vld.idx.msk [tilespmem:v5+s2+$0x0], $0xffff  }
0x28b: {  	v5 =	vand.u32 $0xFFFFFF80, v11;
	v9 =	vor.u32 $0x3, v18;
	v12 =	vor.u32 $0x9, v18;
	v13 =	vld.idx.msk [tilespmem:v62+s2+$0x0], $0xffff  }
0x28c: {  	v19 =	vor.u32 $0x4, v18;
	v23 =	vor.u32 $0x6, v18;
	v15 =	vor.u32 v15, v5;
	v24 =	vld.idx.msk [tilespmem:v4+s2+$0x0], $0xffff  }
0x28d: {  	v62 =	vor.u32 $0x2, v18;
	v11 =	vor.u32 $0x1, v15;
	v8 =	vor.u32 $0x5, v15;
	v25 =	vld.idx.msk [tilespmem:v7+s8+$0x0], $0xffff  }
0x28e: {  	v26 =	vor.u32 $0x2, v15;
	v5 =	vor.u32 $0x9, v15;
	v7 =	vor.u32 $0x8, v18;
	v27 =	vld.idx.msk [tilespmem:v56+s2+$0x0], $0xffff;
	v56 =	vmovc v15  }
0x28f: {  	v28 =	vor.u32 $0x1, v18;
	v15 =	vld.idx.msk [tilespmem:v18+s2+$0x0], $0xffff;
	v29 =	vor.u32 $0x3, v56;
	v30 =	vor.u32 $0x8, v56  }
0x290: {  	v4 =	vor.u32 $0x5, v18;
	v32 =	vor.u32 $0x4, v56;
	v31 =	vld.idx.msk [tilespmem:v12+s2+$0x0], $0xffff;
	v12 =	vor.u32 $0x7, v56  }
0x291: {  	v33 =	vmov s12;
	v10 =	vadd.f32 v10, v61;
	v2 =	vadd.f32 v6, v2;
	v35 =	vld.idx.msk [tilespmem:v9+s2+$0x0], $0xffff  }
0x292: {  	v9 =	vadd.f32 v13, v60;
	v13 =	vadd.f32 v16, v59;
	v6 =	vld.idx.msk [tilespmem:v19+s2+$0x0], $0xffff;
	v19 =	vor.u32 $0x6, v56  }
0x293: {  	v21 =	vadd.f32 v21, v63;
	v16 =	vadd.f32 v24, v58;
	v7 =	vld.idx.msk [tilespmem:v7+s2+$0x0], $0xffff  }
0x294: {  	v27 =	vadd.f32 v27, v54;
	v59 =	vadd.f32 v55, v13;
	v24 =	vld.idx.msk [tilespmem:v28+s2+$0x0], $0xffff  }
0x295: {  	v60 =	vadd.f32 v57, v9;
	v58 =	vadd.f32 v20, v16;
	v23 =	vld.idx.msk [tilespmem:v23+s2+$0x0], $0xffff  }
0x296: {  	v54 =	vadd.f32 v15, v27;
	v20 =	vld.idx.msk [tilespmem:v22+s8+$0x0], $0xffff  }
0x297: {  	v9 =	vld.idx.msk [tilespmem:v30+s2+$0x0], $0xffff  }
.Ltmp6:
0x298: {  	v55 =	vld.idx.msk [tilespmem:v12+s2+$0x0], $0xffff;
	(pc) =	sbr.rel @p0 .LBB2_14-.Ltmp6, $4  }
0x299: {  	v61 =	vadd.f32 v35, v10;
	v12 =	vld.idx.msk [tilespmem:v19+s2+$0x0], $0xffff  }
0x29a: {  	v16 =	vor.u32 $0x7, v18;
	v2 =	vadd.f32 v31, v2;
	v10 =	vmov s13;
	v13 =	vld.idx.msk [tilespmem:v32+s2+$0x0], $0xffff  }
0x29b: {  	v18 =	vand.u32 $0x60, v33;
	v15 =	vand.u32 $0x70, v10;
	v14 =	vadd.f32 v23, v14;
	v57 =	vld.idx.msk [tilespmem:v26+s2+$0x0], $0xffff  }
0x29c: {  	s15 =	smov.u32 s14;
	s13 =	sadd.s32 $0x20, s13;
	v19 =	vmul.u32 $0xC80, v25;
	v63 =	vadd.f32 v24, v21;
	v20 =	vmul.u32 $0xC80, v20;
	v10 =	vld.idx.msk [tilespmem:v29+s2+$0x0], $0xffff  }
0x29d: {  	_ =	sdelay $0x3  }
0x29e: {  	v11 =	vld.idx.msk [tilespmem:v11+s2+$0x0], $0xffff;
	v20 =	vadd.s32 s12, v20  }
0x29f: {  	v8 =	vld.idx.msk [tilespmem:v8+s2+$0x0], $0xffff;
	v19 =	vadd.s32 s11, v19;
	v20 =	vand.u32 $0xFFFFFF80, v20  }
0x2a0: {  	v16 =	vld.idx.msk [tilespmem:v16+s2+$0x0], $0xffff;
	v19 =	vand.u32 $0xFFFFFF80, v19;
	v18 =	vor.u32 v18, v20  }
0x2a1: {  	v5 =	vld.idx.msk [tilespmem:v5+s2+$0x0], $0xffff;
	v15 =	vor.u32 v15, v19  }
0x2a2: {  	v22 =	vld.idx.msk [tilespmem:v62+s2+$0x0], $0xffff;
	v20 =	vor.u32 $0x9, v18  }
0x2a3: {  	v4 =	vld.idx.msk [tilespmem:v4+s2+$0x0], $0xffff;
	v21 =	vor.u32 $0x3, v18  }
0x2a4: {  	v25 =	vld.idx.msk [tilespmem:v56+s2+$0x0], $0xffff;
	v23 =	vor.u32 $0x4, v18  }
0x2a5: {  	v24 =	vor.u32 $0x8, v18;
	v26 =	vld.idx.msk [tilespmem:v18+s2+$0x0], $0xffff  }
0x2a6: {  	v27 =	vor.u32 $0x1, v18;
	v62 =	vld.idx.msk [tilespmem:v15+s2+$0x0], $0xffff  }
0x2a7: {  	v28 =	vor.u32 $0x6, v18;
	v19 =	vld.idx.msk [tilespmem:v20+s2+$0x0], $0xffff  }
0x2a8: {  	v29 =	vor.u32 $0x7, v15;
	v21 =	vld.idx.msk [tilespmem:v21+s2+$0x0], $0xffff  }
0x2a9: {  	v30 =	vor.u32 $0x6, v15;
	v23 =	vld.idx.msk [tilespmem:v23+s2+$0x0], $0xffff  }
0x2aa: {  	v31 =	vor.u32 $0x4, v15;
	v24 =	vld.idx.msk [tilespmem:v24+s2+$0x0], $0xffff  }
0x2ab: {  	v32 =	vor.u32 $0x2, v15;
	v27 =	vld.idx.msk [tilespmem:v27+s2+$0x0], $0xffff  }
0x2ac: {  	v33 =	vor.u32 $0x2, v18;
	v28 =	vld.idx.msk [tilespmem:v28+s2+$0x0], $0xffff  }
0x2ad: {  	v3 =	vadd.f32 v7, v3;
	v7 =	vor.u32 $0x1, v15;
	v29 =	vld.idx.msk [tilespmem:v29+s2+$0x0], $0xffff  }
0x2ae: {  	v6 =	vadd.f32 v6, v52;
	v12 =	vadd.f32 v12, v14;
	v14 =	vor.u32 $0x3, v15;
	v30 =	vld.idx.msk [tilespmem:v30+s2+$0x0], $0xffff  }
0x2af: {  	v3 =	vadd.f32 v9, v3;
	v9 =	vor.u32 $0x5, v18;
	v31 =	vld.idx.msk [tilespmem:v31+s2+$0x0], $0xffff  }
0x2b0: {  	v6 =	vadd.f32 v13, v6;
	v18 =	vor.u32 $0x7, v18;
	v13 =	vld.idx.msk [tilespmem:v32+s2+$0x0], $0xffff  }
0x2b1: {  	v10 =	vadd.f32 v10, v61;
	v2 =	vadd.f32 v5, v2;
	v20 =	vor.u32 $0x8, v15;
	v5 =	vld.idx.msk [tilespmem:v33+s2+$0x0], $0xffff  }
0x2b2: {  	v56 =	vor.u32 $0x5, v15;
	v22 =	vadd.f32 v22, v60;
	v16 =	vadd.f32 v16, v59;
	v7 =	vld.idx.msk [tilespmem:v7+s2+$0x0], $0xffff  }
0x2b3: {  	v4 =	vadd.f32 v4, v58;
	v25 =	vadd.f32 v25, v54;
	v15 =	vor.u32 $0x9, v15;
	v14 =	vld.idx.msk [tilespmem:v14+s2+$0x0], $0xffff  }
0x2b4: {  	v35 =	vor.u32 $0x600, v0;
	v11 =	vadd.f32 v11, v63;
	v16 =	vadd.f32 v55, v16;
	v9 =	vld.idx.msk [tilespmem:v9+s2+$0x0], $0xffff  }
0x2b5: {  	v63 =	vor.u32 $0x601, v0;
	v22 =	vadd.f32 v57, v22;
	v25 =	vadd.f32 v26, v25;
	v18 =	vld.idx.msk [tilespmem:v18+s2+$0x0], $0xffff  }
0x2b6: {  	v4 =	vadd.f32 v8, v4;
	v32 =	vor.u32 $0x602, v0;
	v20 =	vld.idx.msk [tilespmem:v20+s2+$0x0], $0xffff;
	v8 =	vadd.f32 v27, v11  }
0x2b7: {  	v33 =	vor.u32 $0x603, v0;
	v11 =	vld.idx.msk [tilespmem:v56+s2+$0x0], $0xffff;
	v5 =	vadd.f32 v5, v22;
	v22 =	vadd.f32 v62, v25  }
0x2b8: {  	v10 =	vadd.f32 v21, v10;
	v15 =	vld.idx.msk [tilespmem:v15+s2+$0x0], $0xffff;
	v7 =	vadd.f32 v7, v8;
	v8 =	vor.u32 $0x604, v0  }
0x2b9: {  	v6 =	vadd.f32 v23, v6;
	v5 =	vadd.f32 v13, v5;
	v13 =	vor.u32 $0x605, v0;
	[tilespmem:v35+s9+$0x0] =	vst.idx.msk $0xffff, v22  }
0x2ba: {  	v4 =	vadd.f32 v9, v4;
	v10 =	vadd.f32 v14, v10;
	[tilespmem:v63+s9+$0x0] =	vst.idx.msk $0xffff, v7;
	v7 =	vor.u32 $0x606, v0  }
0x2bb: {  	v9 =	vadd.f32 v28, v12;
	v6 =	vadd.f32 v31, v6;
	[tilespmem:v32+s9+$0x0] =	vst.idx.msk $0xffff, v5;
	v5 =	vor.u32 $0x607, v0  }
0x2bc: {  	v12 =	vadd.f32 v18, v16;
	v4 =	vadd.f32 v11, v4;
	[tilespmem:v33+s9+$0x0] =	vst.idx.msk $0xffff, v10;
	v10 =	vor.u32 $0x608, v0  }
0x2bd: {  	v3 =	vadd.f32 v24, v3;
	v9 =	vadd.f32 v30, v9;
	[tilespmem:v8+s9+$0x0] =	vst.idx.msk $0xffff, v6;
	v6 =	vor.u32 $0x609, v0  }
0x2be: {  	v2 =	vadd.f32 v19, v2;
	v8 =	vadd.f32 v29, v12;
	[tilespmem:v13+s9+$0x0] =	vst.idx.msk $0xffff, v4;
	v4 =	vor.u32 $0x60A, v0  }
0x2bf: {  	v3 =	vadd.f32 v20, v3;
	[tilespmem:v7+s9+$0x0] =	vst.idx.msk $0xffff, v9;
	v7 =	vor.u32 $0x60B, v0  }
0x2c0: {  	v2 =	vadd.f32 v15, v2;
	[tilespmem:v5+s9+$0x0] =	vst.idx.msk $0xffff, v8;
	v5 =	vor.u32 $0x60C, v0  }
0x2c1: {  	[tilespmem:v10+s9+$0x0] =	vst.idx.msk $0xffff, v3;
	v3 =	vor.u32 $0x60D, v0  }
0x2c2: {  	v52 =	vimm.f32 $0.0e+00;
	[tilespmem:v6+s9+$0x0] =	vst.idx.msk $0xffff, v2;
	v2 =	vor.u32 $0x60E, v0  }
0x2c3: {  	s25 =	simm.s32 $0x0;
	v53 =	vadd.s32 $0x5780, v1;
	[tilespmem:v4+s9+$0x0] =	vst.idx.msk $0xffff, v52;
	v4 =	vor.u32 $0x60F, v0  }
0x2c4: {  	v6 =	vadd.s32 s25, v53;
	[tilespmem:v7+s9+$0x0] =	vst.idx.msk $0xffff, v52  }
0x2c5: {  	[tilespmem:v5+s9+$0x0] =	vst.idx.msk $0xffff, v52  }
0x2c6: {  	[tilespmem:v3+s9+$0x0] =	vst.idx.msk $0xffff, v52  }
0x2c7: {  	[tilespmem:v2+s9+$0x0] =	vst.idx.msk $0xffff, v52  }
0x2c8: {  	[tilespmem:v4+s9+$0x0] =	vst.idx.msk $0xffff, v52  }
0x2c9: {  	s26 =	simm.s32 $0x1;
	v2 =	vld.idx.msk [tilespmem:v6+s8+$0x0], $0xffff  }
0x2ca: {  	v3 =	vadd.s32 s26, v53;
	_ =	sdelay $0x3  }
0x2cb: {  	v2 =	vmul.u32 $0xC80, v2  }
0x2cc: {  	s28 =	simm.s32 $0x0;
	s31 =	simm.s32 $0x2;
	v3 =	vld.idx.msk [tilespmem:v3+s8+$0x0], $0xffff  }
0x2cd: {  	s29 =	simm.s32 $0x3;
	v13 =	vadd.s32 s31, v53;
	v4 =	vmov s28;
	v2 =	vadd.s32 s28, v2  }
0x2ce: {  	v5 =	vadd.s32 s29, v53;
	v4 =	vand.u32 $0x60, v4;
	v2 =	vand.u32 $0xFFFFFF80, v2  }
0x2cf: {  	v2 =	vor.u32 v4, v2  }
0x2d0: {  	v4 =	vor.u32 $0x9, v2  }
0x2d1: {  	v3 =	vmul.u32 $0xC80, v3;
	v6 =	vor.u32 $0x3, v2  }
0x2d2: {  	s30 =	simm.s32 $0x10;
	v22 =	vld.idx.msk [tilespmem:v13+s8+$0x0], $0xffff;
	v7 =	vor.u32 $0x4, v2  }
0x2d3: {  	v8 =	vmov s30;
	v10 =	vld.idx.msk [tilespmem:v5+s8+$0x0], $0xffff;
	v3 =	vadd.s32 s30, v3;
	v5 =	vor.u32 $0x8, v2  }
0x2d4: {  	v8 =	vand.u32 $0x70, v8;
	v9 =	vor.u32 $0x6, v2;
	v3 =	vand.u32 $0xFFFFFF80, v3;
	v12 =	vld.idx.msk [tilespmem:v2+s2+$0x0], $0xffff  }
0x2d5: {  	v56 =	vor.u32 v8, v3;
	v3 =	vor.u32 $0x1, v2;
	v14 =	vld.idx.msk [tilespmem:v4+s2+$0x0], $0xffff  }
0x2d6: {  	v16 =	vor.u32 $0x8, v56;
	v15 =	vld.idx.msk [tilespmem:v6+s2+$0x0], $0xffff  }
0x2d7: {  	v18 =	vor.u32 $0x7, v56;
	v6 =	vld.idx.msk [tilespmem:v7+s2+$0x0], $0xffff  }
0x2d8: {  	v21 =	vor.u32 $0x4, v56;
	v7 =	vld.idx.msk [tilespmem:v5+s2+$0x0], $0xffff  }
0x2d9: {  	s12 =	simm.s32 $0x20;
	v60 =	vimm.f32 $0.0e+00;
	v59 =	vimm.f32 $0.0e+00;
	v19 =	vor.u32 $0x6, v56;
	v20 =	vld.idx.msk [tilespmem:v9+s2+$0x0], $0xffff  }
0x2da: {  	v58 =	vimm.f32 $0.0e+00;
	v13 =	vmov s12;
	v23 =	vor.u32 $0x2, v56;
	v3 =	vld.idx.msk [tilespmem:v3+s2+$0x0], $0xffff  }
0x2db: {  	v62 =	vor.u32 $0x2, v2;
	v11 =	vor.u32 $0x1, v56;
	v35 =	vor.u32 $0x3, v56;
	v9 =	vld.idx.msk [tilespmem:v16+s2+$0x0], $0xffff  }
0x2dc: {  	v8 =	vor.u32 $0x5, v56;
	v5 =	vor.u32 $0x9, v56;
	v4 =	vor.u32 $0x5, v2;
	v55 =	vld.idx.msk [tilespmem:v18+s2+$0x0], $0xffff  }
0x2dd: {  	s11 =	simm.s32 $0x30;
	v16 =	vor.u32 $0x7, v2;
	v18 =	vand.u32 $0x60, v13;
	v13 =	vld.idx.msk [tilespmem:v21+s2+$0x0], $0xffff;
	v54 =	vadd.f32 v12, v52  }
0x2de: {  	v12 =	vld.idx.msk [tilespmem:v19+s2+$0x0], $0xffff;
	v19 =	vmul.u32 $0xC80, v10;
	v61 =	vadd.f32 v15, v52;
	v15 =	vmov s11  }
0x2df: {  	v57 =	vld.idx.msk [tilespmem:v23+s2+$0x0], $0xffff;
	v2 =	vadd.f32 v14, v52;
	v14 =	vadd.f32 v20, v52;
	v20 =	vmul.u32 $0xC80, v22  }
0x2e0: {  	s15 =	simm.s32 $0x4;
	s13 =	simm.s32 $0x50;
	v10 =	vld.idx.msk [tilespmem:v35+s2+$0x0], $0xffff;
	v15 =	vand.u32 $0x70, v15;
	v63 =	vadd.f32 v3, v52;
	v3 =	vimm.f32 $0.0e+00  }
.LBB2_16:
0x2e1: {  	s16 =	sadd.s32 $0xFFFFFFF0, s13  }
0x2e2: {  	s17 =	sadd.s32 $0x1, s15;
	v6 =	vadd.f32 v6, v52;
	v3 =	vadd.f32 v7, v3;
	v21 =	vld.idx.msk [tilespmem:v11+s2+$0x0], $0xffff;
	s18 =	smov.u32 s15;
	s14 =	sadd.s32 $0x2, s15  }
0x2e3: {  	p0 =	slt.u32 s15, $0xC6;
	v22 =	vadd.s32 s18, v53;
	v7 =	vadd.s32 s17, v53;
	v11 =	vadd.s32 s12, v20;
	v20 =	vld.idx.msk [tilespmem:v8+s2+$0x0], $0xffff;
	s12 =	smov.u32 s16  }
0x2e4: {  	v14 =	vadd.f32 v12, v14;
	v8 =	vand.u32 $0xFFFFFF80, v11;
	v11 =	vadd.s32 s11, v19;
	v16 =	vld.idx.msk [tilespmem:v16+s2+$0x0], $0xffff;
	s11 =	smov.u32 s13  }
0x2e5: {  	v52 =	vadd.f32 v13, v6;
	v3 =	vadd.f32 v9, v3;
	v18 =	vor.u32 v18, v8;
	v6 =	vld.idx.msk [tilespmem:v5+s2+$0x0], $0xffff  }
0x2e6: {  	v5 =	vand.u32 $0xFFFFFF80, v11;
	v9 =	vor.u32 $0x3, v18;
	v12 =	vor.u32 $0x9, v18;
	v13 =	vld.idx.msk [tilespmem:v62+s2+$0x0], $0xffff  }
0x2e7: {  	v19 =	vor.u32 $0x4, v18;
	v23 =	vor.u32 $0x6, v18;
	v15 =	vor.u32 v15, v5;
	v24 =	vld.idx.msk [tilespmem:v4+s2+$0x0], $0xffff  }
0x2e8: {  	v62 =	vor.u32 $0x2, v18;
	v11 =	vor.u32 $0x1, v15;
	v8 =	vor.u32 $0x5, v15;
	v25 =	vld.idx.msk [tilespmem:v7+s8+$0x0], $0xffff  }
0x2e9: {  	v26 =	vor.u32 $0x2, v15;
	v5 =	vor.u32 $0x9, v15;
	v7 =	vor.u32 $0x8, v18;
	v27 =	vld.idx.msk [tilespmem:v56+s2+$0x0], $0xffff;
	v56 =	vmovc v15  }
0x2ea: {  	v28 =	vor.u32 $0x1, v18;
	v15 =	vld.idx.msk [tilespmem:v18+s2+$0x0], $0xffff;
	v29 =	vor.u32 $0x3, v56;
	v30 =	vor.u32 $0x8, v56  }
0x2eb: {  	v4 =	vor.u32 $0x5, v18;
	v32 =	vor.u32 $0x4, v56;
	v31 =	vld.idx.msk [tilespmem:v12+s2+$0x0], $0xffff;
	v12 =	vor.u32 $0x7, v56  }
0x2ec: {  	v33 =	vmov s12;
	v10 =	vadd.f32 v10, v61;
	v2 =	vadd.f32 v6, v2;
	v35 =	vld.idx.msk [tilespmem:v9+s2+$0x0], $0xffff  }
0x2ed: {  	v9 =	vadd.f32 v13, v60;
	v13 =	vadd.f32 v16, v59;
	v6 =	vld.idx.msk [tilespmem:v19+s2+$0x0], $0xffff;
	v19 =	vor.u32 $0x6, v56  }
0x2ee: {  	v21 =	vadd.f32 v21, v63;
	v16 =	vadd.f32 v24, v58;
	v7 =	vld.idx.msk [tilespmem:v7+s2+$0x0], $0xffff  }
0x2ef: {  	v27 =	vadd.f32 v27, v54;
	v59 =	vadd.f32 v55, v13;
	v24 =	vld.idx.msk [tilespmem:v28+s2+$0x0], $0xffff  }
0x2f0: {  	v60 =	vadd.f32 v57, v9;
	v58 =	vadd.f32 v20, v16;
	v23 =	vld.idx.msk [tilespmem:v23+s2+$0x0], $0xffff  }
0x2f1: {  	v54 =	vadd.f32 v15, v27;
	v20 =	vld.idx.msk [tilespmem:v22+s8+$0x0], $0xffff  }
0x2f2: {  	v9 =	vld.idx.msk [tilespmem:v30+s2+$0x0], $0xffff  }
.Ltmp7:
0x2f3: {  	v55 =	vld.idx.msk [tilespmem:v12+s2+$0x0], $0xffff;
	(pc) =	sbr.rel @p0 .LBB2_16-.Ltmp7, $4  }
0x2f4: {  	v61 =	vadd.f32 v35, v10;
	v12 =	vld.idx.msk [tilespmem:v19+s2+$0x0], $0xffff  }
0x2f5: {  	v16 =	vor.u32 $0x7, v18;
	v2 =	vadd.f32 v31, v2;
	v10 =	vmov s13;
	v13 =	vld.idx.msk [tilespmem:v32+s2+$0x0], $0xffff  }
0x2f6: {  	v18 =	vand.u32 $0x60, v33;
	v15 =	vand.u32 $0x70, v10;
	v14 =	vadd.f32 v23, v14;
	v57 =	vld.idx.msk [tilespmem:v26+s2+$0x0], $0xffff  }
0x2f7: {  	s15 =	smov.u32 s14;
	s13 =	sadd.s32 $0x20, s13;
	v19 =	vmul.u32 $0xC80, v25;
	v63 =	vadd.f32 v24, v21;
	v20 =	vmul.u32 $0xC80, v20;
	v10 =	vld.idx.msk [tilespmem:v29+s2+$0x0], $0xffff  }
0x2f8: {  	_ =	sdelay $0x3  }
0x2f9: {  	v11 =	vld.idx.msk [tilespmem:v11+s2+$0x0], $0xffff;
	v20 =	vadd.s32 s12, v20  }
0x2fa: {  	v8 =	vld.idx.msk [tilespmem:v8+s2+$0x0], $0xffff;
	v20 =	vand.u32 $0xFFFFFF80, v20  }
0x2fb: {  	v16 =	vld.idx.msk [tilespmem:v16+s2+$0x0], $0xffff;
	v18 =	vor.u32 v18, v20  }
0x2fc: {  	v5 =	vld.idx.msk [tilespmem:v5+s2+$0x0], $0xffff;
	v20 =	vor.u32 $0x9, v18  }
0x2fd: {  	v22 =	vld.idx.msk [tilespmem:v62+s2+$0x0], $0xffff;
	v21 =	vor.u32 $0x3, v18  }
0x2fe: {  	v4 =	vld.idx.msk [tilespmem:v4+s2+$0x0], $0xffff;
	v23 =	vor.u32 $0x4, v18  }
0x2ff: {  	v25 =	vld.idx.msk [tilespmem:v56+s2+$0x0], $0xffff;
	v19 =	vadd.s32 s11, v19;
	v24 =	vor.u32 $0x8, v18  }
0x300: {  	v19 =	vand.u32 $0xFFFFFF80, v19;
	v27 =	vor.u32 $0x1, v18;
	v26 =	vld.idx.msk [tilespmem:v18+s2+$0x0], $0xffff  }
0x301: {  	v15 =	vor.u32 v15, v19;
	v28 =	vor.u32 $0x6, v18;
	v19 =	vld.idx.msk [tilespmem:v20+s2+$0x0], $0xffff  }
0x302: {  	v56 =	vor.u32 $0x8, v15;
	v21 =	vld.idx.msk [tilespmem:v21+s2+$0x0], $0xffff  }
0x303: {  	v29 =	vor.u32 $0x7, v15;
	v23 =	vld.idx.msk [tilespmem:v23+s2+$0x0], $0xffff  }
0x304: {  	v31 =	vor.u32 $0x4, v15;
	v24 =	vld.idx.msk [tilespmem:v24+s2+$0x0], $0xffff  }
0x305: {  	v32 =	vor.u32 $0x2, v15;
	v27 =	vld.idx.msk [tilespmem:v27+s2+$0x0], $0xffff  }
0x306: {  	v33 =	vor.u32 $0x2, v18;
	v28 =	vld.idx.msk [tilespmem:v28+s2+$0x0], $0xffff  }
0x307: {  	v6 =	vadd.f32 v6, v52;
	v20 =	vld.idx.msk [tilespmem:v56+s2+$0x0], $0xffff  }
0x308: {  	v3 =	vadd.f32 v7, v3;
	v35 =	vor.u32 $0x700, v0;
	v7 =	vor.u32 $0x1, v15;
	v29 =	vld.idx.msk [tilespmem:v29+s2+$0x0], $0xffff  }
0x309: {  	v12 =	vadd.f32 v12, v14;
	v6 =	vadd.f32 v13, v6;
	v14 =	vor.u32 $0x3, v15;
	v31 =	vld.idx.msk [tilespmem:v31+s2+$0x0], $0xffff  }
0x30a: {  	v3 =	vadd.f32 v9, v3;
	v62 =	vor.u32 $0x5, v18;
	v10 =	vadd.f32 v10, v61;
	v13 =	vld.idx.msk [tilespmem:v32+s2+$0x0], $0xffff  }
0x30b: {  	v52 =	vor.u32 $0x5, v15;
	v2 =	vadd.f32 v5, v2;
	v22 =	vadd.f32 v22, v60;
	v53 =	vld.idx.msk [tilespmem:v33+s2+$0x0], $0xffff  }
0x30c: {  	v16 =	vadd.f32 v16, v59;
	v4 =	vadd.f32 v4, v58;
	v18 =	vor.u32 $0x7, v18;
	v56 =	vld.idx.msk [tilespmem:v15+s2+$0x0], $0xffff  }
0x30d: {  	v30 =	vor.u32 $0x6, v15;
	v25 =	vadd.f32 v25, v54;
	v11 =	vadd.f32 v11, v63;
	v7 =	vld.idx.msk [tilespmem:v7+s2+$0x0], $0xffff  }
0x30e: {  	v16 =	vadd.f32 v55, v16;
	v22 =	vadd.f32 v57, v22;
	v15 =	vor.u32 $0x9, v15;
	v14 =	vld.idx.msk [tilespmem:v14+s2+$0x0], $0xffff  }
0x30f: {  	v59 =	vor.u32 $0x701, v0;
	v4 =	vadd.f32 v8, v4;
	v9 =	vld.idx.msk [tilespmem:v62+s2+$0x0], $0xffff;
	v25 =	vadd.f32 v26, v25  }
0x310: {  	v61 =	vld.idx.msk [tilespmem:v52+s2+$0x0], $0xffff;
	v62 =	vor.u32 $0x702, v0;
	v32 =	vor.u32 $0x703, v0;
	v60 =	vadd.f32 v27, v11  }
0x311: {  	v33 =	vor.u32 $0x704, v0;
	v18 =	vld.idx.msk [tilespmem:v18+s2+$0x0], $0xffff;
	v5 =	vadd.f32 v53, v22;
	v63 =	vadd.f32 v56, v25  }
0x312: {  	v30 =	vld.idx.msk [tilespmem:v30+s2+$0x0], $0xffff;
	v52 =	vor.u32 $0x705, v0;
	v10 =	vadd.f32 v21, v10;
	v7 =	vadd.f32 v7, v60  }
0x313: {  	v15 =	vld.idx.msk [tilespmem:v15+s2+$0x0], $0xffff;
	v6 =	vadd.f32 v23, v6;
	v5 =	vadd.f32 v13, v5;
	[tilespmem:v35+s9+$0x0] =	vst.idx.msk $0xffff, v63  }
0x314: {  	v4 =	vadd.f32 v9, v4;
	v53 =	vor.u32 $0x706, v0;
	v10 =	vadd.f32 v14, v10;
	[tilespmem:v59+s9+$0x0] =	vst.idx.msk $0xffff, v7  }
0x315: {  	v55 =	vor.u32 $0x707, v0;
	v54 =	vadd.f32 v28, v12;
	v6 =	vadd.f32 v31, v6;
	[tilespmem:v62+s9+$0x0] =	vst.idx.msk $0xffff, v5  }
0x316: {  	v57 =	vor.u32 $0x708, v0;
	v4 =	vadd.f32 v61, v4;
	v56 =	vadd.f32 v18, v16;
	[tilespmem:v32+s9+$0x0] =	vst.idx.msk $0xffff, v10  }
0x317: {  	v58 =	vor.u32 $0x709, v0;
	v3 =	vadd.f32 v24, v3;
	v9 =	vadd.f32 v30, v54;
	[tilespmem:v33+s9+$0x0] =	vst.idx.msk $0xffff, v6  }
0x318: {  	v2 =	vadd.f32 v19, v2;
	v60 =	vor.u32 $0x70A, v0;
	v59 =	vadd.f32 v29, v56;
	[tilespmem:v52+s9+$0x0] =	vst.idx.msk $0xffff, v4  }
0x319: {  	v3 =	vadd.f32 v20, v3;
	v61 =	vor.u32 $0x70B, v0;
	[tilespmem:v53+s9+$0x0] =	vst.idx.msk $0xffff, v9  }
0x31a: {  	v2 =	vadd.f32 v15, v2;
	v62 =	vor.u32 $0x70C, v0;
	[tilespmem:v55+s9+$0x0] =	vst.idx.msk $0xffff, v59  }
0x31b: {  	[tilespmem:v57+s9+$0x0] =	vst.idx.msk $0xffff, v3;
	v3 =	vor.u32 $0x70D, v0  }
0x31c: {  	[tilespmem:v58+s9+$0x0] =	vst.idx.msk $0xffff, v2;
	v2 =	vor.u32 $0x70E, v0  }
0x31d: {  	v63 =	vor.u32 $0x70F, v0;
	[tilespmem:v60+s9+$0x0] =	vst.idx.msk $0xffff, v51  }
0x31e: {  	[tilespmem:v61+s9+$0x0] =	vst.idx.msk $0xffff, v51  }
0x31f: {  	[tilespmem:v62+s9+$0x0] =	vst.idx.msk $0xffff, v51  }
0x320: {  	s10 =	sadd.s32 $0x1, s10;
	[tilespmem:v3+s9+$0x0] =	vst.idx.msk $0xffff, v51  }
0x321: {  	p0 =	sne.s32 s10, s6;
	[tilespmem:v2+s9+$0x0] =	vst.idx.msk $0xffff, v51  }
.Ltmp8:
0x322: {  	[tilespmem:v63+s9+$0x0] =	vst.idx.msk $0xffff, v51;
	(pc) =	sbr.rel @p0 .LBB2_1-.Ltmp8, $4  }
0x323: {  	[hbm4b:s5+s2] =	stream.linear.scatter [tilespmem:s9], [sflag:$0x1], $0x800, $0x38;
	[tilespmem:$0xAA80] =	vst v63  }
0x324: {  	_ =	swait.ge [sflag:s7], $0x800  }
0x325: {  	[sflag:s7] =	ssyncset.done $0x0  }
0x326: {  	[sflag:s7] =	ssyncadd.s32 $0xFFFFF800  }
0x327: {  	_ =	sfence.sel $0x180000  }
0x328: {  	[bflag:$0x0] =	sbarrier.arrive $0xFFFF  }
0x329: {  	p0 =	sne.s32 s0, $0x0;
	_ =	strace $0x90000047  }
0x32a: {  	s0 =	sadd.s32 @!p0 $0x100000, s1;
	[bflag:$0x2] =	sbarrier.arrive $0xFFFF  }
0x32b: {  	[sflag:s0] =	ssyncadd.tile.s32 @!p0 $0x1;
	_ =	shalt  }
.Lfunc_end2:
_tile_overlayer_lowered:
.L_overlay_start_2:
0x32c: {  	(tag) =	ssettag $0x2  }
0x32d: {  	s0 =	rddreg [dreg:$0x0];
	s2 =	stileid.u32  }
0x32e: {  	s1 =	rddreg [dreg:$0x1];
	p0 =	sne.s32 s2, $0x0  }
0x32f: {  	s3 =	rddreg [dreg:$0x2];
	[bflag:$0x3] =	sbarrier.arrive $0xFFFF;
	s2 =	simm.s32 @!p0 $0x1C01  }
0x330: {  	[timem:s3], [sflag:s2] =	dma.local @!p0 [hbm:s0], s1  }
0x331: {  	s0 =	simm.s32 @!p0 $0x1  }
0x332: {  	_ =	swait.ge @!p0 [sflag:s0], s1  }
0x333: {  	s1 =	ssub.s32 @!p0 $0x0, s1;
	[sflag:s0] =	ssyncset.done @!p0 $0x0  }
0x334: {  	[sflag:s0] =	ssyncadd.s32 @!p0 s1  }
0x335: {  	[bflag:$0x3] =	sbarrier.arrive $0xFFFF  }
0x336: {  	_ =	shalt  }

</sc_bundles>
